<compile_context>
chip_gen: v7x
topology: tpu7x:2x2x1
jax: 0.10.2.dev20260603
libtpu: 0.0.44.dev20260713+nightly
codegen_flags: <defaults>
</compile_context>

<pallas_src>
import functools

import jax
import jax.numpy as jnp
from jax import lax
from jax.experimental import pallas as pl
from jax.experimental.pallas import tpu as pltpu
from jax.experimental.pallas import tpu_sc as plsc

B = 16
L = 4096
TOKEN_DIM = 64
STRIDE = 56
NT = 73
W0 = 40
W1 = NT - W0
IN0 = (W0 - 1) * STRIDE + TOKEN_DIM
IN1 = (W1 - 1) * STRIDE + TOKEN_DIM
LANES = 16

_mesh = plsc.VectorSubcoreMesh(core_axis_name="c", subcore_axis_name="s")


@functools.partial(
    pl.kernel,
    mesh=_mesh,
    out_type=jax.ShapeDtypeStruct((B, NT, TOKEN_DIM), jnp.float32),
    scratch_types=[
        pltpu.VMEM((IN0,), jnp.float32),
        pltpu.VMEM((W0, TOKEN_DIM), jnp.float32),
    ],
)
def _tokenize_sc(in_hbm, out_hbm, in_v, out_v):
    row = lax.axis_index("s")
    half = lax.axis_index("c")

    @pl.when(half == 0)
    def _():
        in_off = pl.multiple_of(row * L, 8)
        pltpu.sync_copy(in_hbm.at[pl.ds(in_off, IN0)], in_v)
        for t in range(W0):
            for j in range(TOKEN_DIM // LANES):
                out_v[t, pl.ds(j * LANES, LANES)] = in_v[
                    pl.ds(t * STRIDE + j * LANES, LANES)
                ]
        pltpu.sync_copy(out_v, out_hbm.at[row, pl.ds(0, W0)])

    @pl.when(half == 1)
    def _():
        in_off = pl.multiple_of(row * L + W0 * STRIDE, 8)
        pltpu.sync_copy(in_hbm.at[pl.ds(in_off, IN1)], in_v.at[pl.ds(0, IN1)])
        for t in range(W1):
            for j in range(TOKEN_DIM // LANES):
                out_v[t, pl.ds(j * LANES, LANES)] = in_v[
                    pl.ds(t * STRIDE + j * LANES, LANES)
                ]
        pltpu.sync_copy(out_v.at[pl.ds(0, W1)], out_hbm.at[row, pl.ds(W0, W1)])


def kernel(inputs):
    return _tokenize_sc(inputs.reshape(B * L))

# --- scband reference (transcript-rebuilt; emitter-appended) ---
"""Pipeline reference for scband-tokenizer-47682726920800 (READ-ONLY COPY).

The authoritative reference and input builder live on the scoring server;
editing this copy changes nothing except your own understanding.
"""

import jax, jax.numpy as jnp
import numpy as np

TOKEN_DIM = 64
OVERLAP = 8
MAX_TOKENS = 18
MIN_TOKENS = 7
STRIDE = TOKEN_DIM - OVERLAP  # 56


def setup_inputs(seed: int = 0) -> dict:
    key = jax.random.key(seed)
    inputs = jax.random.normal(key, (16, 4096), dtype=jnp.float32)
    return {"inputs": inputs}


def reference(inputs):
    # Faithful translation of Tokenizer.__call__:
    # clip the sequence so that (seq_len - token_dim) is a multiple of the stride,
    # then stack overlapping windows of length token_dim with stride (token_dim - overlap).
    L = inputs.shape[1]
    token_clip_len = (L - TOKEN_DIM) % STRIDE
    seq_len = L - token_clip_len
    x = inputs[:, :seq_len]
    # num_tokens computed (and clipped to max_tokens) in the original but not applied
    # to the stacked output; we keep the stacking behavior faithful.
    num_tokens = (seq_len - TOKEN_DIM) // STRIDE + 1
    num_tokens = min(num_tokens, MAX_TOKENS)
    tokens = jnp.stack(
        [x[:, i:i + TOKEN_DIM] for i in range(0, seq_len - OVERLAP, STRIDE)],
        axis=1,
    )
    return tokens

if __name__ == "__main__":
    import jax
    _d = setup_inputs()
    print(jax.jit(kernel)(*tuple(_d.values())))

</pallas_src>

<mosaic_0001>
#map = affine_map<(d0, d1) -> (0)>
#map1 = affine_map<(d0, d1) -> (0, 0, 0)>
module attributes {stable_mosaic.version = 14 : i64} {
  func.func @_tokenize_sc(%arg0: i32, %arg1: i32, %arg2: memref<65536xf32, #tpu.memory_space<hbm>>, %arg3: memref<16x73x64xf32, #tpu.memory_space<hbm>>, %arg4: memref<2248xf32, #tpu.memory_space<vmem>>, %arg5: memref<40x64xf32, #tpu.memory_space<vmem>>) attributes {dimension_semantics = [#tpu.dimension_semantics<core_parallel>, #tpu.dimension_semantics<subcore_parallel>], iteration_bounds = array<i64: 2, 16>, scalar_prefetch = 0 : i64, scratch_operands = 2 : i64, tpu.core_type = #tpu.core_type<sc_vector_subcore>, window_params = [{transform_indices = #map}, {transform_indices = #map1}]} {
    %eq3A = arith.constant 0 : i32
    %eq3A_0 = arith.cmpi eq, %arg0, %eq3A : i32
    %convert_element_type3A = arith.extui %eq3A_0 : i1 to i32
    %cond3A = arith.constant 0 : i32
    %cond3A_1 = arith.cmpi ne, %convert_element_type3A, %cond3A : i32
    scf.if %cond3A_1 {
      %mul3A = arith.constant 4096 : i32
      %mul3A_7 = arith.muli %arg1, %mul3A : i32
      %multiple_of3A = tpu.assume_multiple %mul3A_7, 8 : i32
      "tpu.region"() ({
        %run_scoped3A = tpu.sem_alloc : memref<!tpu.dma_semaphore, #tpu.memory_space<semaphore_mem>>
        %dma_start3A = tpu.memref_slice %arg2[%multiple_of3A] : memref<65536xf32, #tpu.memory_space<hbm>> -> memref<2248xf32, #tpu.memory_space<hbm>>
        %dma_start3A_1446 = tpu.memref_slice %arg2[%multiple_of3A] : memref<65536xf32, #tpu.memory_space<hbm>> -> memref<2248xf32, #tpu.memory_space<hbm>>
        tpu.enqueue_dma source(%dma_start3A_1446 : memref<2248xf32, #tpu.memory_space<hbm>>) target(%arg4 : memref<2248xf32, #tpu.memory_space<vmem>>) target_semaphore(%run_scoped3A : memref<!tpu.dma_semaphore, #tpu.memory_space<semaphore_mem>>)
        %dma_wait3A = tpu.memref_slice %arg2[%multiple_of3A] : memref<65536xf32, #tpu.memory_space<hbm>> -> memref<2248xf32, #tpu.memory_space<hbm>>
        %dma_wait3A_1447 = tpu.memref_slice %arg2[%multiple_of3A] : memref<65536xf32, #tpu.memory_space<hbm>> -> memref<2248xf32, #tpu.memory_space<hbm>>
        tpu.wait_dma2 semaphore(%run_scoped3A : memref<!tpu.dma_semaphore, #tpu.memory_space<semaphore_mem>>) src(%dma_wait3A_1447 : memref<2248xf32, #tpu.memory_space<hbm>>) dst(%arg4 : memref<2248xf32, #tpu.memory_space<vmem>>)
        tpu.yield
      }) : () -> ()
      %get3A = arith.constant 0 : index
      %get3A_8 = tpu.vector_load %arg4[%get3A] {strides = array<i32>} : memref<2248xf32, #tpu.memory_space<vmem>>, vector<16xf32>,
      %get3A_9 = vector.shape_cast %get3A_8 : vector<16xf32> to vector<16xf32>
      %swap3A = arith.constant 0 : i32
      %swap3A_10 = arith.index_cast %swap3A : i32 to index
      %swap3A_11 = arith.constant 0 : index
      %swap3A_12 = tpu.vector_load %arg5[%swap3A_10, %swap3A_11] {strides = array<i32>} : memref<40x64xf32, #tpu.memory_space<vmem>>, vector<1x16xf32>,
      %swap3A_13 = vector.shape_cast %swap3A_12 : vector<1x16xf32> to vector<16xf32>
      %swap3A_14 = vector.shape_cast %get3A_9 : vector<16xf32> to vector<1x16xf32>
      tpu.vector_store %arg5[%swap3A_10, %swap3A_11], %swap3A_14 {strides = array<i32>} : memref<40x64xf32, #tpu.memory_space<vmem>>, vector<1x16xf32>,
      %get3A_15 = arith.constant 16 : index
      %get3A_16 = tpu.vector_load %arg4[%get3A_15] {strides = array<i32>} : memref<2248xf32, #tpu.memory_space<vmem>>, vector<16xf32>,
      %get3A_17 = vector.shape_cast %get3A_16 : vector<16xf32> to vector<16xf32>
      %swap3A_18 = arith.constant 0 : i32
      %swap3A_19 = arith.index_cast %swap3A_18 : i32 to index
      %swap3A_20 = arith.constant 16 : index
      %swap3A_21 = tpu.vector_load %arg5[%swap3A_19, %swap3A_20] {strides = array<i32>} : memref<40x64xf32, #tpu.memory_space<vmem>>, vector<1x16xf32>,
      %swap3A_22 = vector.shape_cast %swap3A_21 : vector<1x16xf32> to vector<16xf32>
      %swap3A_23 = vector.shape_cast %get3A_17 : vector<16xf32> to vector<1x16xf32>
      tpu.vector_store %arg5[%swap3A_19, %swap3A_20], %swap3A_23 {strides = array<i32>} : memref<40x64xf32, #tpu.memory_space<vmem>>, vector<1x16xf32>,
      %get3A_24 = arith.constant 32 : index
      %get3A_25 = tpu.vector_load %arg4[%get3A_24] {strides = array<i32>} : memref<2248xf32, #tpu.memory_space<vmem>>, vector<16xf32>,
      %get3A_26 = vector.shape_cast %get3A_25 : vector<16xf32> to vector<16xf32>
      %swap3A_27 = arith.constant 0 : i32
      %swap3A_28 = arith.index_cast %swap3A_27 : i32 to index
      %swap3A_29 = arith.constant 32 : index
      %swap3A_30 = tpu.vector_load %arg5[%swap3A_28, %swap3A_29] {strides = array<i32>} : memref<40x64xf32, #tpu.memory_space<vmem>>, vector<1x16xf32>,
      %swap3A_31 = vector.shape_cast %swap3A_30 : vector<1x16xf32> to vector<16xf32>
      %swap3A_32 = vector.shape_cast %get3A_26 : vector<16xf32> to vector<1x16xf32>
      tpu.vector_store %arg5[%swap3A_28, %swap3A_29], %swap3A_32 {strides = array<i32>} : memref<40x64xf32, #tpu.memory_space<vmem>>, vector<1x16xf32>,
      %get3A_33 = arith.constant 48 : index
      %get3A_34 = tpu.vector_load %arg4[%get3A_33] {strides = array<i32>} : memref<2248xf32, #tpu.memory_space<vmem>>, vector<16xf32>,
      %get3A_35 = vector.shape_cast %get3A_34 : vector<16xf32> to vector<16xf32>
      %swap3A_36 = arith.constant 0 : i32
      %swap3A_37 = arith.index_cast %swap3A_36 : i32 to index
      %swap3A_38 = arith.constant 48 : index
      %swap3A_39 = tpu.vector_load %arg5[%swap3A_37, %swap3A_38] {strides = array<i32>} : memref<40x64xf32, #tpu.memory_space<vmem>>, vector<1x16xf32>,
      %swap3A_40 = vector.shape_cast %swap3A_39 : vector<1x16xf32> to vector<16xf32>
      %swap3A_41 = vector.shape_cast %get3A_35 : vector<16xf32> to vector<1x16xf32>
      tpu.vector_store %arg5[%swap3A_37, %swap3A_38], %swap3A_41 {strides = array<i32>} : memref<40x64xf32, #tpu.memory_space<vmem>>, vector<1x16xf32>,
      %get3A_42 = arith.constant 56 : index
      %get3A_43 = tpu.vector_load %arg4[%get3A_42] {strides = array<i32>} : memref<2248xf32, #tpu.memory_space<vmem>>, vector<16xf32>,
      %get3A_44 = vector.shape_cast %get3A_43 : vector<16xf32> to vector<16xf32>
      %swap3A_45 = arith.constant 1 : i32
      %swap3A_46 = arith.index_cast %swap3A_45 : i32 to index
      %swap3A_47 = arith.constant 0 : index
      %swap3A_48 = tpu.vector_load %arg5[%swap3A_46, %swap3A_47] {strides = array<i32>} : memref<40x64xf32, #tpu.memory_space<vmem>>, vector<1x16xf32>,
      %swap3A_49 = vector.shape_cast %swap3A_48 : vector<1x16xf32> to vector<16xf32>
      %swap3A_50 = vector.shape_cast %get3A_44 : vector<16xf32> to vector<1x16xf32>
      tpu.vector_store %arg5[%swap3A_46, %swap3A_47], %swap3A_50 {strides = array<i32>} : memref<40x64xf32, #tpu.memory_space<vmem>>, vector<1x16xf32>,
      %get3A_51 = arith.constant 72 : index
      %get3A_52 = tpu.vector_load %arg4[%get3A_51] {strides = array<i32>} : memref<2248xf32, #tpu.memory_space<vmem>>, vector<16xf32>,
      %get3A_53 = vector.shape_cast %get3A_52 : vector<16xf32> to vector<16xf32>
      %swap3A_54 = arith.constant 1 : i32
      %swap3A_55 = arith.index_cast %swap3A_54 : i32 to index
      %swap3A_56 = arith.constant 16 : index
      %swap3A_57 = tpu.vector_load %arg5[%swap3A_55, %swap3A_56] {strides = array<i32>} : memref<40x64xf32, #tpu.memory_space<vmem>>, vector<1x16xf32>,
      %swap3A_58 = vector.shape_cast %swap3A_57 : vector<1x16xf32> to vector<16xf32>
      %swap3A_59 = vector.shape_cast %get3A_53 : vector<16xf32> to vector<1x16xf32>
      tpu.vector_store %arg5[%swap3A_55, %swap3A_56], %swap3A_59 {strides = array<i32>} : memref<40x64xf32, #tpu.memory_space<vmem>>, vector<1x16xf32>,
      %get3A_60 = arith.constant 88 : index
      %get3A_61 = tpu.vector_load %arg4[%get3A_60] {strides = array<i32>} : memref<2248xf32, #tpu.memory_space<vmem>>, vector<16xf32>,
      %get3A_62 = vector.shape_cast %get3A_61 : vector<16xf32> to vector<16xf32>
      %swap3A_63 = arith.constant 1 : i32
      %swap3A_64 = arith.index_cast %swap3A_63 : i32 to index
      %swap3A_65 = arith.constant 32 : index
      %swap3A_66 = tpu.vector_load %arg5[%swap3A_64, %swap3A_65] {strides = array<i32>} : memref<40x64xf32, #tpu.memory_space<vmem>>, vector<1x16xf32>,
      %swap3A_67 = vector.shape_cast %swap3A_66 : vector<1x16xf32> to vector<16xf32>
      %swap3A_68 = vector.shape_cast %get3A_62 : vector<16xf32> to vector<1x16xf32>
      tpu.vector_store %arg5[%swap3A_64, %swap3A_65], %swap3A_68 {strides = array<i32>} : memref<40x64xf32, #tpu.memory_space<vmem>>, vector<1x16xf32>,
      %get3A_69 = arith.constant 104 : index
      %get3A_70 = tpu.vector_load %arg4[%get3A_69] {strides = array<i32>} : memref<2248xf32, #tpu.memory_space<vmem>>, vector<16xf32>,
      %get3A_71 = vector.shape_cast %get3A_70 : vector<16xf32> to vector<16xf32>
      %swap3A_72 = arith.constant 1 : i32
      %swap3A_73 = arith.index_cast %swap3A_72 : i32 to index
      %swap3A_74 = arith.constant 48 : index
      %swap3A_75 = tpu.vector_load %arg5[%swap3A_73, %swap3A_74] {strides = array<i32>} : memref<40x64xf32, #tpu.memory_space<vmem>>, vector<1x16xf32>,
      %swap3A_76 = vector.shape_cast %swap3A_75 : vector<1x16xf32> to vector<16xf32>
      %swap3A_77 = vector.shape_cast %get3A_71 : vector<16xf32> to vector<1x16xf32>
      tpu.vector_store %arg5[%swap3A_73, %swap3A_74], %swap3A_77 {strides = array<i32>} : memref<40x64xf32, #tpu.memory_space<vmem>>, vector<1x16xf32>,
      %get3A_78 = arith.constant 112 : index
      %get3A_79 = tpu.vector_load %arg4[%get3A_78] {strides = array<i32>} : memref<2248xf32, #tpu.memory_space<vmem>>, vector<16xf32>,
      %get3A_80 = vector.shape_cast %get3A_79 : vector<16xf32> to vector<16xf32>
      %swap3A_81 = arith.constant 2 : i32
      %swap3A_82 = arith.index_cast %swap3A_81 : i32 to index
      %swap3A_83 = arith.constant 0 : index
      %swap3A_84 = tpu.vector_load %arg5[%swap3A_82, %swap3A_83] {strides = array<i32>} : memref<40x64xf32, #tpu.memory_space<vmem>>, vector<1x16xf32>,
      %swap3A_85 = vector.shape_cast %swap3A_84 : vector<1x16xf32> to vector<16xf32>
      %swap3A_86 = vector.shape_cast %get3A_80 : vector<16xf32> to vector<1x16xf32>
      tpu.vector_store %arg5[%swap3A_82, %swap3A_83], %swap3A_86 {strides = array<i32>} : memref<40x64xf32, #tpu.memory_space<vmem>>, vector<1x16xf32>,
      %get3A_87 = arith.constant 128 : index
      %get3A_88 = tpu.vector_load %arg4[%get3A_87] {strides = array<i32>} : memref<2248xf32, #tpu.memory_space<vmem>>, vector<16xf32>,
      %get3A_89 = vector.shape_cast %get3A_88 : vector<16xf32> to vector<16xf32>
      %swap3A_90 = arith.constant 2 : i32
      %swap3A_91 = arith.index_cast %swap3A_90 : i32 to index
      %swap3A_92 = arith.constant 16 : index
      %swap3A_93 = tpu.vector_load %arg5[%swap3A_91, %swap3A_92] {strides = array<i32>} : memref<40x64xf32, #tpu.memory_space<vmem>>, vector<1x16xf32>,
      %swap3A_94 = vector.shape_cast %swap3A_93 : vector<1x16xf32> to vector<16xf32>
      %swap3A_95 = vector.shape_cast %get3A_89 : vector<16xf32> to vector<1x16xf32>
      tpu.vector_store %arg5[%swap3A_91, %swap3A_92], %swap3A_95 {strides = array<i32>} : memref<40x64xf32, #tpu.memory_space<vmem>>, vector<1x16xf32>,
      %get3A_96 = arith.constant 144 : index
      %get3A_97 = tpu.vector_load %arg4[%get3A_96] {strides = array<i32>} : memref<2248xf32, #tpu.memory_space<vmem>>, vector<16xf32>,
      %get3A_98 = vector.shape_cast %get3A_97 : vector<16xf32> to vector<16xf32>
      %swap3A_99 = arith.constant 2 : i32
      %swap3A_100 = arith.index_cast %swap3A_99 : i32 to index
      %swap3A_101 = arith.constant 32 : index
      %swap3A_102 = tpu.vector_load %arg5[%swap3A_100, %swap3A_101] {strides = array<i32>} : memref<40x64xf32, #tpu.memory_space<vmem>>, vector<1x16xf32>,
      %swap3A_103 = vector.shape_cast %swap3A_102 : vector<1x16xf32> to vector<16xf32>
      %swap3A_104 = vector.shape_cast %get3A_98 : vector<16xf32> to vector<1x16xf32>
      tpu.vector_store %arg5[%swap3A_100, %swap3A_101], %swap3A_104 {strides = array<i32>} : memref<40x64xf32, #tpu.memory_space<vmem>>, vector<1x16xf32>,
      %get3A_105 = arith.constant 160 : index
      %get3A_106 = tpu.vector_load %arg4[%get3A_105] {strides = array<i32>} : memref<2248xf32, #tpu.memory_space<vmem>>, vector<16xf32>,
      %get3A_107 = vector.shape_cast %get3A_106 : vector<16xf32> to vector<16xf32>
      %swap3A_108 = arith.constant 2 : i32
      %swap3A_109 = arith.index_cast %swap3A_108 : i32 to index
      %swap3A_110 = arith.constant 48 : index
      %swap3A_111 = tpu.vector_load %arg5[%swap3A_109, %swap3A_110] {strides = array<i32>} : memref<40x64xf32, #tpu.memory_space<vmem>>, vector<1x16xf32>,
      %swap3A_112 = vector.shape_cast %swap3A_111 : vector<1x16xf32> to vector<16xf32>
      %swap3A_113 = vector.shape_cast %get3A_107 : vector<16xf32> to vector<1x16xf32>
      tpu.vector_store %arg5[%swap3A_109, %swap3A_110], %swap3A_113 {strides = array<i32>} : memref<40x64xf32, #tpu.memory_space<vmem>>, vector<1x16xf32>,
      %get3A_114 = arith.constant 168 : index
      %get3A_115 = tpu.vector_load %arg4[%get3A_114] {strides = array<i32>} : memref<2248xf32, #tpu.memory_space<vmem>>, vector<16xf32>,
      %get3A_116 = vector.shape_cast %get3A_115 : vector<16xf32> to vector<16xf32>
      %swap3A_117 = arith.constant 3 : i32
      %swap3A_118 = arith.index_cast %swap3A_117 : i32 to index
      %swap3A_119 = arith.constant 0 : index
      %swap3A_120 = tpu.vector_load %arg5[%swap3A_118, %swap3A_119] {strides = array<i32>} : memref<40x64xf32, #tpu.memory_space<vmem>>, vector<1x16xf32>,
      %swap3A_121 = vector.shape_cast %swap3A_120 : vector<1x16xf32> to vector<16xf32>
      %swap3A_122 = vector.shape_cast %get3A_116 : vector<16xf32> to vector<1x16xf32>
      tpu.vector_store %arg5[%swap3A_118, %swap3A_119], %swap3A_122 {strides = array<i32>} : memref<40x64xf32, #tpu.memory_space<vmem>>, vector<1x16xf32>,
      %get3A_123 = arith.constant 184 : index
      %get3A_124 = tpu.vector_load %arg4[%get3A_123] {strides = array<i32>} : memref<2248xf32, #tpu.memory_space<vmem>>, vector<16xf32>,
      %get3A_125 = vector.shape_cast %get3A_124 : vector<16xf32> to vector<16xf32>
      %swap3A_126 = arith.constant 3 : i32
      %swap3A_127 = arith.index_cast %swap3A_126 : i32 to index
      %swap3A_128 = arith.constant 16 : index
      %swap3A_129 = tpu.vector_load %arg5[%swap3A_127, %swap3A_128] {strides = array<i32>} : memref<40x64xf32, #tpu.memory_space<vmem>>, vector<1x16xf32>,
      %swap3A_130 = vector.shape_cast %swap3A_129 : vector<1x16xf32> to vector<16xf32>
      %swap3A_131 = vector.shape_cast %get3A_125 : vector<16xf32> to vector<1x16xf32>
      tpu.vector_store %arg5[%swap3A_127, %swap3A_128], %swap3A_131 {strides = array<i32>} : memref<40x64xf32, #tpu.memory_space<vmem>>, vector<1x16xf32>,
      %get3A_132 = arith.constant 200 : index
      %get3A_133 = tpu.vector_load %arg4[%get3A_132] {strides = array<i32>} : memref<2248xf32, #tpu.memory_space<vmem>>, vector<16xf32>,
      %get3A_134 = vector.shape_cast %get3A_133 : vector<16xf32> to vector<16xf32>
      %swap3A_135 = arith.constant 3 : i32
      %swap3A_136 = arith.index_cast %swap3A_135 : i32 to index
      %swap3A_137 = arith.constant 32 : index
      %swap3A_138 = tpu.vector_load %arg5[%swap3A_136, %swap3A_137] {strides = array<i32>} : memref<40x64xf32, #tpu.memory_space<vmem>>, vector<1x16xf32>,
      %swap3A_139 = vector.shape_cast %swap3A_138 : vector<1x16xf32> to vector<16xf32>
      %swap3A_140 = vector.shape_cast %get3A_134 : vector<16xf32> to vector<1x16xf32>
      tpu.vector_store %arg5[%swap3A_136, %swap3A_137], %swap3A_140 {strides = array<i32>} : memref<40x64xf32, #tpu.memory_space<vmem>>, vector<1x16xf32>,
      %get3A_141 = arith.constant 216 : index
      %get3A_142 = tpu.vector_load %arg4[%get3A_141] {strides = array<i32>} : memref<2248xf32, #tpu.memory_space<vmem>>, vector<16xf32>,
      %get3A_143 = vector.shape_cast %get3A_142 : vector<16xf32> to vector<16xf32>
      %swap3A_144 = arith.constant 3 : i32
      %swap3A_145 = arith.index_cast %swap3A_144 : i32 to index
      %swap3A_146 = arith.constant 48 : index
      %swap3A_147 = tpu.vector_load %arg5[%swap3A_145, %swap3A_146] {strides = array<i32>} : memref<40x64xf32, #tpu.memory_space<vmem>>, vector<1x16xf32>,
      %swap3A_148 = vector.shape_cast %swap3A_147 : vector<1x16xf32> to vector<16xf32>
      %swap3A_149 = vector.shape_cast %get3A_143 : vector<16xf32> to vector<1x16xf32>
      tpu.vector_store %arg5[%swap3A_145, %swap3A_146], %swap3A_149 {strides = array<i32>} : memref<40x64xf32, #tpu.memory_space<vmem>>, vector<1x16xf32>,
      %get3A_150 = arith.constant 224 : index
      %get3A_151 = tpu.vector_load %arg4[%get3A_150] {strides = array<i32>} : memref<2248xf32, #tpu.memory_space<vmem>>, vector<16xf32>,
      %get3A_152 = vector.shape_cast %get3A_151 : vector<16xf32> to vector<16xf32>
      %swap3A_153 = arith.constant 4 : i32
      %swap3A_154 = arith.index_cast %swap3A_153 : i32 to index
      %swap3A_155 = arith.constant 0 : index
      %swap3A_156 = tpu.vector_load %arg5[%swap3A_154, %swap3A_155] {strides = array<i32>} : memref<40x64xf32, #tpu.memory_space<vmem>>, vector<1x16xf32>,
      %swap3A_157 = vector.shape_cast %swap3A_156 : vector<1x16xf32> to vector<16xf32>
      %swap3A_158 = vector.shape_cast %get3A_152 : vector<16xf32> to vector<1x16xf32>
      tpu.vector_store %arg5[%swap3A_154, %swap3A_155], %swap3A_158 {strides = array<i32>} : memref<40x64xf32, #tpu.memory_space<vmem>>, vector<1x16xf32>,
      %get3A_159 = arith.constant 240 : index
      %get3A_160 = tpu.vector_load %arg4[%get3A_159] {strides = array<i32>} : memref<2248xf32, #tpu.memory_space<vmem>>, vector<16xf32>,
      %get3A_161 = vector.shape_cast %get3A_160 : vector<16xf32> to vector<16xf32>
      %swap3A_162 = arith.constant 4 : i32
      %swap3A_163 = arith.index_cast %swap3A_162 : i32 to index
      %swap3A_164 = arith.constant 16 : index
      %swap3A_165 = tpu.vector_load %arg5[%swap3A_163, %swap3A_164] {strides = array<i32>} : memref<40x64xf32, #tpu.memory_space<vmem>>, vector<1x16xf32>,
      %swap3A_166 = vector.shape_cast %swap3A_165 : vector<1x16xf32> to vector<16xf32>
      %swap3A_167 = vector.shape_cast %get3A_161 : vector<16xf32> to vector<1x16xf32>
      tpu.vector_store %arg5[%swap3A_163, %swap3A_164], %swap3A_167 {strides = array<i32>} : memref<40x64xf32, #tpu.memory_space<vmem>>, vector<1x16xf32>,
      %get3A_168 = arith.constant 256 : index
      %get3A_169 = tpu.vector_load %arg4[%get3A_168] {strides = array<i32>} : memref<2248xf32, #tpu.memory_space<vmem>>, vector<16xf32>,
      %get3A_170 = vector.shape_cast %get3A_169 : vector<16xf32> to vector<16xf32>
      %swap3A_171 = arith.constant 4 : i32
      %swap3A_172 = arith.index_cast %swap3A_171 : i32 to index
      %swap3A_173 = arith.constant 32 : index
      %swap3A_174 = tpu.vector_load %arg5[%swap3A_172, %swap3A_173] {strides = array<i32>} : memref<40x64xf32, #tpu.memory_space<vmem>>, vector<1x16xf32>,
      %swap3A_175 = vector.shape_cast %swap3A_174 : vector<1x16xf32> to vector<16xf32>
      %swap3A_176 = vector.shape_cast %get3A_170 : vector<16xf32> to vector<1x16xf32>
      tpu.vector_store %arg5[%swap3A_172, %swap3A_173], %swap3A_176 {strides = array<i32>} : memref<40x64xf32, #tpu.memory_space<vmem>>, vector<1x16xf32>,
      %get3A_177 = arith.constant 272 : index
      %get3A_178 = tpu.vector_load %arg4[%get3A_177] {strides = array<i32>} : memref<2248xf32, #tpu.memory_space<vmem>>, vector<16xf32>,
      %get3A_179 = vector.shape_cast %get3A_178 : vector<16xf32> to vector<16xf32>
      %swap3A_180 = arith.constant 4 : i32
      %swap3A_181 = arith.index_cast %swap3A_180 : i32 to index
      %swap3A_182 = arith.constant 48 : index
      %swap3A_183 = tpu.vector_load %arg5[%swap3A_181, %swap3A_182] {strides = array<i32>} : memref<40x64xf32, #tpu.memory_space<vmem>>, vector<1x16xf32>,
      %swap3A_184 = vector.shape_cast %swap3A_183 : vector<1x16xf32> to vector<16xf32>
      %swap3A_185 = vector.shape_cast %get3A_179 : vector<16xf32> to vector<1x16xf32>
      tpu.vector_store %arg5[%swap3A_181, %swap3A_182], %swap3A_185 {strides = array<i32>} : memref<40x64xf32, #tpu.memory_space<vmem>>, vector<1x16xf32>,
      %get3A_186 = arith.constant 280 : index
      %get3A_187 = tpu.vector_load %arg4[%get3A_186] {strides = array<i32>} : memref<2248xf32, #tpu.memory_space<vmem>>, vector<16xf32>,
      %get3A_188 = vector.shape_cast %get3A_187 : vector<16xf32> to vector<16xf32>
      %swap3A_189 = arith.constant 5 : i32
      %swap3A_190 = arith.index_cast %swap3A_189 : i32 to index
      %swap3A_191 = arith.constant 0 : index
      %swap3A_192 = tpu.vector_load %arg5[%swap3A_190, %swap3A_191] {strides = array<i32>} : memref<40x64xf32, #tpu.memory_space<vmem>>, vector<1x16xf32>,
      %swap3A_193 = vector.shape_cast %swap3A_192 : vector<1x16xf32> to vector<16xf32>
      %swap3A_194 = vector.shape_cast %get3A_188 : vector<16xf32> to vector<1x16xf32>
      tpu.vector_store %arg5[%swap3A_190, %swap3A_191], %swap3A_194 {strides = array<i32>} : memref<40x64xf32, #tpu.memory_space<vmem>>, vector<1x16xf32>,
      %get3A_195 = arith.constant 296 : index
      %get3A_196 = tpu.vector_load %arg4[%get3A_195] {strides = array<i32>} : memref<2248xf32, #tpu.memory_space<vmem>>, vector<16xf32>,
      %get3A_197 = vector.shape_cast %get3A_196 : vector<16xf32> to vector<16xf32>
      %swap3A_198 = arith.constant 5 : i32
      %swap3A_199 = arith.index_cast %swap3A_198 : i32 to index
      %swap3A_200 = arith.constant 16 : index
      %swap3A_201 = tpu.vector_load %arg5[%swap3A_199, %swap3A_200] {strides = array<i32>} : memref<40x64xf32, #tpu.memory_space<vmem>>, vector<1x16xf32>,
      %swap3A_202 = vector.shape_cast %swap3A_201 : vector<1x16xf32> to vector<16xf32>
      %swap3A_203 = vector.shape_cast %get3A_197 : vector<16xf32> to vector<1x16xf32>
      tpu.vector_store %arg5[%swap3A_199, %swap3A_200], %swap3A_203 {strides = array<i32>} : memref<40x64xf32, #tpu.memory_space<vmem>>, vector<1x16xf32>,
      %get3A_204 = arith.constant 312 : index
      %get3A_205 = tpu.vector_load %arg4[%get3A_204] {strides = array<i32>} : memref<2248xf32, #tpu.memory_space<vmem>>, vector<16xf32>,
      %get3A_206 = vector.shape_cast %get3A_205 : vector<16xf32> to vector<16xf32>
      %swap3A_207 = arith.constant 5 : i32
      %swap3A_208 = arith.index_cast %swap3A_207 : i32 to index
      %swap3A_209 = arith.constant 32 : index
      %swap3A_210 = tpu.vector_load %arg5[%swap3A_208, %swap3A_209] {strides = array<i32>} : memref<40x64xf32, #tpu.memory_space<vmem>>, vector<1x16xf32>,
      %swap3A_211 = vector.shape_cast %swap3A_210 : vector<1x16xf32> to vector<16xf32>
      %swap3A_212 = vector.shape_cast %get3A_206 : vector<16xf32> to vector<1x16xf32>
      tpu.vector_store %arg5[%swap3A_208, %swap3A_209], %swap3A_212 {strides = array<i32>} : memref<40x64xf32, #tpu.memory_space<vmem>>, vector<1x16xf32>,
      %get3A_213 = arith.constant 328 : index
      %get3A_214 = tpu.vector_load %arg4[%get3A_213] {strides = array<i32>} : memref<2248xf32, #tpu.memory_space<vmem>>, vector<16xf32>,
      %get3A_215 = vector.shape_cast %get3A_214 : vector<16xf32> to vector<16xf32>
      %swap3A_216 = arith.constant 5 : i32
      %swap3A_217 = arith.index_cast %swap3A_216 : i32 to index
      %swap3A_218 = arith.constant 48 : index
      %swap3A_219 = tpu.vector_load %arg5[%swap3A_217, %swap3A_218] {strides = array<i32>} : memref<40x64xf32, #tpu.memory_space<vmem>>, vector<1x16xf32>,
      %swap3A_220 = vector.shape_cast %swap3A_219 : vector<1x16xf32> to vector<16xf32>
      %swap3A_221 = vector.shape_cast %get3A_215 : vector<16xf32> to vector<1x16xf32>
      tpu.vector_store %arg5[%swap3A_217, %swap3A_218], %swap3A_221 {strides = array<i32>} : memref<40x64xf32, #tpu.memory_space<vmem>>, vector<1x16xf32>,
      %get3A_222 = arith.constant 336 : index
      %get3A_223 = tpu.vector_load %arg4[%get3A_222] {strides = array<i32>} : memref<2248xf32, #tpu.memory_space<vmem>>, vector<16xf32>,
      %get3A_224 = vector.shape_cast %get3A_223 : vector<16xf32> to vector<16xf32>
      %swap3A_225 = arith.constant 6 : i32
      %swap3A_226 = arith.index_cast %swap3A_225 : i32 to index
      %swap3A_227 = arith.constant 0 : index
      %swap3A_228 = tpu.vector_load %arg5[%swap3A_226, %swap3A_227] {strides = array<i32>} : memref<40x64xf32, #tpu.memory_space<vmem>>, vector<1x16xf32>,
      %swap3A_229 = vector.shape_cast %swap3A_228 : vector<1x16xf32> to vector<16xf32>
      %swap3A_230 = vector.shape_cast %get3A_224 : vector<16xf32> to vector<1x16xf32>
      tpu.vector_store %arg5[%swap3A_226, %swap3A_227], %swap3A_230 {strides = array<i32>} : memref<40x64xf32, #tpu.memory_space<vmem>>, vector<1x16xf32>,
      %get3A_231 = arith.constant 352 : index
      %get3A_232 = tpu.vector_load %arg4[%get3A_231] {strides = array<i32>} : memref<2248xf32, #tpu.memory_space<vmem>>, vector<16xf32>,
      %get3A_233 = vector.shape_cast %get3A_232 : vector<16xf32> to vector<16xf32>
      %swap3A_234 = arith.constant 6 : i32
      %swap3A_235 = arith.index_cast %swap3A_234 : i32 to index
      %swap3A_236 = arith.constant 16 : index
      %swap3A_237 = tpu.vector_load %arg5[%swap3A_235, %swap3A_236] {strides = array<i32>} : memref<40x64xf32, #tpu.memory_space<vmem>>, vector<1x16xf32>,
      %swap3A_238 = vector.shape_cast %swap3A_237 : vector<1x16xf32> to vector<16xf32>
      %swap3A_239 = vector.shape_cast %get3A_233 : vector<16xf32> to vector<1x16xf32>
      tpu.vector_store %arg5[%swap3A_235, %swap3A_236], %swap3A_239 {strides = array<i32>} : memref<40x64xf32, #tpu.memory_space<vmem>>, vector<1x16xf32>,
      %get3A_240 = arith.constant 368 : index
      %get3A_241 = tpu.vector_load %arg4[%get3A_240] {strides = array<i32>} : memref<2248xf32, #tpu.memory_space<vmem>>, vector<16xf32>,
      %get3A_242 = vector.shape_cast %get3A_241 : vector<16xf32> to vector<16xf32>
      %swap3A_243 = arith.constant 6 : i32
      %swap3A_244 = arith.index_cast %swap3A_243 : i32 to index
      %swap3A_245 = arith.constant 32 : index
      %swap3A_246 = tpu.vector_load %arg5[%swap3A_244, %swap3A_245] {strides = array<i32>} : memref<40x64xf32, #tpu.memory_space<vmem>>, vector<1x16xf32>,
      %swap3A_247 = vector.shape_cast %swap3A_246 : vector<1x16xf32> to vector<16xf32>
      %swap3A_248 = vector.shape_cast %get3A_242 : vector<16xf32> to vector<1x16xf32>
      tpu.vector_store %arg5[%swap3A_244, %swap3A_245], %swap3A_248 {strides = array<i32>} : memref<40x64xf32, #tpu.memory_space<vmem>>, vector<1x16xf32>,
      %get3A_249 = arith.constant 384 : index
      %get3A_250 = tpu.vector_load %arg4[%get3A_249] {strides = array<i32>} : memref<2248xf32, #tpu.memory_space<vmem>>, vector<16xf32>,
      %get3A_251 = vector.shape_cast %get3A_250 : vector<16xf32> to vector<16xf32>
      %swap3A_252 = arith.constant 6 : i32
      %swap3A_253 = arith.index_cast %swap3A_252 : i32 to index
      %swap3A_254 = arith.constant 48 : index
      %swap3A_255 = tpu.vector_load %arg5[%swap3A_253, %swap3A_254] {strides = array<i32>} : memref<40x64xf32, #tpu.memory_space<vmem>>, vector<1x16xf32>,
      %swap3A_256 = vector.shape_cast %swap3A_255 : vector<1x16xf32> to vector<16xf32>
      %swap3A_257 = vector.shape_cast %get3A_251 : vector<16xf32> to vector<1x16xf32>
      tpu.vector_store %arg5[%swap3A_253, %swap3A_254], %swap3A_257 {strides = array<i32>} : memref<40x64xf32, #tpu.memory_space<vmem>>, vector<1x16xf32>,
      %get3A_258 = arith.constant 392 : index
      %get3A_259 = tpu.vector_load %arg4[%get3A_258] {strides = array<i32>} : memref<2248xf32, #tpu.memory_space<vmem>>, vector<16xf32>,
      %get3A_260 = vector.shape_cast %get3A_259 : vector<16xf32> to vector<16xf32>
      %swap3A_261 = arith.constant 7 : i32
      %swap3A_262 = arith.index_cast %swap3A_261 : i32 to index
      %swap3A_263 = arith.constant 0 : index
      %swap3A_264 = tpu.vector_load %arg5[%swap3A_262, %swap3A_263] {strides = array<i32>} : memref<40x64xf32, #tpu.memory_space<vmem>>, vector<1x16xf32>,
      %swap3A_265 = vector.shape_cast %swap3A_264 : vector<1x16xf32> to vector<16xf32>
      %swap3A_266 = vector.shape_cast %get3A_260 : vector<16xf32> to vector<1x16xf32>
      tpu.vector_store %arg5[%swap3A_262, %swap3A_263], %swap3A_266 {strides = array<i32>} : memref<40x64xf32, #tpu.memory_space<vmem>>, vector<1x16xf32>,
      %get3A_267 = arith.constant 408 : index
      %get3A_268 = tpu.vector_load %arg4[%get3A_267] {strides = array<i32>} : memref<2248xf32, #tpu.memory_space<vmem>>, vector<16xf32>,
      %get3A_269 = vector.shape_cast %get3A_268 : vector<16xf32> to vector<16xf32>
      %swap3A_270 = arith.constant 7 : i32
      %swap3A_271 = arith.index_cast %swap3A_270 : i32 to index
      %swap3A_272 = arith.constant 16 : index
      %swap3A_273 = tpu.vector_load %arg5[%swap3A_271, %swap3A_272] {strides = array<i32>} : memref<40x64xf32, #tpu.memory_space<vmem>>, vector<1x16xf32>,
      %swap3A_274 = vector.shape_cast %swap3A_273 : vector<1x16xf32> to vector<16xf32>
      %swap3A_275 = vector.shape_cast %get3A_269 : vector<16xf32> to vector<1x16xf32>
      tpu.vector_store %arg5[%swap3A_271, %swap3A_272], %swap3A_275 {strides = array<i32>} : memref<40x64xf32, #tpu.memory_space<vmem>>, vector<1x16xf32>,
      %get3A_276 = arith.constant 424 : index
      %get3A_277 = tpu.vector_load %arg4[%get3A_276] {strides = array<i32>} : memref<2248xf32, #tpu.memory_space<vmem>>, vector<16xf32>,
      %get3A_278 = vector.shape_cast %get3A_277 : vector<16xf32> to vector<16xf32>
      %swap3A_279 = arith.constant 7 : i32
      %swap3A_280 = arith.index_cast %swap3A_279 : i32 to index
      %swap3A_281 = arith.constant 32 : index
      %swap3A_282 = tpu.vector_load %arg5[%swap3A_280, %swap3A_281] {strides = array<i32>} : memref<40x64xf32, #tpu.memory_space<vmem>>, vector<1x16xf32>,
      %swap3A_283 = vector.shape_cast %swap3A_282 : vector<1x16xf32> to vector<16xf32>
      %swap3A_284 = vector.shape_cast %get3A_278 : vector<16xf32> to vector<1x16xf32>
      tpu.vector_store %arg5[%swap3A_280, %swap3A_281], %swap3A_284 {strides = array<i32>} : memref<40x64xf32, #tpu.memory_space<vmem>>, vector<1x16xf32>,
      %get3A_285 = arith.constant 440 : index
      %get3A_286 = tpu.vector_load %arg4[%get3A_285] {strides = array<i32>} : memref<2248xf32, #tpu.memory_space<vmem>>, vector<16xf32>,
      %get3A_287 = vector.shape_cast %get3A_286 : vector<16xf32> to vector<16xf32>
      %swap3A_288 = arith.constant 7 : i32
      %swap3A_289 = arith.index_cast %swap3A_288 : i32 to index
      %swap3A_290 = arith.constant 48 : index
      %swap3A_291 = tpu.vector_load %arg5[%swap3A_289, %swap3A_290] {strides = array<i32>} : memref<40x64xf32, #tpu.memory_space<vmem>>, vector<1x16xf32>,
      %swap3A_292 = vector.shape_cast %swap3A_291 : vector<1x16xf32> to vector<16xf32>
      %swap3A_293 = vector.shape_cast %get3A_287 : vector<16xf32> to vector<1x16xf32>
      tpu.vector_store %arg5[%swap3A_289, %swap3A_290], %swap3A_293 {strides = array<i32>} : memref<40x64xf32, #tpu.memory_space<vmem>>, vector<1x16xf32>,
      %get3A_294 = arith.constant 448 : index
      %get3A_295 = tpu.vector_load %arg4[%get3A_294] {strides = array<i32>} : memref<2248xf32, #tpu.memory_space<vmem>>, vector<16xf32>,
      %get3A_296 = vector.shape_cast %get3A_295 : vector<16xf32> to vector<16xf32>
      %swap3A_297 = arith.constant 8 : i32
      %swap3A_298 = arith.index_cast %swap3A_297 : i32 to index
      %swap3A_299 = arith.constant 0 : index
      %swap3A_300 = tpu.vector_load %arg5[%swap3A_298, %swap3A_299] {strides = array<i32>} : memref<40x64xf32, #tpu.memory_space<vmem>>, vector<1x16xf32>,
      %swap3A_301 = vector.shape_cast %swap3A_300 : vector<1x16xf32> to vector<16xf32>
      %swap3A_302 = vector.shape_cast %get3A_296 : vector<16xf32> to vector<1x16xf32>
      tpu.vector_store %arg5[%swap3A_298, %swap3A_299], %swap3A_302 {strides = array<i32>} : memref<40x64xf32, #tpu.memory_space<vmem>>, vector<1x16xf32>,
      %get3A_303 = arith.constant 464 : index
      %get3A_304 = tpu.vector_load %arg4[%get3A_303] {strides = array<i32>} : memref<2248xf32, #tpu.memory_space<vmem>>, vector<16xf32>,
      %get3A_305 = vector.shape_cast %get3A_304 : vector<16xf32> to vector<16xf32>
      %swap3A_306 = arith.constant 8 : i32
      %swap3A_307 = arith.index_cast %swap3A_306 : i32 to index
      %swap3A_308 = arith.constant 16 : index
      %swap3A_309 = tpu.vector_load %arg5[%swap3A_307, %swap3A_308] {strides = array<i32>} : memref<40x64xf32, #tpu.memory_space<vmem>>, vector<1x16xf32>,
      %swap3A_310 = vector.shape_cast %swap3A_309 : vector<1x16xf32> to vector<16xf32>
      %swap3A_311 = vector.shape_cast %get3A_305 : vector<16xf32> to vector<1x16xf32>
      tpu.vector_store %arg5[%swap3A_307, %swap3A_308], %swap3A_311 {strides = array<i32>} : memref<40x64xf32, #tpu.memory_space<vmem>>, vector<1x16xf32>,
      %get3A_312 = arith.constant 480 : index
      %get3A_313 = tpu.vector_load %arg4[%get3A_312] {strides = array<i32>} : memref<2248xf32, #tpu.memory_space<vmem>>, vector<16xf32>,
      %get3A_314 = vector.shape_cast %get3A_313 : vector<16xf32> to vector<16xf32>
      %swap3A_315 = arith.constant 8 : i32
      %swap3A_316 = arith.index_cast %swap3A_315 : i32 to index
      %swap3A_317 = arith.constant 32 : index
      %swap3A_318 = tpu.vector_load %arg5[%swap3A_316, %swap3A_317] {strides = array<i32>} : memref<40x64xf32, #tpu.memory_space<vmem>>, vector<1x16xf32>,
      %swap3A_319 = vector.shape_cast %swap3A_318 : vector<1x16xf32> to vector<16xf32>
      %swap3A_320 = vector.shape_cast %get3A_314 : vector<16xf32> to vector<1x16xf32>
      tpu.vector_store %arg5[%swap3A_316, %swap3A_317], %swap3A_320 {strides = array<i32>} : memref<40x64xf32, #tpu.memory_space<vmem>>, vector<1x16xf32>,
      %get3A_321 = arith.constant 496 : index
      %get3A_322 = tpu.vector_load %arg4[%get3A_321] {strides = array<i32>} : memref<2248xf32, #tpu.memory_space<vmem>>, vector<16xf32>,
      %get3A_323 = vector.shape_cast %get3A_322 : vector<16xf32> to vector<16xf32>
      %swap3A_324 = arith.constant 8 : i32
      %swap3A_325 = arith.index_cast %swap3A_324 : i32 to index
      %swap3A_326 = arith.constant 48 : index
      %swap3A_327 = tpu.vector_load %arg5[%swap3A_325, %swap3A_326] {strides = array<i32>} : memref<40x64xf32, #tpu.memory_space<vmem>>, vector<1x16xf32>,
      %swap3A_328 = vector.shape_cast %swap3A_327 : vector<1x16xf32> to vector<16xf32>
      %swap3A_329 = vector.shape_cast %get3A_323 : vector<16xf32> to vector<1x16xf32>
      tpu.vector_store %arg5[%swap3A_325, %swap3A_326], %swap3A_329 {strides = array<i32>} : memref<40x64xf32, #tpu.memory_space<vmem>>, vector<1x16xf32>,
      %get3A_330 = arith.constant 504 : index
      %get3A_331 = tpu.vector_load %arg4[%get3A_330] {strides = array<i32>} : memref<2248xf32, #tpu.memory_space<vmem>>, vector<16xf32>,
      %get3A_332 = vector.shape_cast %get3A_331 : vector<16xf32> to vector<16xf32>
      %swap3A_333 = arith.constant 9 : i32
      %swap3A_334 = arith.index_cast %swap3A_333 : i32 to index
      %swap3A_335 = arith.constant 0 : index
      %swap3A_336 = tpu.vector_load %arg5[%swap3A_334, %swap3A_335] {strides = array<i32>} : memref<40x64xf32, #tpu.memory_space<vmem>>, vector<1x16xf32>,
      %swap3A_337 = vector.shape_cast %swap3A_336 : vector<1x16xf32> to vector<16xf32>
      %swap3A_338 = vector.shape_cast %get3A_332 : vector<16xf32> to vector<1x16xf32>
      tpu.vector_store %arg5[%swap3A_334, %swap3A_335], %swap3A_338 {strides = array<i32>} : memref<40x64xf32, #tpu.memory_space<vmem>>, vector<1x16xf32>,
      %get3A_339 = arith.constant 520 : index
      %get3A_340 = tpu.vector_load %arg4[%get3A_339] {strides = array<i32>} : memref<2248xf32, #tpu.memory_space<vmem>>, vector<16xf32>,
      %get3A_341 = vector.shape_cast %get3A_340 : vector<16xf32> to vector<16xf32>
      %swap3A_342 = arith.constant 9 : i32
      %swap3A_343 = arith.index_cast %swap3A_342 : i32 to index
      %swap3A_344 = arith.constant 16 : index
      %swap3A_345 = tpu.vector_load %arg5[%swap3A_343, %swap3A_344] {strides = array<i32>} : memref<40x64xf32, #tpu.memory_space<vmem>>, vector<1x16xf32>,
      %swap3A_346 = vector.shape_cast %swap3A_345 : vector<1x16xf32> to vector<16xf32>
      %swap3A_347 = vector.shape_cast %get3A_341 : vector<16xf32> to vector<1x16xf32>
      tpu.vector_store %arg5[%swap3A_343, %swap3A_344], %swap3A_347 {strides = array<i32>} : memref<40x64xf32, #tpu.memory_space<vmem>>, vector<1x16xf32>,
      %get3A_348 = arith.constant 536 : index
      %get3A_349 = tpu.vector_load %arg4[%get3A_348] {strides = array<i32>} : memref<2248xf32, #tpu.memory_space<vmem>>, vector<16xf32>,
      %get3A_350 = vector.shape_cast %get3A_349 : vector<16xf32> to vector<16xf32>
      %swap3A_351 = arith.constant 9 : i32
      %swap3A_352 = arith.index_cast %swap3A_351 : i32 to index
      %swap3A_353 = arith.constant 32 : index
      %swap3A_354 = tpu.vector_load %arg5[%swap3A_352, %swap3A_353] {strides = array<i32>} : memref<40x64xf32, #tpu.memory_space<vmem>>, vector<1x16xf32>,
      %swap3A_355 = vector.shape_cast %swap3A_354 : vector<1x16xf32> to vector<16xf32>
      %swap3A_356 = vector.shape_cast %get3A_350 : vector<16xf32> to vector<1x16xf32>
      tpu.vector_store %arg5[%swap3A_352, %swap3A_353], %swap3A_356 {strides = array<i32>} : memref<40x64xf32, #tpu.memory_space<vmem>>, vector<1x16xf32>,
      %get3A_357 = arith.constant 552 : index
      %get3A_358 = tpu.vector_load %arg4[%get3A_357] {strides = array<i32>} : memref<2248xf32, #tpu.memory_space<vmem>>, vector<16xf32>,
      %get3A_359 = vector.shape_cast %get3A_358 : vector<16xf32> to vector<16xf32>
      %swap3A_360 = arith.constant 9 : i32
      %swap3A_361 = arith.index_cast %swap3A_360 : i32 to index
      %swap3A_362 = arith.constant 48 : index
      %swap3A_363 = tpu.vector_load %arg5[%swap3A_361, %swap3A_362] {strides = array<i32>} : memref<40x64xf32, #tpu.memory_space<vmem>>, vector<1x16xf32>,
      %swap3A_364 = vector.shape_cast %swap3A_363 : vector<1x16xf32> to vector<16xf32>
      %swap3A_365 = vector.shape_cast %get3A_359 : vector<16xf32> to vector<1x16xf32>
      tpu.vector_store %arg5[%swap3A_361, %swap3A_362], %swap3A_365 {strides = array<i32>} : memref<40x64xf32, #tpu.memory_space<vmem>>, vector<1x16xf32>,
      %get3A_366 = arith.constant 560 : index
      %get3A_367 = tpu.vector_load %arg4[%get3A_366] {strides = array<i32>} : memref<2248xf32, #tpu.memory_space<vmem>>, vector<16xf32>,
      %get3A_368 = vector.shape_cast %get3A_367 : vector<16xf32> to vector<16xf32>
      %swap3A_369 = arith.constant 10 : i32
      %swap3A_370 = arith.index_cast %swap3A_369 : i32 to index
      %swap3A_371 = arith.constant 0 : index
      %swap3A_372 = tpu.vector_load %arg5[%swap3A_370, %swap3A_371] {strides = array<i32>} : memref<40x64xf32, #tpu.memory_space<vmem>>, vector<1x16xf32>,
      %swap3A_373 = vector.shape_cast %swap3A_372 : vector<1x16xf32> to vector<16xf32>
      %swap3A_374 = vector.shape_cast %get3A_368 : vector<16xf32> to vector<1x16xf32>
      tpu.vector_store %arg5[%swap3A_370, %swap3A_371], %swap3A_374 {strides = array<i32>} : memref<40x64xf32, #tpu.memory_space<vmem>>, vector<1x16xf32>,
      %get3A_375 = arith.constant 576 : index
      %get3A_376 = tpu.vector_load %arg4[%get3A_375] {strides = array<i32>} : memref<2248xf32, #tpu.memory_space<vmem>>, vector<16xf32>,
      %get3A_377 = vector.shape_cast %get3A_376 : vector<16xf32> to vector<16xf32>
      %swap3A_378 = arith.constant 10 : i32
      %swap3A_379 = arith.index_cast %swap3A_378 : i32 to index
      %swap3A_380 = arith.constant 16 : index
      %swap3A_381 = tpu.vector_load %arg5[%swap3A_379, %swap3A_380] {strides = array<i32>} : memref<40x64xf32, #tpu.memory_space<vmem>>, vector<1x16xf32>,
      %swap3A_382 = vector.shape_cast %swap3A_381 : vector<1x16xf32> to vector<16xf32>
      %swap3A_383 = vector.shape_cast %get3A_377 : vector<16xf32> to vector<1x16xf32>
      tpu.vector_store %arg5[%swap3A_379, %swap3A_380], %swap3A_383 {strides = array<i32>} : memref<40x64xf32, #tpu.memory_space<vmem>>, vector<1x16xf32>,
      %get3A_384 = arith.constant 592 : index
      %get3A_385 = tpu.vector_load %arg4[%get3A_384] {strides = array<i32>} : memref<2248xf32, #tpu.memory_space<vmem>>, vector<16xf32>,
      %get3A_386 = vector.shape_cast %get3A_385 : vector<16xf32> to vector<16xf32>
      %swap3A_387 = arith.constant 10 : i32
      %swap3A_388 = arith.index_cast %swap3A_387 : i32 to index
      %swap3A_389 = arith.constant 32 : index
      %swap3A_390 = tpu.vector_load %arg5[%swap3A_388, %swap3A_389] {strides = array<i32>} : memref<40x64xf32, #tpu.memory_space<vmem>>, vector<1x16xf32>,
      %swap3A_391 = vector.shape_cast %swap3A_390 : vector<1x16xf32> to vector<16xf32>
      %swap3A_392 = vector.shape_cast %get3A_386 : vector<16xf32> to vector<1x16xf32>
      tpu.vector_store %arg5[%swap3A_388, %swap3A_389], %swap3A_392 {strides = array<i32>} : memref<40x64xf32, #tpu.memory_space<vmem>>, vector<1x16xf32>,
      %get3A_393 = arith.constant 608 : index
      %get3A_394 = tpu.vector_load %arg4[%get3A_393] {strides = array<i32>} : memref<2248xf32, #tpu.memory_space<vmem>>, vector<16xf32>,
      %get3A_395 = vector.shape_cast %get3A_394 : vector<16xf32> to vector<16xf32>
      %swap3A_396 = arith.constant 10 : i32
      %swap3A_397 = arith.index_cast %swap3A_396 : i32 to index
      %swap3A_398 = arith.constant 48 : index
      %swap3A_399 = tpu.vector_load %arg5[%swap3A_397, %swap3A_398] {strides = array<i32>} : memref<40x64xf32, #tpu.memory_space<vmem>>, vector<1x16xf32>,
      %swap3A_400 = vector.shape_cast %swap3A_399 : vector<1x16xf32> to vector<16xf32>
      %swap3A_401 = vector.shape_cast %get3A_395 : vector<16xf32> to vector<1x16xf32>
      tpu.vector_store %arg5[%swap3A_397, %swap3A_398], %swap3A_401 {strides = array<i32>} : memref<40x64xf32, #tpu.memory_space<vmem>>, vector<1x16xf32>,
      %get3A_402 = arith.constant 616 : index
      %get3A_403 = tpu.vector_load %arg4[%get3A_402] {strides = array<i32>} : memref<2248xf32, #tpu.memory_space<vmem>>, vector<16xf32>,
      %get3A_404 = vector.shape_cast %get3A_403 : vector<16xf32> to vector<16xf32>
      %swap3A_405 = arith.constant 11 : i32
      %swap3A_406 = arith.index_cast %swap3A_405 : i32 to index
      %swap3A_407 = arith.constant 0 : index
      %swap3A_408 = tpu.vector_load %arg5[%swap3A_406, %swap3A_407] {strides = array<i32>} : memref<40x64xf32, #tpu.memory_space<vmem>>, vector<1x16xf32>,
      %swap3A_409 = vector.shape_cast %swap3A_408 : vector<1x16xf32> to vector<16xf32>
      %swap3A_410 = vector.shape_cast %get3A_404 : vector<16xf32> to vector<1x16xf32>
      tpu.vector_store %arg5[%swap3A_406, %swap3A_407], %swap3A_410 {strides = array<i32>} : memref<40x64xf32, #tpu.memory_space<vmem>>, vector<1x16xf32>,
      %get3A_411 = arith.constant 632 : index
      %get3A_412 = tpu.vector_load %arg4[%get3A_411] {strides = array<i32>} : memref<2248xf32, #tpu.memory_space<vmem>>, vector<16xf32>,
      %get3A_413 = vector.shape_cast %get3A_412 : vector<16xf32> to vector<16xf32>
      %swap3A_414 = arith.constant 11 : i32
      %swap3A_415 = arith.index_cast %swap3A_414 : i32 to index
      %swap3A_416 = arith.constant 16 : index
      %swap3A_417 = tpu.vector_load %arg5[%swap3A_415, %swap3A_416] {strides = array<i32>} : memref<40x64xf32, #tpu.memory_space<vmem>>, vector<1x16xf32>,
      %swap3A_418 = vector.shape_cast %swap3A_417 : vector<1x16xf32> to vector<16xf32>
      %swap3A_419 = vector.shape_cast %get3A_413 : vector<16xf32> to vector<1x16xf32>
      tpu.vector_store %arg5[%swap3A_415, %swap3A_416], %swap3A_419 {strides = array<i32>} : memref<40x64xf32, #tpu.memory_space<vmem>>, vector<1x16xf32>,
      %get3A_420 = arith.constant 648 : index
      %get3A_421 = tpu.vector_load %arg4[%get3A_420] {strides = array<i32>} : memref<2248xf32, #tpu.memory_space<vmem>>, vector<16xf32>,
      %get3A_422 = vector.shape_cast %get3A_421 : vector<16xf32> to vector<16xf32>
      %swap3A_423 = arith.constant 11 : i32
      %swap3A_424 = arith.index_cast %swap3A_423 : i32 to index
      %swap3A_425 = arith.constant 32 : index
      %swap3A_426 = tpu.vector_load %arg5[%swap3A_424, %swap3A_425] {strides = array<i32>} : memref<40x64xf32, #tpu.memory_space<vmem>>, vector<1x16xf32>,
      %swap3A_427 = vector.shape_cast %swap3A_426 : vector<1x16xf32> to vector<16xf32>
      %swap3A_428 = vector.shape_cast %get3A_422 : vector<16xf32> to vector<1x16xf32>
      tpu.vector_store %arg5[%swap3A_424, %swap3A_425], %swap3A_428 {strides = array<i32>} : memref<40x64xf32, #tpu.memory_space<vmem>>, vector<1x16xf32>,
      %get3A_429 = arith.constant 664 : index
      %get3A_430 = tpu.vector_load %arg4[%get3A_429] {strides = array<i32>} : memref<2248xf32, #tpu.memory_space<vmem>>, vector<16xf32>,
      %get3A_431 = vector.shape_cast %get3A_430 : vector<16xf32> to vector<16xf32>
      %swap3A_432 = arith.constant 11 : i32
      %swap3A_433 = arith.index_cast %swap3A_432 : i32 to index
      %swap3A_434 = arith.constant 48 : index
      %swap3A_435 = tpu.vector_load %arg5[%swap3A_433, %swap3A_434] {strides = array<i32>} : memref<40x64xf32, #tpu.memory_space<vmem>>, vector<1x16xf32>,
      %swap3A_436 = vector.shape_cast %swap3A_435 : vector<1x16xf32> to vector<16xf32>
      %swap3A_437 = vector.shape_cast %get3A_431 : vector<16xf32> to vector<1x16xf32>
      tpu.vector_store %arg5[%swap3A_433, %swap3A_434], %swap3A_437 {strides = array<i32>} : memref<40x64xf32, #tpu.memory_space<vmem>>, vector<1x16xf32>,
      %get3A_438 = arith.constant 672 : index
      %get3A_439 = tpu.vector_load %arg4[%get3A_438] {strides = array<i32>} : memref<2248xf32, #tpu.memory_space<vmem>>, vector<16xf32>,
      %get3A_440 = vector.shape_cast %get3A_439 : vector<16xf32> to vector<16xf32>
      %swap3A_441 = arith.constant 12 : i32
      %swap3A_442 = arith.index_cast %swap3A_441 : i32 to index
      %swap3A_443 = arith.constant 0 : index
      %swap3A_444 = tpu.vector_load %arg5[%swap3A_442, %swap3A_443] {strides = array<i32>} : memref<40x64xf32, #tpu.memory_space<vmem>>, vector<1x16xf32>,
      %swap3A_445 = vector.shape_cast %swap3A_444 : vector<1x16xf32> to vector<16xf32>
      %swap3A_446 = vector.shape_cast %get3A_440 : vector<16xf32> to vector<1x16xf32>
      tpu.vector_store %arg5[%swap3A_442, %swap3A_443], %swap3A_446 {strides = array<i32>} : memref<40x64xf32, #tpu.memory_space<vmem>>, vector<1x16xf32>,
      %get3A_447 = arith.constant 688 : index
      %get3A_448 = tpu.vector_load %arg4[%get3A_447] {strides = array<i32>} : memref<2248xf32, #tpu.memory_space<vmem>>, vector<16xf32>,
      %get3A_449 = vector.shape_cast %get3A_448 : vector<16xf32> to vector<16xf32>
      %swap3A_450 = arith.constant 12 : i32
      %swap3A_451 = arith.index_cast %swap3A_450 : i32 to index
      %swap3A_452 = arith.constant 16 : index
      %swap3A_453 = tpu.vector_load %arg5[%swap3A_451, %swap3A_452] {strides = array<i32>} : memref<40x64xf32, #tpu.memory_space<vmem>>, vector<1x16xf32>,
      %swap3A_454 = vector.shape_cast %swap3A_453 : vector<1x16xf32> to vector<16xf32>
      %swap3A_455 = vector.shape_cast %get3A_449 : vector<16xf32> to vector<1x16xf32>
      tpu.vector_store %arg5[%swap3A_451, %swap3A_452], %swap3A_455 {strides = array<i32>} : memref<40x64xf32, #tpu.memory_space<vmem>>, vector<1x16xf32>,
      %get3A_456 = arith.constant 704 : index
      %get3A_457 = tpu.vector_load %arg4[%get3A_456] {strides = array<i32>} : memref<2248xf32, #tpu.memory_space<vmem>>, vector<16xf32>,
      %get3A_458 = vector.shape_cast %get3A_457 : vector<16xf32> to vector<16xf32>
      %swap3A_459 = arith.constant 12 : i32
      %swap3A_460 = arith.index_cast %swap3A_459 : i32 to index
      %swap3A_461 = arith.constant 32 : index
      %swap3A_462 = tpu.vector_load %arg5[%swap3A_460, %swap3A_461] {strides = array<i32>} : memref<40x64xf32, #tpu.memory_space<vmem>>, vector<1x16xf32>,
      %swap3A_463 = vector.shape_cast %swap3A_462 : vector<1x16xf32> to vector<16xf32>
      %swap3A_464 = vector.shape_cast %get3A_458 : vector<16xf32> to vector<1x16xf32>
      tpu.vector_store %arg5[%swap3A_460, %swap3A_461], %swap3A_464 {strides = array<i32>} : memref<40x64xf32, #tpu.memory_space<vmem>>, vector<1x16xf32>,
      %get3A_465 = arith.constant 720 : index
      %get3A_466 = tpu.vector_load %arg4[%get3A_465] {strides = array<i32>} : memref<2248xf32, #tpu.memory_space<vmem>>, vector<16xf32>,
      %get3A_467 = vector.shape_cast %get3A_466 : vector<16xf32> to vector<16xf32>
      %swap3A_468 = arith.constant 12 : i32
      %swap3A_469 = arith.index_cast %swap3A_468 : i32 to index
      %swap3A_470 = arith.constant 48 : index
      %swap3A_471 = tpu.vector_load %arg5[%swap3A_469, %swap3A_470] {strides = array<i32>} : memref<40x64xf32, #tpu.memory_space<vmem>>, vector<1x16xf32>,
      %swap3A_472 = vector.shape_cast %swap3A_471 : vector<1x16xf32> to vector<16xf32>
      %swap3A_473 = vector.shape_cast %get3A_467 : vector<16xf32> to vector<1x16xf32>
      tpu.vector_store %arg5[%swap3A_469, %swap3A_470], %swap3A_473 {strides = array<i32>} : memref<40x64xf32, #tpu.memory_space<vmem>>, vector<1x16xf32>,
      %get3A_474 = arith.constant 728 : index
      %get3A_475 = tpu.vector_load %arg4[%get3A_474] {strides = array<i32>} : memref<2248xf32, #tpu.memory_space<vmem>>, vector<16xf32>,
      %get3A_476 = vector.shape_cast %get3A_475 : vector<16xf32> to vector<16xf32>
      %swap3A_477 = arith.constant 13 : i32
      %swap3A_478 = arith.index_cast %swap3A_477 : i32 to index
      %swap3A_479 = arith.constant 0 : index
      %swap3A_480 = tpu.vector_load %arg5[%swap3A_478, %swap3A_479] {strides = array<i32>} : memref<40x64xf32, #tpu.memory_space<vmem>>, vector<1x16xf32>,
      %swap3A_481 = vector.shape_cast %swap3A_480 : vector<1x16xf32> to vector<16xf32>
      %swap3A_482 = vector.shape_cast %get3A_476 : vector<16xf32> to vector<1x16xf32>
      tpu.vector_store %arg5[%swap3A_478, %swap3A_479], %swap3A_482 {strides = array<i32>} : memref<40x64xf32, #tpu.memory_space<vmem>>, vector<1x16xf32>,
      %get3A_483 = arith.constant 744 : index
      %get3A_484 = tpu.vector_load %arg4[%get3A_483] {strides = array<i32>} : memref<2248xf32, #tpu.memory_space<vmem>>, vector<16xf32>,
      %get3A_485 = vector.shape_cast %get3A_484 : vector<16xf32> to vector<16xf32>
      %swap3A_486 = arith.constant 13 : i32
      %swap3A_487 = arith.index_cast %swap3A_486 : i32 to index
      %swap3A_488 = arith.constant 16 : index
      %swap3A_489 = tpu.vector_load %arg5[%swap3A_487, %swap3A_488] {strides = array<i32>} : memref<40x64xf32, #tpu.memory_space<vmem>>, vector<1x16xf32>,
      %swap3A_490 = vector.shape_cast %swap3A_489 : vector<1x16xf32> to vector<16xf32>
      %swap3A_491 = vector.shape_cast %get3A_485 : vector<16xf32> to vector<1x16xf32>
      tpu.vector_store %arg5[%swap3A_487, %swap3A_488], %swap3A_491 {strides = array<i32>} : memref<40x64xf32, #tpu.memory_space<vmem>>, vector<1x16xf32>,
      %get3A_492 = arith.constant 760 : index
      %get3A_493 = tpu.vector_load %arg4[%get3A_492] {strides = array<i32>} : memref<2248xf32, #tpu.memory_space<vmem>>, vector<16xf32>,
      %get3A_494 = vector.shape_cast %get3A_493 : vector<16xf32> to vector<16xf32>
      %swap3A_495 = arith.constant 13 : i32
      %swap3A_496 = arith.index_cast %swap3A_495 : i32 to index
      %swap3A_497 = arith.constant 32 : index
      %swap3A_498 = tpu.vector_load %arg5[%swap3A_496, %swap3A_497] {strides = array<i32>} : memref<40x64xf32, #tpu.memory_space<vmem>>, vector<1x16xf32>,
      %swap3A_499 = vector.shape_cast %swap3A_498 : vector<1x16xf32> to vector<16xf32>
      %swap3A_500 = vector.shape_cast %get3A_494 : vector<16xf32> to vector<1x16xf32>
      tpu.vector_store %arg5[%swap3A_496, %swap3A_497], %swap3A_500 {strides = array<i32>} : memref<40x64xf32, #tpu.memory_space<vmem>>, vector<1x16xf32>,
      %get3A_501 = arith.constant 776 : index
      %get3A_502 = tpu.vector_load %arg4[%get3A_501] {strides = array<i32>} : memref<2248xf32, #tpu.memory_space<vmem>>, vector<16xf32>,
      %get3A_503 = vector.shape_cast %get3A_502 : vector<16xf32> to vector<16xf32>
      %swap3A_504 = arith.constant 13 : i32
      %swap3A_505 = arith.index_cast %swap3A_504 : i32 to index
      %swap3A_506 = arith.constant 48 : index
      %swap3A_507 = tpu.vector_load %arg5[%swap3A_505, %swap3A_506] {strides = array<i32>} : memref<40x64xf32, #tpu.memory_space<vmem>>, vector<1x16xf32>,
      %swap3A_508 = vector.shape_cast %swap3A_507 : vector<1x16xf32> to vector<16xf32>
      %swap3A_509 = vector.shape_cast %get3A_503 : vector<16xf32> to vector<1x16xf32>
      tpu.vector_store %arg5[%swap3A_505, %swap3A_506], %swap3A_509 {strides = array<i32>} : memref<40x64xf32, #tpu.memory_space<vmem>>, vector<1x16xf32>,
      %get3A_510 = arith.constant 784 : index
      %get3A_511 = tpu.vector_load %arg4[%get3A_510] {strides = array<i32>} : memref<2248xf32, #tpu.memory_space<vmem>>, vector<16xf32>,
      %get3A_512 = vector.shape_cast %get3A_511 : vector<16xf32> to vector<16xf32>
      %swap3A_513 = arith.constant 14 : i32
      %swap3A_514 = arith.index_cast %swap3A_513 : i32 to index
      %swap3A_515 = arith.constant 0 : index
      %swap3A_516 = tpu.vector_load %arg5[%swap3A_514, %swap3A_515] {strides = array<i32>} : memref<40x64xf32, #tpu.memory_space<vmem>>, vector<1x16xf32>,
      %swap3A_517 = vector.shape_cast %swap3A_516 : vector<1x16xf32> to vector<16xf32>
      %swap3A_518 = vector.shape_cast %get3A_512 : vector<16xf32> to vector<1x16xf32>
      tpu.vector_store %arg5[%swap3A_514, %swap3A_515], %swap3A_518 {strides = array<i32>} : memref<40x64xf32, #tpu.memory_space<vmem>>, vector<1x16xf32>,
      %get3A_519 = arith.constant 800 : index
      %get3A_520 = tpu.vector_load %arg4[%get3A_519] {strides = array<i32>} : memref<2248xf32, #tpu.memory_space<vmem>>, vector<16xf32>,
      %get3A_521 = vector.shape_cast %get3A_520 : vector<16xf32> to vector<16xf32>
      %swap3A_522 = arith.constant 14 : i32
      %swap3A_523 = arith.index_cast %swap3A_522 : i32 to index
      %swap3A_524 = arith.constant 16 : index
      %swap3A_525 = tpu.vector_load %arg5[%swap3A_523, %swap3A_524] {strides = array<i32>} : memref<40x64xf32, #tpu.memory_space<vmem>>, vector<1x16xf32>,
      %swap3A_526 = vector.shape_cast %swap3A_525 : vector<1x16xf32> to vector<16xf32>
      %swap3A_527 = vector.shape_cast %get3A_521 : vector<16xf32> to vector<1x16xf32>
      tpu.vector_store %arg5[%swap3A_523, %swap3A_524], %swap3A_527 {strides = array<i32>} : memref<40x64xf32, #tpu.memory_space<vmem>>, vector<1x16xf32>,
      %get3A_528 = arith.constant 816 : index
      %get3A_529 = tpu.vector_load %arg4[%get3A_528] {strides = array<i32>} : memref<2248xf32, #tpu.memory_space<vmem>>, vector<16xf32>,
      %get3A_530 = vector.shape_cast %get3A_529 : vector<16xf32> to vector<16xf32>
      %swap3A_531 = arith.constant 14 : i32
      %swap3A_532 = arith.index_cast %swap3A_531 : i32 to index
      %swap3A_533 = arith.constant 32 : index
      %swap3A_534 = tpu.vector_load %arg5[%swap3A_532, %swap3A_533] {strides = array<i32>} : memref<40x64xf32, #tpu.memory_space<vmem>>, vector<1x16xf32>,
      %swap3A_535 = vector.shape_cast %swap3A_534 : vector<1x16xf32> to vector<16xf32>
      %swap3A_536 = vector.shape_cast %get3A_530 : vector<16xf32> to vector<1x16xf32>
      tpu.vector_store %arg5[%swap3A_532, %swap3A_533], %swap3A_536 {strides = array<i32>} : memref<40x64xf32, #tpu.memory_space<vmem>>, vector<1x16xf32>,
      %get3A_537 = arith.constant 832 : index
      %get3A_538 = tpu.vector_load %arg4[%get3A_537] {strides = array<i32>} : memref<2248xf32, #tpu.memory_space<vmem>>, vector<16xf32>,
      %get3A_539 = vector.shape_cast %get3A_538 : vector<16xf32> to vector<16xf32>
      %swap3A_540 = arith.constant 14 : i32
      %swap3A_541 = arith.index_cast %swap3A_540 : i32 to index
      %swap3A_542 = arith.constant 48 : index
      %swap3A_543 = tpu.vector_load %arg5[%swap3A_541, %swap3A_542] {strides = array<i32>} : memref<40x64xf32, #tpu.memory_space<vmem>>, vector<1x16xf32>,
      %swap3A_544 = vector.shape_cast %swap3A_543 : vector<1x16xf32> to vector<16xf32>
      %swap3A_545 = vector.shape_cast %get3A_539 : vector<16xf32> to vector<1x16xf32>
      tpu.vector_store %arg5[%swap3A_541, %swap3A_542], %swap3A_545 {strides = array<i32>} : memref<40x64xf32, #tpu.memory_space<vmem>>, vector<1x16xf32>,
      %get3A_546 = arith.constant 840 : index
      %get3A_547 = tpu.vector_load %arg4[%get3A_546] {strides = array<i32>} : memref<2248xf32, #tpu.memory_space<vmem>>, vector<16xf32>,
      %get3A_548 = vector.shape_cast %get3A_547 : vector<16xf32> to vector<16xf32>
      %swap3A_549 = arith.constant 15 : i32
      %swap3A_550 = arith.index_cast %swap3A_549 : i32 to index
      %swap3A_551 = arith.constant 0 : index
      %swap3A_552 = tpu.vector_load %arg5[%swap3A_550, %swap3A_551] {strides = array<i32>} : memref<40x64xf32, #tpu.memory_space<vmem>>, vector<1x16xf32>,
      %swap3A_553 = vector.shape_cast %swap3A_552 : vector<1x16xf32> to vector<16xf32>
      %swap3A_554 = vector.shape_cast %get3A_548 : vector<16xf32> to vector<1x16xf32>
      tpu.vector_store %arg5[%swap3A_550, %swap3A_551], %swap3A_554 {strides = array<i32>} : memref<40x64xf32, #tpu.memory_space<vmem>>, vector<1x16xf32>,
      %get3A_555 = arith.constant 856 : index
      %get3A_556 = tpu.vector_load %arg4[%get3A_555] {strides = array<i32>} : memref<2248xf32, #tpu.memory_space<vmem>>, vector<16xf32>,
      %get3A_557 = vector.shape_cast %get3A_556 : vector<16xf32> to vector<16xf32>
      %swap3A_558 = arith.constant 15 : i32
      %swap3A_559 = arith.index_cast %swap3A_558 : i32 to index
      %swap3A_560 = arith.constant 16 : index
      %swap3A_561 = tpu.vector_load %arg5[%swap3A_559, %swap3A_560] {strides = array<i32>} : memref<40x64xf32, #tpu.memory_space<vmem>>, vector<1x16xf32>,
      %swap3A_562 = vector.shape_cast %swap3A_561 : vector<1x16xf32> to vector<16xf32>
      %swap3A_563 = vector.shape_cast %get3A_557 : vector<16xf32> to vector<1x16xf32>
      tpu.vector_store %arg5[%swap3A_559, %swap3A_560], %swap3A_563 {strides = array<i32>} : memref<40x64xf32, #tpu.memory_space<vmem>>, vector<1x16xf32>,
      %get3A_564 = arith.constant 872 : index
      %get3A_565 = tpu.vector_load %arg4[%get3A_564] {strides = array<i32>} : memref<2248xf32, #tpu.memory_space<vmem>>, vector<16xf32>,
      %get3A_566 = vector.shape_cast %get3A_565 : vector<16xf32> to vector<16xf32>
      %swap3A_567 = arith.constant 15 : i32
      %swap3A_568 = arith.index_cast %swap3A_567 : i32 to index
      %swap3A_569 = arith.constant 32 : index
      %swap3A_570 = tpu.vector_load %arg5[%swap3A_568, %swap3A_569] {strides = array<i32>} : memref<40x64xf32, #tpu.memory_space<vmem>>, vector<1x16xf32>,
      %swap3A_571 = vector.shape_cast %swap3A_570 : vector<1x16xf32> to vector<16xf32>
      %swap3A_572 = vector.shape_cast %get3A_566 : vector<16xf32> to vector<1x16xf32>
      tpu.vector_store %arg5[%swap3A_568, %swap3A_569], %swap3A_572 {strides = array<i32>} : memref<40x64xf32, #tpu.memory_space<vmem>>, vector<1x16xf32>,
      %get3A_573 = arith.constant 888 : index
      %get3A_574 = tpu.vector_load %arg4[%get3A_573] {strides = array<i32>} : memref<2248xf32, #tpu.memory_space<vmem>>, vector<16xf32>,
      %get3A_575 = vector.shape_cast %get3A_574 : vector<16xf32> to vector<16xf32>
      %swap3A_576 = arith.constant 15 : i32
      %swap3A_577 = arith.index_cast %swap3A_576 : i32 to index
      %swap3A_578 = arith.constant 48 : index
      %swap3A_579 = tpu.vector_load %arg5[%swap3A_577, %swap3A_578] {strides = array<i32>} : memref<40x64xf32, #tpu.memory_space<vmem>>, vector<1x16xf32>,
      %swap3A_580 = vector.shape_cast %swap3A_579 : vector<1x16xf32> to vector<16xf32>
      %swap3A_581 = vector.shape_cast %get3A_575 : vector<16xf32> to vector<1x16xf32>
      tpu.vector_store %arg5[%swap3A_577, %swap3A_578], %swap3A_581 {strides = array<i32>} : memref<40x64xf32, #tpu.memory_space<vmem>>, vector<1x16xf32>,
      %get3A_582 = arith.constant 896 : index
      %get3A_583 = tpu.vector_load %arg4[%get3A_582] {strides = array<i32>} : memref<2248xf32, #tpu.memory_space<vmem>>, vector<16xf32>,
      %get3A_584 = vector.shape_cast %get3A_583 : vector<16xf32> to vector<16xf32>
      %swap3A_585 = arith.constant 16 : i32
      %swap3A_586 = arith.index_cast %swap3A_585 : i32 to index
      %swap3A_587 = arith.constant 0 : index
      %swap3A_588 = tpu.vector_load %arg5[%swap3A_586, %swap3A_587] {strides = array<i32>} : memref<40x64xf32, #tpu.memory_space<vmem>>, vector<1x16xf32>,
      %swap3A_589 = vector.shape_cast %swap3A_588 : vector<1x16xf32> to vector<16xf32>
      %swap3A_590 = vector.shape_cast %get3A_584 : vector<16xf32> to vector<1x16xf32>
      tpu.vector_store %arg5[%swap3A_586, %swap3A_587], %swap3A_590 {strides = array<i32>} : memref<40x64xf32, #tpu.memory_space<vmem>>, vector<1x16xf32>,
      %get3A_591 = arith.constant 912 : index
      %get3A_592 = tpu.vector_load %arg4[%get3A_591] {strides = array<i32>} : memref<2248xf32, #tpu.memory_space<vmem>>, vector<16xf32>,
      %get3A_593 = vector.shape_cast %get3A_592 : vector<16xf32> to vector<16xf32>
      %swap3A_594 = arith.constant 16 : i32
      %swap3A_595 = arith.index_cast %swap3A_594 : i32 to index
      %swap3A_596 = arith.constant 16 : index
      %swap3A_597 = tpu.vector_load %arg5[%swap3A_595, %swap3A_596] {strides = array<i32>} : memref<40x64xf32, #tpu.memory_space<vmem>>, vector<1x16xf32>,
      %swap3A_598 = vector.shape_cast %swap3A_597 : vector<1x16xf32> to vector<16xf32>
      %swap3A_599 = vector.shape_cast %get3A_593 : vector<16xf32> to vector<1x16xf32>
      tpu.vector_store %arg5[%swap3A_595, %swap3A_596], %swap3A_599 {strides = array<i32>} : memref<40x64xf32, #tpu.memory_space<vmem>>, vector<1x16xf32>,
      %get3A_600 = arith.constant 928 : index
      %get3A_601 = tpu.vector_load %arg4[%get3A_600] {strides = array<i32>} : memref<2248xf32, #tpu.memory_space<vmem>>, vector<16xf32>,
      %get3A_602 = vector.shape_cast %get3A_601 : vector<16xf32> to vector<16xf32>
      %swap3A_603 = arith.constant 16 : i32
      %swap3A_604 = arith.index_cast %swap3A_603 : i32 to index
      %swap3A_605 = arith.constant 32 : index
      %swap3A_606 = tpu.vector_load %arg5[%swap3A_604, %swap3A_605] {strides = array<i32>} : memref<40x64xf32, #tpu.memory_space<vmem>>, vector<1x16xf32>,
      %swap3A_607 = vector.shape_cast %swap3A_606 : vector<1x16xf32> to vector<16xf32>
      %swap3A_608 = vector.shape_cast %get3A_602 : vector<16xf32> to vector<1x16xf32>
      tpu.vector_store %arg5[%swap3A_604, %swap3A_605], %swap3A_608 {strides = array<i32>} : memref<40x64xf32, #tpu.memory_space<vmem>>, vector<1x16xf32>,
      %get3A_609 = arith.constant 944 : index
      %get3A_610 = tpu.vector_load %arg4[%get3A_609] {strides = array<i32>} : memref<2248xf32, #tpu.memory_space<vmem>>, vector<16xf32>,
      %get3A_611 = vector.shape_cast %get3A_610 : vector<16xf32> to vector<16xf32>
      %swap3A_612 = arith.constant 16 : i32
      %swap3A_613 = arith.index_cast %swap3A_612 : i32 to index
      %swap3A_614 = arith.constant 48 : index
      %swap3A_615 = tpu.vector_load %arg5[%swap3A_613, %swap3A_614] {strides = array<i32>} : memref<40x64xf32, #tpu.memory_space<vmem>>, vector<1x16xf32>,
      %swap3A_616 = vector.shape_cast %swap3A_615 : vector<1x16xf32> to vector<16xf32>
      %swap3A_617 = vector.shape_cast %get3A_611 : vector<16xf32> to vector<1x16xf32>
      tpu.vector_store %arg5[%swap3A_613, %swap3A_614], %swap3A_617 {strides = array<i32>} : memref<40x64xf32, #tpu.memory_space<vmem>>, vector<1x16xf32>,
      %get3A_618 = arith.constant 952 : index
      %get3A_619 = tpu.vector_load %arg4[%get3A_618] {strides = array<i32>} : memref<2248xf32, #tpu.memory_space<vmem>>, vector<16xf32>,
      %get3A_620 = vector.shape_cast %get3A_619 : vector<16xf32> to vector<16xf32>
      %swap3A_621 = arith.constant 17 : i32
      %swap3A_622 = arith.index_cast %swap3A_621 : i32 to index
      %swap3A_623 = arith.constant 0 : index
      %swap3A_624 = tpu.vector_load %arg5[%swap3A_622, %swap3A_623] {strides = array<i32>} : memref<40x64xf32, #tpu.memory_space<vmem>>, vector<1x16xf32>,
      %swap3A_625 = vector.shape_cast %swap3A_624 : vector<1x16xf32> to vector<16xf32>
      %swap3A_626 = vector.shape_cast %get3A_620 : vector<16xf32> to vector<1x16xf32>
      tpu.vector_store %arg5[%swap3A_622, %swap3A_623], %swap3A_626 {strides = array<i32>} : memref<40x64xf32, #tpu.memory_space<vmem>>, vector<1x16xf32>,
      %get3A_627 = arith.constant 968 : index
      %get3A_628 = tpu.vector_load %arg4[%get3A_627] {strides = array<i32>} : memref<2248xf32, #tpu.memory_space<vmem>>, vector<16xf32>,
      %get3A_629 = vector.shape_cast %get3A_628 : vector<16xf32> to vector<16xf32>
      %swap3A_630 = arith.constant 17 : i32
      %swap3A_631 = arith.index_cast %swap3A_630 : i32 to index
      %swap3A_632 = arith.constant 16 : index
      %swap3A_633 = tpu.vector_load %arg5[%swap3A_631, %swap3A_632] {strides = array<i32>} : memref<40x64xf32, #tpu.memory_space<vmem>>, vector<1x16xf32>,
      %swap3A_634 = vector.shape_cast %swap3A_633 : vector<1x16xf32> to vector<16xf32>
      %swap3A_635 = vector.shape_cast %get3A_629 : vector<16xf32> to vector<1x16xf32>
      tpu.vector_store %arg5[%swap3A_631, %swap3A_632], %swap3A_635 {strides = array<i32>} : memref<40x64xf32, #tpu.memory_space<vmem>>, vector<1x16xf32>,
      %get3A_636 = arith.constant 984 : index
      %get3A_637 = tpu.vector_load %arg4[%get3A_636] {strides = array<i32>} : memref<2248xf32, #tpu.memory_space<vmem>>, vector<16xf32>,
      %get3A_638 = vector.shape_cast %get3A_637 : vector<16xf32> to vector<16xf32>
      %swap3A_639 = arith.constant 17 : i32
      %swap3A_640 = arith.index_cast %swap3A_639 : i32 to index
      %swap3A_641 = arith.constant 32 : index
      %swap3A_642 = tpu.vector_load %arg5[%swap3A_640, %swap3A_641] {strides = array<i32>} : memref<40x64xf32, #tpu.memory_space<vmem>>, vector<1x16xf32>,
      %swap3A_643 = vector.shape_cast %swap3A_642 : vector<1x16xf32> to vector<16xf32>
      %swap3A_644 = vector.shape_cast %get3A_638 : vector<16xf32> to vector<1x16xf32>
      tpu.vector_store %arg5[%swap3A_640, %swap3A_641], %swap3A_644 {strides = array<i32>} : memref<40x64xf32, #tpu.memory_space<vmem>>, vector<1x16xf32>,
      %get3A_645 = arith.constant 1000 : index
      %get3A_646 = tpu.vector_load %arg4[%get3A_645] {strides = array<i32>} : memref<2248xf32, #tpu.memory_space<vmem>>, vector<16xf32>,
      %get3A_647 = vector.shape_cast %get3A_646 : vector<16xf32> to vector<16xf32>
      %swap3A_648 = arith.constant 17 : i32
      %swap3A_649 = arith.index_cast %swap3A_648 : i32 to index
      %swap3A_650 = arith.constant 48 : index
      %swap3A_651 = tpu.vector_load %arg5[%swap3A_649, %swap3A_650] {strides = array<i32>} : memref<40x64xf32, #tpu.memory_space<vmem>>, vector<1x16xf32>,
      %swap3A_652 = vector.shape_cast %swap3A_651 : vector<1x16xf32> to vector<16xf32>
      %swap3A_653 = vector.shape_cast %get3A_647 : vector<16xf32> to vector<1x16xf32>
      tpu.vector_store %arg5[%swap3A_649, %swap3A_650], %swap3A_653 {strides = array<i32>} : memref<40x64xf32, #tpu.memory_space<vmem>>, vector<1x16xf32>,
      %get3A_654 = arith.constant 1008 : index
      %get3A_655 = tpu.vector_load %arg4[%get3A_654] {strides = array<i32>} : memref<2248xf32, #tpu.memory_space<vmem>>, vector<16xf32>,
      %get3A_656 = vector.shape_cast %get3A_655 : vector<16xf32> to vector<16xf32>
      %swap3A_657 = arith.constant 18 : i32
      %swap3A_658 = arith.index_cast %swap3A_657 : i32 to index
      %swap3A_659 = arith.constant 0 : index
      %swap3A_660 = tpu.vector_load %arg5[%swap3A_658, %swap3A_659] {strides = array<i32>} : memref<40x64xf32, #tpu.memory_space<vmem>>, vector<1x16xf32>,
      %swap3A_661 = vector.shape_cast %swap3A_660 : vector<1x16xf32> to vector<16xf32>
      %swap3A_662 = vector.shape_cast %get3A_656 : vector<16xf32> to vector<1x16xf32>
      tpu.vector_store %arg5[%swap3A_658, %swap3A_659], %swap3A_662 {strides = array<i32>} : memref<40x64xf32, #tpu.memory_space<vmem>>, vector<1x16xf32>,
      %get3A_663 = arith.constant 1024 : index
      %get3A_664 = tpu.vector_load %arg4[%get3A_663] {strides = array<i32>} : memref<2248xf32, #tpu.memory_space<vmem>>, vector<16xf32>,
      %get3A_665 = vector.shape_cast %get3A_664 : vector<16xf32> to vector<16xf32>
      %swap3A_666 = arith.constant 18 : i32
      %swap3A_667 = arith.index_cast %swap3A_666 : i32 to index
      %swap3A_668 = arith.constant 16 : index
      %swap3A_669 = tpu.vector_load %arg5[%swap3A_667, %swap3A_668] {strides = array<i32>} : memref<40x64xf32, #tpu.memory_space<vmem>>, vector<1x16xf32>,
      %swap3A_670 = vector.shape_cast %swap3A_669 : vector<1x16xf32> to vector<16xf32>
      %swap3A_671 = vector.shape_cast %get3A_665 : vector<16xf32> to vector<1x16xf32>
      tpu.vector_store %arg5[%swap3A_667, %swap3A_668], %swap3A_671 {strides = array<i32>} : memref<40x64xf32, #tpu.memory_space<vmem>>, vector<1x16xf32>,
      %get3A_672 = arith.constant 1040 : index
      %get3A_673 = tpu.vector_load %arg4[%get3A_672] {strides = array<i32>} : memref<2248xf32, #tpu.memory_space<vmem>>, vector<16xf32>,
      %get3A_674 = vector.shape_cast %get3A_673 : vector<16xf32> to vector<16xf32>
      %swap3A_675 = arith.constant 18 : i32
      %swap3A_676 = arith.index_cast %swap3A_675 : i32 to index
      %swap3A_677 = arith.constant 32 : index
      %swap3A_678 = tpu.vector_load %arg5[%swap3A_676, %swap3A_677] {strides = array<i32>} : memref<40x64xf32, #tpu.memory_space<vmem>>, vector<1x16xf32>,
      %swap3A_679 = vector.shape_cast %swap3A_678 : vector<1x16xf32> to vector<16xf32>
      %swap3A_680 = vector.shape_cast %get3A_674 : vector<16xf32> to vector<1x16xf32>
      tpu.vector_store %arg5[%swap3A_676, %swap3A_677], %swap3A_680 {strides = array<i32>} : memref<40x64xf32, #tpu.memory_space<vmem>>, vector<1x16xf32>,
      %get3A_681 = arith.constant 1056 : index
      %get3A_682 = tpu.vector_load %arg4[%get3A_681] {strides = array<i32>} : memref<2248xf32, #tpu.memory_space<vmem>>, vector<16xf32>,
      %get3A_683 = vector.shape_cast %get3A_682 : vector<16xf32> to vector<16xf32>
      %swap3A_684 = arith.constant 18 : i32
      %swap3A_685 = arith.index_cast %swap3A_684 : i32 to index
      %swap3A_686 = arith.constant 48 : index
      %swap3A_687 = tpu.vector_load %arg5[%swap3A_685, %swap3A_686] {strides = array<i32>} : memref<40x64xf32, #tpu.memory_space<vmem>>, vector<1x16xf32>,
      %swap3A_688 = vector.shape_cast %swap3A_687 : vector<1x16xf32> to vector<16xf32>
      %swap3A_689 = vector.shape_cast %get3A_683 : vector<16xf32> to vector<1x16xf32>
      tpu.vector_store %arg5[%swap3A_685, %swap3A_686], %swap3A_689 {strides = array<i32>} : memref<40x64xf32, #tpu.memory_space<vmem>>, vector<1x16xf32>,
      %get3A_690 = arith.constant 1064 : index
      %get3A_691 = tpu.vector_load %arg4[%get3A_690] {strides = array<i32>} : memref<2248xf32, #tpu.memory_space<vmem>>, vector<16xf32>,
      %get3A_692 = vector.shape_cast %get3A_691 : vector<16xf32> to vector<16xf32>
      %swap3A_693 = arith.constant 19 : i32
      %swap3A_694 = arith.index_cast %swap3A_693 : i32 to index
      %swap3A_695 = arith.constant 0 : index
      %swap3A_696 = tpu.vector_load %arg5[%swap3A_694, %swap3A_695] {strides = array<i32>} : memref<40x64xf32, #tpu.memory_space<vmem>>, vector<1x16xf32>,
      %swap3A_697 = vector.shape_cast %swap3A_696 : vector<1x16xf32> to vector<16xf32>
      %swap3A_698 = vector.shape_cast %get3A_692 : vector<16xf32> to vector<1x16xf32>
      tpu.vector_store %arg5[%swap3A_694, %swap3A_695], %swap3A_698 {strides = array<i32>} : memref<40x64xf32, #tpu.memory_space<vmem>>, vector<1x16xf32>,
      %get3A_699 = arith.constant 1080 : index
      %get3A_700 = tpu.vector_load %arg4[%get3A_699] {strides = array<i32>} : memref<2248xf32, #tpu.memory_space<vmem>>, vector<16xf32>,
      %get3A_701 = vector.shape_cast %get3A_700 : vector<16xf32> to vector<16xf32>
      %swap3A_702 = arith.constant 19 : i32
      %swap3A_703 = arith.index_cast %swap3A_702 : i32 to index
      %swap3A_704 = arith.constant 16 : index
      %swap3A_705 = tpu.vector_load %arg5[%swap3A_703, %swap3A_704] {strides = array<i32>} : memref<40x64xf32, #tpu.memory_space<vmem>>, vector<1x16xf32>,
      %swap3A_706 = vector.shape_cast %swap3A_705 : vector<1x16xf32> to vector<16xf32>
      %swap3A_707 = vector.shape_cast %get3A_701 : vector<16xf32> to vector<1x16xf32>
      tpu.vector_store %arg5[%swap3A_703, %swap3A_704], %swap3A_707 {strides = array<i32>} : memref<40x64xf32, #tpu.memory_space<vmem>>, vector<1x16xf32>,
      %get3A_708 = arith.constant 1096 : index
      %get3A_709 = tpu.vector_load %arg4[%get3A_708] {strides = array<i32>} : memref<2248xf32, #tpu.memory_space<vmem>>, vector<16xf32>,
      %get3A_710 = vector.shape_cast %get3A_709 : vector<16xf32> to vector<16xf32>
      %swap3A_711 = arith.constant 19 : i32
      %swap3A_712 = arith.index_cast %swap3A_711 : i32 to index
      %swap3A_713 = arith.constant 32 : index
      %swap3A_714 = tpu.vector_load %arg5[%swap3A_712, %swap3A_713] {strides = array<i32>} : memref<40x64xf32, #tpu.memory_space<vmem>>, vector<1x16xf32>,
      %swap3A_715 = vector.shape_cast %swap3A_714 : vector<1x16xf32> to vector<16xf32>
      %swap3A_716 = vector.shape_cast %get3A_710 : vector<16xf32> to vector<1x16xf32>
      tpu.vector_store %arg5[%swap3A_712, %swap3A_713], %swap3A_716 {strides = array<i32>} : memref<40x64xf32, #tpu.memory_space<vmem>>, vector<1x16xf32>,
      %get3A_717 = arith.constant 1112 : index
      %get3A_718 = tpu.vector_load %arg4[%get3A_717] {strides = array<i32>} : memref<2248xf32, #tpu.memory_space<vmem>>, vector<16xf32>,
      %get3A_719 = vector.shape_cast %get3A_718 : vector<16xf32> to vector<16xf32>
      %swap3A_720 = arith.constant 19 : i32
      %swap3A_721 = arith.index_cast %swap3A_720 : i32 to index
      %swap3A_722 = arith.constant 48 : index
      %swap3A_723 = tpu.vector_load %arg5[%swap3A_721, %swap3A_722] {strides = array<i32>} : memref<40x64xf32, #tpu.memory_space<vmem>>, vector<1x16xf32>,
      %swap3A_724 = vector.shape_cast %swap3A_723 : vector<1x16xf32> to vector<16xf32>
      %swap3A_725 = vector.shape_cast %get3A_719 : vector<16xf32> to vector<1x16xf32>
      tpu.vector_store %arg5[%swap3A_721, %swap3A_722], %swap3A_725 {strides = array<i32>} : memref<40x64xf32, #tpu.memory_space<vmem>>, vector<1x16xf32>,
      %get3A_726 = arith.constant 1120 : index
      %get3A_727 = tpu.vector_load %arg4[%get3A_726] {strides = array<i32>} : memref<2248xf32, #tpu.memory_space<vmem>>, vector<16xf32>,
      %get3A_728 = vector.shape_cast %get3A_727 : vector<16xf32> to vector<16xf32>
      %swap3A_729 = arith.constant 20 : i32
      %swap3A_730 = arith.index_cast %swap3A_729 : i32 to index
      %swap3A_731 = arith.constant 0 : index
      %swap3A_732 = tpu.vector_load %arg5[%swap3A_730, %swap3A_731] {strides = array<i32>} : memref<40x64xf32, #tpu.memory_space<vmem>>, vector<1x16xf32>,
      %swap3A_733 = vector.shape_cast %swap3A_732 : vector<1x16xf32> to vector<16xf32>
      %swap3A_734 = vector.shape_cast %get3A_728 : vector<16xf32> to vector<1x16xf32>
      tpu.vector_store %arg5[%swap3A_730, %swap3A_731], %swap3A_734 {strides = array<i32>} : memref<40x64xf32, #tpu.memory_space<vmem>>, vector<1x16xf32>,
      %get3A_735 = arith.constant 1136 : index
      %get3A_736 = tpu.vector_load %arg4[%get3A_735] {strides = array<i32>} : memref<2248xf32, #tpu.memory_space<vmem>>, vector<16xf32>,
      %get3A_737 = vector.shape_cast %get3A_736 : vector<16xf32> to vector<16xf32>
      %swap3A_738 = arith.constant 20 : i32
      %swap3A_739 = arith.index_cast %swap3A_738 : i32 to index
      %swap3A_740 = arith.constant 16 : index
      %swap3A_741 = tpu.vector_load %arg5[%swap3A_739, %swap3A_740] {strides = array<i32>} : memref<40x64xf32, #tpu.memory_space<vmem>>, vector<1x16xf32>,
      %swap3A_742 = vector.shape_cast %swap3A_741 : vector<1x16xf32> to vector<16xf32>
      %swap3A_743 = vector.shape_cast %get3A_737 : vector<16xf32> to vector<1x16xf32>
      tpu.vector_store %arg5[%swap3A_739, %swap3A_740], %swap3A_743 {strides = array<i32>} : memref<40x64xf32, #tpu.memory_space<vmem>>, vector<1x16xf32>,
      %get3A_744 = arith.constant 1152 : index
      %get3A_745 = tpu.vector_load %arg4[%get3A_744] {strides = array<i32>} : memref<2248xf32, #tpu.memory_space<vmem>>, vector<16xf32>,
      %get3A_746 = vector.shape_cast %get3A_745 : vector<16xf32> to vector<16xf32>
      %swap3A_747 = arith.constant 20 : i32
      %swap3A_748 = arith.index_cast %swap3A_747 : i32 to index
      %swap3A_749 = arith.constant 32 : index
      %swap3A_750 = tpu.vector_load %arg5[%swap3A_748, %swap3A_749] {strides = array<i32>} : memref<40x64xf32, #tpu.memory_space<vmem>>, vector<1x16xf32>,
      %swap3A_751 = vector.shape_cast %swap3A_750 : vector<1x16xf32> to vector<16xf32>
      %swap3A_752 = vector.shape_cast %get3A_746 : vector<16xf32> to vector<1x16xf32>
      tpu.vector_store %arg5[%swap3A_748, %swap3A_749], %swap3A_752 {strides = array<i32>} : memref<40x64xf32, #tpu.memory_space<vmem>>, vector<1x16xf32>,
      %get3A_753 = arith.constant 1168 : index
      %get3A_754 = tpu.vector_load %arg4[%get3A_753] {strides = array<i32>} : memref<2248xf32, #tpu.memory_space<vmem>>, vector<16xf32>,
      %get3A_755 = vector.shape_cast %get3A_754 : vector<16xf32> to vector<16xf32>
      %swap3A_756 = arith.constant 20 : i32
      %swap3A_757 = arith.index_cast %swap3A_756 : i32 to index
      %swap3A_758 = arith.constant 48 : index
      %swap3A_759 = tpu.vector_load %arg5[%swap3A_757, %swap3A_758] {strides = array<i32>} : memref<40x64xf32, #tpu.memory_space<vmem>>, vector<1x16xf32>,
      %swap3A_760 = vector.shape_cast %swap3A_759 : vector<1x16xf32> to vector<16xf32>
      %swap3A_761 = vector.shape_cast %get3A_755 : vector<16xf32> to vector<1x16xf32>
      tpu.vector_store %arg5[%swap3A_757, %swap3A_758], %swap3A_761 {strides = array<i32>} : memref<40x64xf32, #tpu.memory_space<vmem>>, vector<1x16xf32>,
      %get3A_762 = arith.constant 1176 : index
      %get3A_763 = tpu.vector_load %arg4[%get3A_762] {strides = array<i32>} : memref<2248xf32, #tpu.memory_space<vmem>>, vector<16xf32>,
      %get3A_764 = vector.shape_cast %get3A_763 : vector<16xf32> to vector<16xf32>
      %swap3A_765 = arith.constant 21 : i32
      %swap3A_766 = arith.index_cast %swap3A_765 : i32 to index
      %swap3A_767 = arith.constant 0 : index
      %swap3A_768 = tpu.vector_load %arg5[%swap3A_766, %swap3A_767] {strides = array<i32>} : memref<40x64xf32, #tpu.memory_space<vmem>>, vector<1x16xf32>,
      %swap3A_769 = vector.shape_cast %swap3A_768 : vector<1x16xf32> to vector<16xf32>
      %swap3A_770 = vector.shape_cast %get3A_764 : vector<16xf32> to vector<1x16xf32>
      tpu.vector_store %arg5[%swap3A_766, %swap3A_767], %swap3A_770 {strides = array<i32>} : memref<40x64xf32, #tpu.memory_space<vmem>>, vector<1x16xf32>,
      %get3A_771 = arith.constant 1192 : index
      %get3A_772 = tpu.vector_load %arg4[%get3A_771] {strides = array<i32>} : memref<2248xf32, #tpu.memory_space<vmem>>, vector<16xf32>,
      %get3A_773 = vector.shape_cast %get3A_772 : vector<16xf32> to vector<16xf32>
      %swap3A_774 = arith.constant 21 : i32
      %swap3A_775 = arith.index_cast %swap3A_774 : i32 to index
      %swap3A_776 = arith.constant 16 : index
      %swap3A_777 = tpu.vector_load %arg5[%swap3A_775, %swap3A_776] {strides = array<i32>} : memref<40x64xf32, #tpu.memory_space<vmem>>, vector<1x16xf32>,
      %swap3A_778 = vector.shape_cast %swap3A_777 : vector<1x16xf32> to vector<16xf32>
      %swap3A_779 = vector.shape_cast %get3A_773 : vector<16xf32> to vector<1x16xf32>
      tpu.vector_store %arg5[%swap3A_775, %swap3A_776], %swap3A_779 {strides = array<i32>} : memref<40x64xf32, #tpu.memory_space<vmem>>, vector<1x16xf32>,
      %get3A_780 = arith.constant 1208 : index
      %get3A_781 = tpu.vector_load %arg4[%get3A_780] {strides = array<i32>} : memref<2248xf32, #tpu.memory_space<vmem>>, vector<16xf32>,
      %get3A_782 = vector.shape_cast %get3A_781 : vector<16xf32> to vector<16xf32>
      %swap3A_783 = arith.constant 21 : i32
      %swap3A_784 = arith.index_cast %swap3A_783 : i32 to index
      %swap3A_785 = arith.constant 32 : index
      %swap3A_786 = tpu.vector_load %arg5[%swap3A_784, %swap3A_785] {strides = array<i32>} : memref<40x64xf32, #tpu.memory_space<vmem>>, vector<1x16xf32>,
      %swap3A_787 = vector.shape_cast %swap3A_786 : vector<1x16xf32> to vector<16xf32>
      %swap3A_788 = vector.shape_cast %get3A_782 : vector<16xf32> to vector<1x16xf32>
      tpu.vector_store %arg5[%swap3A_784, %swap3A_785], %swap3A_788 {strides = array<i32>} : memref<40x64xf32, #tpu.memory_space<vmem>>, vector<1x16xf32>,
      %get3A_789 = arith.constant 1224 : index
      %get3A_790 = tpu.vector_load %arg4[%get3A_789] {strides = array<i32>} : memref<2248xf32, #tpu.memory_space<vmem>>, vector<16xf32>,
      %get3A_791 = vector.shape_cast %get3A_790 : vector<16xf32> to vector<16xf32>
      %swap3A_792 = arith.constant 21 : i32
      %swap3A_793 = arith.index_cast %swap3A_792 : i32 to index
      %swap3A_794 = arith.constant 48 : index
      %swap3A_795 = tpu.vector_load %arg5[%swap3A_793, %swap3A_794] {strides = array<i32>} : memref<40x64xf32, #tpu.memory_space<vmem>>, vector<1x16xf32>,
      %swap3A_796 = vector.shape_cast %swap3A_795 : vector<1x16xf32> to vector<16xf32>
      %swap3A_797 = vector.shape_cast %get3A_791 : vector<16xf32> to vector<1x16xf32>
      tpu.vector_store %arg5[%swap3A_793, %swap3A_794], %swap3A_797 {strides = array<i32>} : memref<40x64xf32, #tpu.memory_space<vmem>>, vector<1x16xf32>,
      %get3A_798 = arith.constant 1232 : index
      %get3A_799 = tpu.vector_load %arg4[%get3A_798] {strides = array<i32>} : memref<2248xf32, #tpu.memory_space<vmem>>, vector<16xf32>,
      %get3A_800 = vector.shape_cast %get3A_799 : vector<16xf32> to vector<16xf32>
      %swap3A_801 = arith.constant 22 : i32
      %swap3A_802 = arith.index_cast %swap3A_801 : i32 to index
      %swap3A_803 = arith.constant 0 : index
      %swap3A_804 = tpu.vector_load %arg5[%swap3A_802, %swap3A_803] {strides = array<i32>} : memref<40x64xf32, #tpu.memory_space<vmem>>, vector<1x16xf32>,
      %swap3A_805 = vector.shape_cast %swap3A_804 : vector<1x16xf32> to vector<16xf32>
      %swap3A_806 = vector.shape_cast %get3A_800 : vector<16xf32> to vector<1x16xf32>
      tpu.vector_store %arg5[%swap3A_802, %swap3A_803], %swap3A_806 {strides = array<i32>} : memref<40x64xf32, #tpu.memory_space<vmem>>, vector<1x16xf32>,
      %get3A_807 = arith.constant 1248 : index
      %get3A_808 = tpu.vector_load %arg4[%get3A_807] {strides = array<i32>} : memref<2248xf32, #tpu.memory_space<vmem>>, vector<16xf32>,
      %get3A_809 = vector.shape_cast %get3A_808 : vector<16xf32> to vector<16xf32>
      %swap3A_810 = arith.constant 22 : i32
      %swap3A_811 = arith.index_cast %swap3A_810 : i32 to index
      %swap3A_812 = arith.constant 16 : index
      %swap3A_813 = tpu.vector_load %arg5[%swap3A_811, %swap3A_812] {strides = array<i32>} : memref<40x64xf32, #tpu.memory_space<vmem>>, vector<1x16xf32>,
      %swap3A_814 = vector.shape_cast %swap3A_813 : vector<1x16xf32> to vector<16xf32>
      %swap3A_815 = vector.shape_cast %get3A_809 : vector<16xf32> to vector<1x16xf32>
      tpu.vector_store %arg5[%swap3A_811, %swap3A_812], %swap3A_815 {strides = array<i32>} : memref<40x64xf32, #tpu.memory_space<vmem>>, vector<1x16xf32>,
      %get3A_816 = arith.constant 1264 : index
      %get3A_817 = tpu.vector_load %arg4[%get3A_816] {strides = array<i32>} : memref<2248xf32, #tpu.memory_space<vmem>>, vector<16xf32>,
      %get3A_818 = vector.shape_cast %get3A_817 : vector<16xf32> to vector<16xf32>
      %swap3A_819 = arith.constant 22 : i32
      %swap3A_820 = arith.index_cast %swap3A_819 : i32 to index
      %swap3A_821 = arith.constant 32 : index
      %swap3A_822 = tpu.vector_load %arg5[%swap3A_820, %swap3A_821] {strides = array<i32>} : memref<40x64xf32, #tpu.memory_space<vmem>>, vector<1x16xf32>,
      %swap3A_823 = vector.shape_cast %swap3A_822 : vector<1x16xf32> to vector<16xf32>
      %swap3A_824 = vector.shape_cast %get3A_818 : vector<16xf32> to vector<1x16xf32>
      tpu.vector_store %arg5[%swap3A_820, %swap3A_821], %swap3A_824 {strides = array<i32>} : memref<40x64xf32, #tpu.memory_space<vmem>>, vector<1x16xf32>,
      %get3A_825 = arith.constant 1280 : index
      %get3A_826 = tpu.vector_load %arg4[%get3A_825] {strides = array<i32>} : memref<2248xf32, #tpu.memory_space<vmem>>, vector<16xf32>,
      %get3A_827 = vector.shape_cast %get3A_826 : vector<16xf32> to vector<16xf32>
      %swap3A_828 = arith.constant 22 : i32
      %swap3A_829 = arith.index_cast %swap3A_828 : i32 to index
      %swap3A_830 = arith.constant 48 : index
      %swap3A_831 = tpu.vector_load %arg5[%swap3A_829, %swap3A_830] {strides = array<i32>} : memref<40x64xf32, #tpu.memory_space<vmem>>, vector<1x16xf32>,
      %swap3A_832 = vector.shape_cast %swap3A_831 : vector<1x16xf32> to vector<16xf32>
      %swap3A_833 = vector.shape_cast %get3A_827 : vector<16xf32> to vector<1x16xf32>
      tpu.vector_store %arg5[%swap3A_829, %swap3A_830], %swap3A_833 {strides = array<i32>} : memref<40x64xf32, #tpu.memory_space<vmem>>, vector<1x16xf32>,
      %get3A_834 = arith.constant 1288 : index
      %get3A_835 = tpu.vector_load %arg4[%get3A_834] {strides = array<i32>} : memref<2248xf32, #tpu.memory_space<vmem>>, vector<16xf32>,
      %get3A_836 = vector.shape_cast %get3A_835 : vector<16xf32> to vector<16xf32>
      %swap3A_837 = arith.constant 23 : i32
      %swap3A_838 = arith.index_cast %swap3A_837 : i32 to index
      %swap3A_839 = arith.constant 0 : index
      %swap3A_840 = tpu.vector_load %arg5[%swap3A_838, %swap3A_839] {strides = array<i32>} : memref<40x64xf32, #tpu.memory_space<vmem>>, vector<1x16xf32>,
      %swap3A_841 = vector.shape_cast %swap3A_840 : vector<1x16xf32> to vector<16xf32>
      %swap3A_842 = vector.shape_cast %get3A_836 : vector<16xf32> to vector<1x16xf32>
      tpu.vector_store %arg5[%swap3A_838, %swap3A_839], %swap3A_842 {strides = array<i32>} : memref<40x64xf32, #tpu.memory_space<vmem>>, vector<1x16xf32>,
      %get3A_843 = arith.constant 1304 : index
      %get3A_844 = tpu.vector_load %arg4[%get3A_843] {strides = array<i32>} : memref<2248xf32, #tpu.memory_space<vmem>>, vector<16xf32>,
      %get3A_845 = vector.shape_cast %get3A_844 : vector<16xf32> to vector<16xf32>
      %swap3A_846 = arith.constant 23 : i32
      %swap3A_847 = arith.index_cast %swap3A_846 : i32 to index
      %swap3A_848 = arith.constant 16 : index
      %swap3A_849 = tpu.vector_load %arg5[%swap3A_847, %swap3A_848] {strides = array<i32>} : memref<40x64xf32, #tpu.memory_space<vmem>>, vector<1x16xf32>,
      %swap3A_850 = vector.shape_cast %swap3A_849 : vector<1x16xf32> to vector<16xf32>
      %swap3A_851 = vector.shape_cast %get3A_845 : vector<16xf32> to vector<1x16xf32>
      tpu.vector_store %arg5[%swap3A_847, %swap3A_848], %swap3A_851 {strides = array<i32>} : memref<40x64xf32, #tpu.memory_space<vmem>>, vector<1x16xf32>,
      %get3A_852 = arith.constant 1320 : index
      %get3A_853 = tpu.vector_load %arg4[%get3A_852] {strides = array<i32>} : memref<2248xf32, #tpu.memory_space<vmem>>, vector<16xf32>,
      %get3A_854 = vector.shape_cast %get3A_853 : vector<16xf32> to vector<16xf32>
      %swap3A_855 = arith.constant 23 : i32
      %swap3A_856 = arith.index_cast %swap3A_855 : i32 to index
      %swap3A_857 = arith.constant 32 : index
      %swap3A_858 = tpu.vector_load %arg5[%swap3A_856, %swap3A_857] {strides = array<i32>} : memref<40x64xf32, #tpu.memory_space<vmem>>, vector<1x16xf32>,
      %swap3A_859 = vector.shape_cast %swap3A_858 : vector<1x16xf32> to vector<16xf32>
      %swap3A_860 = vector.shape_cast %get3A_854 : vector<16xf32> to vector<1x16xf32>
      tpu.vector_store %arg5[%swap3A_856, %swap3A_857], %swap3A_860 {strides = array<i32>} : memref<40x64xf32, #tpu.memory_space<vmem>>, vector<1x16xf32>,
      %get3A_861 = arith.constant 1336 : index
      %get3A_862 = tpu.vector_load %arg4[%get3A_861] {strides = array<i32>} : memref<2248xf32, #tpu.memory_space<vmem>>, vector<16xf32>,
      %get3A_863 = vector.shape_cast %get3A_862 : vector<16xf32> to vector<16xf32>
      %swap3A_864 = arith.constant 23 : i32
      %swap3A_865 = arith.index_cast %swap3A_864 : i32 to index
      %swap3A_866 = arith.constant 48 : index
      %swap3A_867 = tpu.vector_load %arg5[%swap3A_865, %swap3A_866] {strides = array<i32>} : memref<40x64xf32, #tpu.memory_space<vmem>>, vector<1x16xf32>,
      %swap3A_868 = vector.shape_cast %swap3A_867 : vector<1x16xf32> to vector<16xf32>
      %swap3A_869 = vector.shape_cast %get3A_863 : vector<16xf32> to vector<1x16xf32>
      tpu.vector_store %arg5[%swap3A_865, %swap3A_866], %swap3A_869 {strides = array<i32>} : memref<40x64xf32, #tpu.memory_space<vmem>>, vector<1x16xf32>,
      %get3A_870 = arith.constant 1344 : index
      %get3A_871 = tpu.vector_load %arg4[%get3A_870] {strides = array<i32>} : memref<2248xf32, #tpu.memory_space<vmem>>, vector<16xf32>,
      %get3A_872 = vector.shape_cast %get3A_871 : vector<16xf32> to vector<16xf32>
      %swap3A_873 = arith.constant 24 : i32
      %swap3A_874 = arith.index_cast %swap3A_873 : i32 to index
      %swap3A_875 = arith.constant 0 : index
      %swap3A_876 = tpu.vector_load %arg5[%swap3A_874, %swap3A_875] {strides = array<i32>} : memref<40x64xf32, #tpu.memory_space<vmem>>, vector<1x16xf32>,
      %swap3A_877 = vector.shape_cast %swap3A_876 : vector<1x16xf32> to vector<16xf32>
      %swap3A_878 = vector.shape_cast %get3A_872 : vector<16xf32> to vector<1x16xf32>
      tpu.vector_store %arg5[%swap3A_874, %swap3A_875], %swap3A_878 {strides = array<i32>} : memref<40x64xf32, #tpu.memory_space<vmem>>, vector<1x16xf32>,
      %get3A_879 = arith.constant 1360 : index
      %get3A_880 = tpu.vector_load %arg4[%get3A_879] {strides = array<i32>} : memref<2248xf32, #tpu.memory_space<vmem>>, vector<16xf32>,
      %get3A_881 = vector.shape_cast %get3A_880 : vector<16xf32> to vector<16xf32>
      %swap3A_882 = arith.constant 24 : i32
      %swap3A_883 = arith.index_cast %swap3A_882 : i32 to index
      %swap3A_884 = arith.constant 16 : index
      %swap3A_885 = tpu.vector_load %arg5[%swap3A_883, %swap3A_884] {strides = array<i32>} : memref<40x64xf32, #tpu.memory_space<vmem>>, vector<1x16xf32>,
      %swap3A_886 = vector.shape_cast %swap3A_885 : vector<1x16xf32> to vector<16xf32>
      %swap3A_887 = vector.shape_cast %get3A_881 : vector<16xf32> to vector<1x16xf32>
      tpu.vector_store %arg5[%swap3A_883, %swap3A_884], %swap3A_887 {strides = array<i32>} : memref<40x64xf32, #tpu.memory_space<vmem>>, vector<1x16xf32>,
      %get3A_888 = arith.constant 1376 : index
      %get3A_889 = tpu.vector_load %arg4[%get3A_888] {strides = array<i32>} : memref<2248xf32, #tpu.memory_space<vmem>>, vector<16xf32>,
      %get3A_890 = vector.shape_cast %get3A_889 : vector<16xf32> to vector<16xf32>
      %swap3A_891 = arith.constant 24 : i32
      %swap3A_892 = arith.index_cast %swap3A_891 : i32 to index
      %swap3A_893 = arith.constant 32 : index
      %swap3A_894 = tpu.vector_load %arg5[%swap3A_892, %swap3A_893] {strides = array<i32>} : memref<40x64xf32, #tpu.memory_space<vmem>>, vector<1x16xf32>,
      %swap3A_895 = vector.shape_cast %swap3A_894 : vector<1x16xf32> to vector<16xf32>
      %swap3A_896 = vector.shape_cast %get3A_890 : vector<16xf32> to vector<1x16xf32>
      tpu.vector_store %arg5[%swap3A_892, %swap3A_893], %swap3A_896 {strides = array<i32>} : memref<40x64xf32, #tpu.memory_space<vmem>>, vector<1x16xf32>,
      %get3A_897 = arith.constant 1392 : index
      %get3A_898 = tpu.vector_load %arg4[%get3A_897] {strides = array<i32>} : memref<2248xf32, #tpu.memory_space<vmem>>, vector<16xf32>,
      %get3A_899 = vector.shape_cast %get3A_898 : vector<16xf32> to vector<16xf32>
      %swap3A_900 = arith.constant 24 : i32
      %swap3A_901 = arith.index_cast %swap3A_900 : i32 to index
      %swap3A_902 = arith.constant 48 : index
      %swap3A_903 = tpu.vector_load %arg5[%swap3A_901, %swap3A_902] {strides = array<i32>} : memref<40x64xf32, #tpu.memory_space<vmem>>, vector<1x16xf32>,
      %swap3A_904 = vector.shape_cast %swap3A_903 : vector<1x16xf32> to vector<16xf32>
      %swap3A_905 = vector.shape_cast %get3A_899 : vector<16xf32> to vector<1x16xf32>
      tpu.vector_store %arg5[%swap3A_901, %swap3A_902], %swap3A_905 {strides = array<i32>} : memref<40x64xf32, #tpu.memory_space<vmem>>, vector<1x16xf32>,
      %get3A_906 = arith.constant 1400 : index
      %get3A_907 = tpu.vector_load %arg4[%get3A_906] {strides = array<i32>} : memref<2248xf32, #tpu.memory_space<vmem>>, vector<16xf32>,
      %get3A_908 = vector.shape_cast %get3A_907 : vector<16xf32> to vector<16xf32>
      %swap3A_909 = arith.constant 25 : i32
      %swap3A_910 = arith.index_cast %swap3A_909 : i32 to index
      %swap3A_911 = arith.constant 0 : index
      %swap3A_912 = tpu.vector_load %arg5[%swap3A_910, %swap3A_911] {strides = array<i32>} : memref<40x64xf32, #tpu.memory_space<vmem>>, vector<1x16xf32>,
      %swap3A_913 = vector.shape_cast %swap3A_912 : vector<1x16xf32> to vector<16xf32>
      %swap3A_914 = vector.shape_cast %get3A_908 : vector<16xf32> to vector<1x16xf32>
      tpu.vector_store %arg5[%swap3A_910, %swap3A_911], %swap3A_914 {strides = array<i32>} : memref<40x64xf32, #tpu.memory_space<vmem>>, vector<1x16xf32>,
      %get3A_915 = arith.constant 1416 : index
      %get3A_916 = tpu.vector_load %arg4[%get3A_915] {strides = array<i32>} : memref<2248xf32, #tpu.memory_space<vmem>>, vector<16xf32>,
      %get3A_917 = vector.shape_cast %get3A_916 : vector<16xf32> to vector<16xf32>
      %swap3A_918 = arith.constant 25 : i32
      %swap3A_919 = arith.index_cast %swap3A_918 : i32 to index
      %swap3A_920 = arith.constant 16 : index
      %swap3A_921 = tpu.vector_load %arg5[%swap3A_919, %swap3A_920] {strides = array<i32>} : memref<40x64xf32, #tpu.memory_space<vmem>>, vector<1x16xf32>,
      %swap3A_922 = vector.shape_cast %swap3A_921 : vector<1x16xf32> to vector<16xf32>
      %swap3A_923 = vector.shape_cast %get3A_917 : vector<16xf32> to vector<1x16xf32>
      tpu.vector_store %arg5[%swap3A_919, %swap3A_920], %swap3A_923 {strides = array<i32>} : memref<40x64xf32, #tpu.memory_space<vmem>>, vector<1x16xf32>,
      %get3A_924 = arith.constant 1432 : index
      %get3A_925 = tpu.vector_load %arg4[%get3A_924] {strides = array<i32>} : memref<2248xf32, #tpu.memory_space<vmem>>, vector<16xf32>,
      %get3A_926 = vector.shape_cast %get3A_925 : vector<16xf32> to vector<16xf32>
      %swap3A_927 = arith.constant 25 : i32
      %swap3A_928 = arith.index_cast %swap3A_927 : i32 to index
      %swap3A_929 = arith.constant 32 : index
      %swap3A_930 = tpu.vector_load %arg5[%swap3A_928, %swap3A_929] {strides = array<i32>} : memref<40x64xf32, #tpu.memory_space<vmem>>, vector<1x16xf32>,
      %swap3A_931 = vector.shape_cast %swap3A_930 : vector<1x16xf32> to vector<16xf32>
      %swap3A_932 = vector.shape_cast %get3A_926 : vector<16xf32> to vector<1x16xf32>
      tpu.vector_store %arg5[%swap3A_928, %swap3A_929], %swap3A_932 {strides = array<i32>} : memref<40x64xf32, #tpu.memory_space<vmem>>, vector<1x16xf32>,
      %get3A_933 = arith.constant 1448 : index
      %get3A_934 = tpu.vector_load %arg4[%get3A_933] {strides = array<i32>} : memref<2248xf32, #tpu.memory_space<vmem>>, vector<16xf32>,
      %get3A_935 = vector.shape_cast %get3A_934 : vector<16xf32> to vector<16xf32>
      %swap3A_936 = arith.constant 25 : i32
      %swap3A_937 = arith.index_cast %swap3A_936 : i32 to index
      %swap3A_938 = arith.constant 48 : index
      %swap3A_939 = tpu.vector_load %arg5[%swap3A_937, %swap3A_938] {strides = array<i32>} : memref<40x64xf32, #tpu.memory_space<vmem>>, vector<1x16xf32>,
      %swap3A_940 = vector.shape_cast %swap3A_939 : vector<1x16xf32> to vector<16xf32>
      %swap3A_941 = vector.shape_cast %get3A_935 : vector<16xf32> to vector<1x16xf32>
      tpu.vector_store %arg5[%swap3A_937, %swap3A_938], %swap3A_941 {strides = array<i32>} : memref<40x64xf32, #tpu.memory_space<vmem>>, vector<1x16xf32>,
      %get3A_942 = arith.constant 1456 : index
      %get3A_943 = tpu.vector_load %arg4[%get3A_942] {strides = array<i32>} : memref<2248xf32, #tpu.memory_space<vmem>>, vector<16xf32>,
      %get3A_944 = vector.shape_cast %get3A_943 : vector<16xf32> to vector<16xf32>
      %swap3A_945 = arith.constant 26 : i32
      %swap3A_946 = arith.index_cast %swap3A_945 : i32 to index
      %swap3A_947 = arith.constant 0 : index
      %swap3A_948 = tpu.vector_load %arg5[%swap3A_946, %swap3A_947] {strides = array<i32>} : memref<40x64xf32, #tpu.memory_space<vmem>>, vector<1x16xf32>,
      %swap3A_949 = vector.shape_cast %swap3A_948 : vector<1x16xf32> to vector<16xf32>
      %swap3A_950 = vector.shape_cast %get3A_944 : vector<16xf32> to vector<1x16xf32>
      tpu.vector_store %arg5[%swap3A_946, %swap3A_947], %swap3A_950 {strides = array<i32>} : memref<40x64xf32, #tpu.memory_space<vmem>>, vector<1x16xf32>,
      %get3A_951 = arith.constant 1472 : index
      %get3A_952 = tpu.vector_load %arg4[%get3A_951] {strides = array<i32>} : memref<2248xf32, #tpu.memory_space<vmem>>, vector<16xf32>,
      %get3A_953 = vector.shape_cast %get3A_952 : vector<16xf32> to vector<16xf32>
      %swap3A_954 = arith.constant 26 : i32
      %swap3A_955 = arith.index_cast %swap3A_954 : i32 to index
      %swap3A_956 = arith.constant 16 : index
      %swap3A_957 = tpu.vector_load %arg5[%swap3A_955, %swap3A_956] {strides = array<i32>} : memref<40x64xf32, #tpu.memory_space<vmem>>, vector<1x16xf32>,
      %swap3A_958 = vector.shape_cast %swap3A_957 : vector<1x16xf32> to vector<16xf32>
      %swap3A_959 = vector.shape_cast %get3A_953 : vector<16xf32> to vector<1x16xf32>
      tpu.vector_store %arg5[%swap3A_955, %swap3A_956], %swap3A_959 {strides = array<i32>} : memref<40x64xf32, #tpu.memory_space<vmem>>, vector<1x16xf32>,
      %get3A_960 = arith.constant 1488 : index
      %get3A_961 = tpu.vector_load %arg4[%get3A_960] {strides = array<i32>} : memref<2248xf32, #tpu.memory_space<vmem>>, vector<16xf32>,
      %get3A_962 = vector.shape_cast %get3A_961 : vector<16xf32> to vector<16xf32>
      %swap3A_963 = arith.constant 26 : i32
      %swap3A_964 = arith.index_cast %swap3A_963 : i32 to index
      %swap3A_965 = arith.constant 32 : index
      %swap3A_966 = tpu.vector_load %arg5[%swap3A_964, %swap3A_965] {strides = array<i32>} : memref<40x64xf32, #tpu.memory_space<vmem>>, vector<1x16xf32>,
      %swap3A_967 = vector.shape_cast %swap3A_966 : vector<1x16xf32> to vector<16xf32>
      %swap3A_968 = vector.shape_cast %get3A_962 : vector<16xf32> to vector<1x16xf32>
      tpu.vector_store %arg5[%swap3A_964, %swap3A_965], %swap3A_968 {strides = array<i32>} : memref<40x64xf32, #tpu.memory_space<vmem>>, vector<1x16xf32>,
      %get3A_969 = arith.constant 1504 : index
      %get3A_970 = tpu.vector_load %arg4[%get3A_969] {strides = array<i32>} : memref<2248xf32, #tpu.memory_space<vmem>>, vector<16xf32>,
      %get3A_971 = vector.shape_cast %get3A_970 : vector<16xf32> to vector<16xf32>
      %swap3A_972 = arith.constant 26 : i32
      %swap3A_973 = arith.index_cast %swap3A_972 : i32 to index
      %swap3A_974 = arith.constant 48 : index
      %swap3A_975 = tpu.vector_load %arg5[%swap3A_973, %swap3A_974] {strides = array<i32>} : memref<40x64xf32, #tpu.memory_space<vmem>>, vector<1x16xf32>,
      %swap3A_976 = vector.shape_cast %swap3A_975 : vector<1x16xf32> to vector<16xf32>
      %swap3A_977 = vector.shape_cast %get3A_971 : vector<16xf32> to vector<1x16xf32>
      tpu.vector_store %arg5[%swap3A_973, %swap3A_974], %swap3A_977 {strides = array<i32>} : memref<40x64xf32, #tpu.memory_space<vmem>>, vector<1x16xf32>,
      %get3A_978 = arith.constant 1512 : index
      %get3A_979 = tpu.vector_load %arg4[%get3A_978] {strides = array<i32>} : memref<2248xf32, #tpu.memory_space<vmem>>, vector<16xf32>,
      %get3A_980 = vector.shape_cast %get3A_979 : vector<16xf32> to vector<16xf32>
      %swap3A_981 = arith.constant 27 : i32
      %swap3A_982 = arith.index_cast %swap3A_981 : i32 to index
      %swap3A_983 = arith.constant 0 : index
      %swap3A_984 = tpu.vector_load %arg5[%swap3A_982, %swap3A_983] {strides = array<i32>} : memref<40x64xf32, #tpu.memory_space<vmem>>, vector<1x16xf32>,
      %swap3A_985 = vector.shape_cast %swap3A_984 : vector<1x16xf32> to vector<16xf32>
      %swap3A_986 = vector.shape_cast %get3A_980 : vector<16xf32> to vector<1x16xf32>
      tpu.vector_store %arg5[%swap3A_982, %swap3A_983], %swap3A_986 {strides = array<i32>} : memref<40x64xf32, #tpu.memory_space<vmem>>, vector<1x16xf32>,
      %get3A_987 = arith.constant 1528 : index
      %get3A_988 = tpu.vector_load %arg4[%get3A_987] {strides = array<i32>} : memref<2248xf32, #tpu.memory_space<vmem>>, vector<16xf32>,
      %get3A_989 = vector.shape_cast %get3A_988 : vector<16xf32> to vector<16xf32>
      %swap3A_990 = arith.constant 27 : i32
      %swap3A_991 = arith.index_cast %swap3A_990 : i32 to index
      %swap3A_992 = arith.constant 16 : index
      %swap3A_993 = tpu.vector_load %arg5[%swap3A_991, %swap3A_992] {strides = array<i32>} : memref<40x64xf32, #tpu.memory_space<vmem>>, vector<1x16xf32>,
      %swap3A_994 = vector.shape_cast %swap3A_993 : vector<1x16xf32> to vector<16xf32>
      %swap3A_995 = vector.shape_cast %get3A_989 : vector<16xf32> to vector<1x16xf32>
      tpu.vector_store %arg5[%swap3A_991, %swap3A_992], %swap3A_995 {strides = array<i32>} : memref<40x64xf32, #tpu.memory_space<vmem>>, vector<1x16xf32>,
      %get3A_996 = arith.constant 1544 : index
      %get3A_997 = tpu.vector_load %arg4[%get3A_996] {strides = array<i32>} : memref<2248xf32, #tpu.memory_space<vmem>>, vector<16xf32>,
      %get3A_998 = vector.shape_cast %get3A_997 : vector<16xf32> to vector<16xf32>
      %swap3A_999 = arith.constant 27 : i32
      %swap3A_1000 = arith.index_cast %swap3A_999 : i32 to index
      %swap3A_1001 = arith.constant 32 : index
      %swap3A_1002 = tpu.vector_load %arg5[%swap3A_1000, %swap3A_1001] {strides = array<i32>} : memref<40x64xf32, #tpu.memory_space<vmem>>, vector<1x16xf32>,
      %swap3A_1003 = vector.shape_cast %swap3A_1002 : vector<1x16xf32> to vector<16xf32>
      %swap3A_1004 = vector.shape_cast %get3A_998 : vector<16xf32> to vector<1x16xf32>
      tpu.vector_store %arg5[%swap3A_1000, %swap3A_1001], %swap3A_1004 {strides = array<i32>} : memref<40x64xf32, #tpu.memory_space<vmem>>, vector<1x16xf32>,
      %get3A_1005 = arith.constant 1560 : index
      %get3A_1006 = tpu.vector_load %arg4[%get3A_1005] {strides = array<i32>} : memref<2248xf32, #tpu.memory_space<vmem>>, vector<16xf32>,
      %get3A_1007 = vector.shape_cast %get3A_1006 : vector<16xf32> to vector<16xf32>
      %swap3A_1008 = arith.constant 27 : i32
      %swap3A_1009 = arith.index_cast %swap3A_1008 : i32 to index
      %swap3A_1010 = arith.constant 48 : index
      %swap3A_1011 = tpu.vector_load %arg5[%swap3A_1009, %swap3A_1010] {strides = array<i32>} : memref<40x64xf32, #tpu.memory_space<vmem>>, vector<1x16xf32>,
      %swap3A_1012 = vector.shape_cast %swap3A_1011 : vector<1x16xf32> to vector<16xf32>
      %swap3A_1013 = vector.shape_cast %get3A_1007 : vector<16xf32> to vector<1x16xf32>
      tpu.vector_store %arg5[%swap3A_1009, %swap3A_1010], %swap3A_1013 {strides = array<i32>} : memref<40x64xf32, #tpu.memory_space<vmem>>, vector<1x16xf32>,
      %get3A_1014 = arith.constant 1568 : index
      %get3A_1015 = tpu.vector_load %arg4[%get3A_1014] {strides = array<i32>} : memref<2248xf32, #tpu.memory_space<vmem>>, vector<16xf32>,
      %get3A_1016 = vector.shape_cast %get3A_1015 : vector<16xf32> to vector<16xf32>
      %swap3A_1017 = arith.constant 28 : i32
      %swap3A_1018 = arith.index_cast %swap3A_1017 : i32 to index
      %swap3A_1019 = arith.constant 0 : index
      %swap3A_1020 = tpu.vector_load %arg5[%swap3A_1018, %swap3A_1019] {strides = array<i32>} : memref<40x64xf32, #tpu.memory_space<vmem>>, vector<1x16xf32>,
      %swap3A_1021 = vector.shape_cast %swap3A_1020 : vector<1x16xf32> to vector<16xf32>
      %swap3A_1022 = vector.shape_cast %get3A_1016 : vector<16xf32> to vector<1x16xf32>
      tpu.vector_store %arg5[%swap3A_1018, %swap3A_1019], %swap3A_1022 {strides = array<i32>} : memref<40x64xf32, #tpu.memory_space<vmem>>, vector<1x16xf32>,
      %get3A_1023 = arith.constant 1584 : index
      %get3A_1024 = tpu.vector_load %arg4[%get3A_1023] {strides = array<i32>} : memref<2248xf32, #tpu.memory_space<vmem>>, vector<16xf32>,
      %get3A_1025 = vector.shape_cast %get3A_1024 : vector<16xf32> to vector<16xf32>
      %swap3A_1026 = arith.constant 28 : i32
      %swap3A_1027 = arith.index_cast %swap3A_1026 : i32 to index
      %swap3A_1028 = arith.constant 16 : index
      %swap3A_1029 = tpu.vector_load %arg5[%swap3A_1027, %swap3A_1028] {strides = array<i32>} : memref<40x64xf32, #tpu.memory_space<vmem>>, vector<1x16xf32>,
      %swap3A_1030 = vector.shape_cast %swap3A_1029 : vector<1x16xf32> to vector<16xf32>
      %swap3A_1031 = vector.shape_cast %get3A_1025 : vector<16xf32> to vector<1x16xf32>
      tpu.vector_store %arg5[%swap3A_1027, %swap3A_1028], %swap3A_1031 {strides = array<i32>} : memref<40x64xf32, #tpu.memory_space<vmem>>, vector<1x16xf32>,
      %get3A_1032 = arith.constant 1600 : index
      %get3A_1033 = tpu.vector_load %arg4[%get3A_1032] {strides = array<i32>} : memref<2248xf32, #tpu.memory_space<vmem>>, vector<16xf32>,
      %get3A_1034 = vector.shape_cast %get3A_1033 : vector<16xf32> to vector<16xf32>
      %swap3A_1035 = arith.constant 28 : i32
      %swap3A_1036 = arith.index_cast %swap3A_1035 : i32 to index
      %swap3A_1037 = arith.constant 32 : index
      %swap3A_1038 = tpu.vector_load %arg5[%swap3A_1036, %swap3A_1037] {strides = array<i32>} : memref<40x64xf32, #tpu.memory_space<vmem>>, vector<1x16xf32>,
      %swap3A_1039 = vector.shape_cast %swap3A_1038 : vector<1x16xf32> to vector<16xf32>
      %swap3A_1040 = vector.shape_cast %get3A_1034 : vector<16xf32> to vector<1x16xf32>
      tpu.vector_store %arg5[%swap3A_1036, %swap3A_1037], %swap3A_1040 {strides = array<i32>} : memref<40x64xf32, #tpu.memory_space<vmem>>, vector<1x16xf32>,
      %get3A_1041 = arith.constant 1616 : index
      %get3A_1042 = tpu.vector_load %arg4[%get3A_1041] {strides = array<i32>} : memref<2248xf32, #tpu.memory_space<vmem>>, vector<16xf32>,
      %get3A_1043 = vector.shape_cast %get3A_1042 : vector<16xf32> to vector<16xf32>
      %swap3A_1044 = arith.constant 28 : i32
      %swap3A_1045 = arith.index_cast %swap3A_1044 : i32 to index
      %swap3A_1046 = arith.constant 48 : index
      %swap3A_1047 = tpu.vector_load %arg5[%swap3A_1045, %swap3A_1046] {strides = array<i32>} : memref<40x64xf32, #tpu.memory_space<vmem>>, vector<1x16xf32>,
      %swap3A_1048 = vector.shape_cast %swap3A_1047 : vector<1x16xf32> to vector<16xf32>
      %swap3A_1049 = vector.shape_cast %get3A_1043 : vector<16xf32> to vector<1x16xf32>
      tpu.vector_store %arg5[%swap3A_1045, %swap3A_1046], %swap3A_1049 {strides = array<i32>} : memref<40x64xf32, #tpu.memory_space<vmem>>, vector<1x16xf32>,
      %get3A_1050 = arith.constant 1624 : index
      %get3A_1051 = tpu.vector_load %arg4[%get3A_1050] {strides = array<i32>} : memref<2248xf32, #tpu.memory_space<vmem>>, vector<16xf32>,
      %get3A_1052 = vector.shape_cast %get3A_1051 : vector<16xf32> to vector<16xf32>
      %swap3A_1053 = arith.constant 29 : i32
      %swap3A_1054 = arith.index_cast %swap3A_1053 : i32 to index
      %swap3A_1055 = arith.constant 0 : index
      %swap3A_1056 = tpu.vector_load %arg5[%swap3A_1054, %swap3A_1055] {strides = array<i32>} : memref<40x64xf32, #tpu.memory_space<vmem>>, vector<1x16xf32>,
      %swap3A_1057 = vector.shape_cast %swap3A_1056 : vector<1x16xf32> to vector<16xf32>
      %swap3A_1058 = vector.shape_cast %get3A_1052 : vector<16xf32> to vector<1x16xf32>
      tpu.vector_store %arg5[%swap3A_1054, %swap3A_1055], %swap3A_1058 {strides = array<i32>} : memref<40x64xf32, #tpu.memory_space<vmem>>, vector<1x16xf32>,
      %get3A_1059 = arith.constant 1640 : index
      %get3A_1060 = tpu.vector_load %arg4[%get3A_1059] {strides = array<i32>} : memref<2248xf32, #tpu.memory_space<vmem>>, vector<16xf32>,
      %get3A_1061 = vector.shape_cast %get3A_1060 : vector<16xf32> to vector<16xf32>
      %swap3A_1062 = arith.constant 29 : i32
      %swap3A_1063 = arith.index_cast %swap3A_1062 : i32 to index
      %swap3A_1064 = arith.constant 16 : index
      %swap3A_1065 = tpu.vector_load %arg5[%swap3A_1063, %swap3A_1064] {strides = array<i32>} : memref<40x64xf32, #tpu.memory_space<vmem>>, vector<1x16xf32>,
      %swap3A_1066 = vector.shape_cast %swap3A_1065 : vector<1x16xf32> to vector<16xf32>
      %swap3A_1067 = vector.shape_cast %get3A_1061 : vector<16xf32> to vector<1x16xf32>
      tpu.vector_store %arg5[%swap3A_1063, %swap3A_1064], %swap3A_1067 {strides = array<i32>} : memref<40x64xf32, #tpu.memory_space<vmem>>, vector<1x16xf32>,
      %get3A_1068 = arith.constant 1656 : index
      %get3A_1069 = tpu.vector_load %arg4[%get3A_1068] {strides = array<i32>} : memref<2248xf32, #tpu.memory_space<vmem>>, vector<16xf32>,
      %get3A_1070 = vector.shape_cast %get3A_1069 : vector<16xf32> to vector<16xf32>
      %swap3A_1071 = arith.constant 29 : i32
      %swap3A_1072 = arith.index_cast %swap3A_1071 : i32 to index
      %swap3A_1073 = arith.constant 32 : index
      %swap3A_1074 = tpu.vector_load %arg5[%swap3A_1072, %swap3A_1073] {strides = array<i32>} : memref<40x64xf32, #tpu.memory_space<vmem>>, vector<1x16xf32>,
      %swap3A_1075 = vector.shape_cast %swap3A_1074 : vector<1x16xf32> to vector<16xf32>
      %swap3A_1076 = vector.shape_cast %get3A_1070 : vector<16xf32> to vector<1x16xf32>
      tpu.vector_store %arg5[%swap3A_1072, %swap3A_1073], %swap3A_1076 {strides = array<i32>} : memref<40x64xf32, #tpu.memory_space<vmem>>, vector<1x16xf32>,
      %get3A_1077 = arith.constant 1672 : index
      %get3A_1078 = tpu.vector_load %arg4[%get3A_1077] {strides = array<i32>} : memref<2248xf32, #tpu.memory_space<vmem>>, vector<16xf32>,
      %get3A_1079 = vector.shape_cast %get3A_1078 : vector<16xf32> to vector<16xf32>
      %swap3A_1080 = arith.constant 29 : i32
      %swap3A_1081 = arith.index_cast %swap3A_1080 : i32 to index
      %swap3A_1082 = arith.constant 48 : index
      %swap3A_1083 = tpu.vector_load %arg5[%swap3A_1081, %swap3A_1082] {strides = array<i32>} : memref<40x64xf32, #tpu.memory_space<vmem>>, vector<1x16xf32>,
      %swap3A_1084 = vector.shape_cast %swap3A_1083 : vector<1x16xf32> to vector<16xf32>
      %swap3A_1085 = vector.shape_cast %get3A_1079 : vector<16xf32> to vector<1x16xf32>
      tpu.vector_store %arg5[%swap3A_1081, %swap3A_1082], %swap3A_1085 {strides = array<i32>} : memref<40x64xf32, #tpu.memory_space<vmem>>, vector<1x16xf32>,
      %get3A_1086 = arith.constant 1680 : index
      %get3A_1087 = tpu.vector_load %arg4[%get3A_1086] {strides = array<i32>} : memref<2248xf32, #tpu.memory_space<vmem>>, vector<16xf32>,
      %get3A_1088 = vector.shape_cast %get3A_1087 : vector<16xf32> to vector<16xf32>
      %swap3A_1089 = arith.constant 30 : i32
      %swap3A_1090 = arith.index_cast %swap3A_1089 : i32 to index
      %swap3A_1091 = arith.constant 0 : index
      %swap3A_1092 = tpu.vector_load %arg5[%swap3A_1090, %swap3A_1091] {strides = array<i32>} : memref<40x64xf32, #tpu.memory_space<vmem>>, vector<1x16xf32>,
      %swap3A_1093 = vector.shape_cast %swap3A_1092 : vector<1x16xf32> to vector<16xf32>
      %swap3A_1094 = vector.shape_cast %get3A_1088 : vector<16xf32> to vector<1x16xf32>
      tpu.vector_store %arg5[%swap3A_1090, %swap3A_1091], %swap3A_1094 {strides = array<i32>} : memref<40x64xf32, #tpu.memory_space<vmem>>, vector<1x16xf32>,
      %get3A_1095 = arith.constant 1696 : index
      %get3A_1096 = tpu.vector_load %arg4[%get3A_1095] {strides = array<i32>} : memref<2248xf32, #tpu.memory_space<vmem>>, vector<16xf32>,
      %get3A_1097 = vector.shape_cast %get3A_1096 : vector<16xf32> to vector<16xf32>
      %swap3A_1098 = arith.constant 30 : i32
      %swap3A_1099 = arith.index_cast %swap3A_1098 : i32 to index
      %swap3A_1100 = arith.constant 16 : index
      %swap3A_1101 = tpu.vector_load %arg5[%swap3A_1099, %swap3A_1100] {strides = array<i32>} : memref<40x64xf32, #tpu.memory_space<vmem>>, vector<1x16xf32>,
      %swap3A_1102 = vector.shape_cast %swap3A_1101 : vector<1x16xf32> to vector<16xf32>
      %swap3A_1103 = vector.shape_cast %get3A_1097 : vector<16xf32> to vector<1x16xf32>
      tpu.vector_store %arg5[%swap3A_1099, %swap3A_1100], %swap3A_1103 {strides = array<i32>} : memref<40x64xf32, #tpu.memory_space<vmem>>, vector<1x16xf32>,
      %get3A_1104 = arith.constant 1712 : index
      %get3A_1105 = tpu.vector_load %arg4[%get3A_1104] {strides = array<i32>} : memref<2248xf32, #tpu.memory_space<vmem>>, vector<16xf32>,
      %get3A_1106 = vector.shape_cast %get3A_1105 : vector<16xf32> to vector<16xf32>
      %swap3A_1107 = arith.constant 30 : i32
      %swap3A_1108 = arith.index_cast %swap3A_1107 : i32 to index
      %swap3A_1109 = arith.constant 32 : index
      %swap3A_1110 = tpu.vector_load %arg5[%swap3A_1108, %swap3A_1109] {strides = array<i32>} : memref<40x64xf32, #tpu.memory_space<vmem>>, vector<1x16xf32>,
      %swap3A_1111 = vector.shape_cast %swap3A_1110 : vector<1x16xf32> to vector<16xf32>
      %swap3A_1112 = vector.shape_cast %get3A_1106 : vector<16xf32> to vector<1x16xf32>
      tpu.vector_store %arg5[%swap3A_1108, %swap3A_1109], %swap3A_1112 {strides = array<i32>} : memref<40x64xf32, #tpu.memory_space<vmem>>, vector<1x16xf32>,
      %get3A_1113 = arith.constant 1728 : index
      %get3A_1114 = tpu.vector_load %arg4[%get3A_1113] {strides = array<i32>} : memref<2248xf32, #tpu.memory_space<vmem>>, vector<16xf32>,
      %get3A_1115 = vector.shape_cast %get3A_1114 : vector<16xf32> to vector<16xf32>
      %swap3A_1116 = arith.constant 30 : i32
      %swap3A_1117 = arith.index_cast %swap3A_1116 : i32 to index
      %swap3A_1118 = arith.constant 48 : index
      %swap3A_1119 = tpu.vector_load %arg5[%swap3A_1117, %swap3A_1118] {strides = array<i32>} : memref<40x64xf32, #tpu.memory_space<vmem>>, vector<1x16xf32>,
      %swap3A_1120 = vector.shape_cast %swap3A_1119 : vector<1x16xf32> to vector<16xf32>
      %swap3A_1121 = vector.shape_cast %get3A_1115 : vector<16xf32> to vector<1x16xf32>
      tpu.vector_store %arg5[%swap3A_1117, %swap3A_1118], %swap3A_1121 {strides = array<i32>} : memref<40x64xf32, #tpu.memory_space<vmem>>, vector<1x16xf32>,
      %get3A_1122 = arith.constant 1736 : index
      %get3A_1123 = tpu.vector_load %arg4[%get3A_1122] {strides = array<i32>} : memref<2248xf32, #tpu.memory_space<vmem>>, vector<16xf32>,
      %get3A_1124 = vector.shape_cast %get3A_1123 : vector<16xf32> to vector<16xf32>
      %swap3A_1125 = arith.constant 31 : i32
      %swap3A_1126 = arith.index_cast %swap3A_1125 : i32 to index
      %swap3A_1127 = arith.constant 0 : index
      %swap3A_1128 = tpu.vector_load %arg5[%swap3A_1126, %swap3A_1127] {strides = array<i32>} : memref<40x64xf32, #tpu.memory_space<vmem>>, vector<1x16xf32>,
      %swap3A_1129 = vector.shape_cast %swap3A_1128 : vector<1x16xf32> to vector<16xf32>
      %swap3A_1130 = vector.shape_cast %get3A_1124 : vector<16xf32> to vector<1x16xf32>
      tpu.vector_store %arg5[%swap3A_1126, %swap3A_1127], %swap3A_1130 {strides = array<i32>} : memref<40x64xf32, #tpu.memory_space<vmem>>, vector<1x16xf32>,
      %get3A_1131 = arith.constant 1752 : index
      %get3A_1132 = tpu.vector_load %arg4[%get3A_1131] {strides = array<i32>} : memref<2248xf32, #tpu.memory_space<vmem>>, vector<16xf32>,
      %get3A_1133 = vector.shape_cast %get3A_1132 : vector<16xf32> to vector<16xf32>
      %swap3A_1134 = arith.constant 31 : i32
      %swap3A_1135 = arith.index_cast %swap3A_1134 : i32 to index
      %swap3A_1136 = arith.constant 16 : index
      %swap3A_1137 = tpu.vector_load %arg5[%swap3A_1135, %swap3A_1136] {strides = array<i32>} : memref<40x64xf32, #tpu.memory_space<vmem>>, vector<1x16xf32>,
      %swap3A_1138 = vector.shape_cast %swap3A_1137 : vector<1x16xf32> to vector<16xf32>
      %swap3A_1139 = vector.shape_cast %get3A_1133 : vector<16xf32> to vector<1x16xf32>
      tpu.vector_store %arg5[%swap3A_1135, %swap3A_1136], %swap3A_1139 {strides = array<i32>} : memref<40x64xf32, #tpu.memory_space<vmem>>, vector<1x16xf32>,
      %get3A_1140 = arith.constant 1768 : index
      %get3A_1141 = tpu.vector_load %arg4[%get3A_1140] {strides = array<i32>} : memref<2248xf32, #tpu.memory_space<vmem>>, vector<16xf32>,
      %get3A_1142 = vector.shape_cast %get3A_1141 : vector<16xf32> to vector<16xf32>
      %swap3A_1143 = arith.constant 31 : i32
      %swap3A_1144 = arith.index_cast %swap3A_1143 : i32 to index
      %swap3A_1145 = arith.constant 32 : index
      %swap3A_1146 = tpu.vector_load %arg5[%swap3A_1144, %swap3A_1145] {strides = array<i32>} : memref<40x64xf32, #tpu.memory_space<vmem>>, vector<1x16xf32>,
      %swap3A_1147 = vector.shape_cast %swap3A_1146 : vector<1x16xf32> to vector<16xf32>
      %swap3A_1148 = vector.shape_cast %get3A_1142 : vector<16xf32> to vector<1x16xf32>
      tpu.vector_store %arg5[%swap3A_1144, %swap3A_1145], %swap3A_1148 {strides = array<i32>} : memref<40x64xf32, #tpu.memory_space<vmem>>, vector<1x16xf32>,
      %get3A_1149 = arith.constant 1784 : index
      %get3A_1150 = tpu.vector_load %arg4[%get3A_1149] {strides = array<i32>} : memref<2248xf32, #tpu.memory_space<vmem>>, vector<16xf32>,
      %get3A_1151 = vector.shape_cast %get3A_1150 : vector<16xf32> to vector<16xf32>
      %swap3A_1152 = arith.constant 31 : i32
      %swap3A_1153 = arith.index_cast %swap3A_1152 : i32 to index
      %swap3A_1154 = arith.constant 48 : index
      %swap3A_1155 = tpu.vector_load %arg5[%swap3A_1153, %swap3A_1154] {strides = array<i32>} : memref<40x64xf32, #tpu.memory_space<vmem>>, vector<1x16xf32>,
      %swap3A_1156 = vector.shape_cast %swap3A_1155 : vector<1x16xf32> to vector<16xf32>
      %swap3A_1157 = vector.shape_cast %get3A_1151 : vector<16xf32> to vector<1x16xf32>
      tpu.vector_store %arg5[%swap3A_1153, %swap3A_1154], %swap3A_1157 {strides = array<i32>} : memref<40x64xf32, #tpu.memory_space<vmem>>, vector<1x16xf32>,
      %get3A_1158 = arith.constant 1792 : index
      %get3A_1159 = tpu.vector_load %arg4[%get3A_1158] {strides = array<i32>} : memref<2248xf32, #tpu.memory_space<vmem>>, vector<16xf32>,
      %get3A_1160 = vector.shape_cast %get3A_1159 : vector<16xf32> to vector<16xf32>
      %swap3A_1161 = arith.constant 32 : i32
      %swap3A_1162 = arith.index_cast %swap3A_1161 : i32 to index
      %swap3A_1163 = arith.constant 0 : index
      %swap3A_1164 = tpu.vector_load %arg5[%swap3A_1162, %swap3A_1163] {strides = array<i32>} : memref<40x64xf32, #tpu.memory_space<vmem>>, vector<1x16xf32>,
      %swap3A_1165 = vector.shape_cast %swap3A_1164 : vector<1x16xf32> to vector<16xf32>
      %swap3A_1166 = vector.shape_cast %get3A_1160 : vector<16xf32> to vector<1x16xf32>
      tpu.vector_store %arg5[%swap3A_1162, %swap3A_1163], %swap3A_1166 {strides = array<i32>} : memref<40x64xf32, #tpu.memory_space<vmem>>, vector<1x16xf32>,
      %get3A_1167 = arith.constant 1808 : index
      %get3A_1168 = tpu.vector_load %arg4[%get3A_1167] {strides = array<i32>} : memref<2248xf32, #tpu.memory_space<vmem>>, vector<16xf32>,
      %get3A_1169 = vector.shape_cast %get3A_1168 : vector<16xf32> to vector<16xf32>
      %swap3A_1170 = arith.constant 32 : i32
      %swap3A_1171 = arith.index_cast %swap3A_1170 : i32 to index
      %swap3A_1172 = arith.constant 16 : index
      %swap3A_1173 = tpu.vector_load %arg5[%swap3A_1171, %swap3A_1172] {strides = array<i32>} : memref<40x64xf32, #tpu.memory_space<vmem>>, vector<1x16xf32>,
      %swap3A_1174 = vector.shape_cast %swap3A_1173 : vector<1x16xf32> to vector<16xf32>
      %swap3A_1175 = vector.shape_cast %get3A_1169 : vector<16xf32> to vector<1x16xf32>
      tpu.vector_store %arg5[%swap3A_1171, %swap3A_1172], %swap3A_1175 {strides = array<i32>} : memref<40x64xf32, #tpu.memory_space<vmem>>, vector<1x16xf32>,
      %get3A_1176 = arith.constant 1824 : index
      %get3A_1177 = tpu.vector_load %arg4[%get3A_1176] {strides = array<i32>} : memref<2248xf32, #tpu.memory_space<vmem>>, vector<16xf32>,
      %get3A_1178 = vector.shape_cast %get3A_1177 : vector<16xf32> to vector<16xf32>
      %swap3A_1179 = arith.constant 32 : i32
      %swap3A_1180 = arith.index_cast %swap3A_1179 : i32 to index
      %swap3A_1181 = arith.constant 32 : index
      %swap3A_1182 = tpu.vector_load %arg5[%swap3A_1180, %swap3A_1181] {strides = array<i32>} : memref<40x64xf32, #tpu.memory_space<vmem>>, vector<1x16xf32>,
      %swap3A_1183 = vector.shape_cast %swap3A_1182 : vector<1x16xf32> to vector<16xf32>
      %swap3A_1184 = vector.shape_cast %get3A_1178 : vector<16xf32> to vector<1x16xf32>
      tpu.vector_store %arg5[%swap3A_1180, %swap3A_1181], %swap3A_1184 {strides = array<i32>} : memref<40x64xf32, #tpu.memory_space<vmem>>, vector<1x16xf32>,
      %get3A_1185 = arith.constant 1840 : index
      %get3A_1186 = tpu.vector_load %arg4[%get3A_1185] {strides = array<i32>} : memref<2248xf32, #tpu.memory_space<vmem>>, vector<16xf32>,
      %get3A_1187 = vector.shape_cast %get3A_1186 : vector<16xf32> to vector<16xf32>
      %swap3A_1188 = arith.constant 32 : i32
      %swap3A_1189 = arith.index_cast %swap3A_1188 : i32 to index
      %swap3A_1190 = arith.constant 48 : index
      %swap3A_1191 = tpu.vector_load %arg5[%swap3A_1189, %swap3A_1190] {strides = array<i32>} : memref<40x64xf32, #tpu.memory_space<vmem>>, vector<1x16xf32>,
      %swap3A_1192 = vector.shape_cast %swap3A_1191 : vector<1x16xf32> to vector<16xf32>
      %swap3A_1193 = vector.shape_cast %get3A_1187 : vector<16xf32> to vector<1x16xf32>
      tpu.vector_store %arg5[%swap3A_1189, %swap3A_1190], %swap3A_1193 {strides = array<i32>} : memref<40x64xf32, #tpu.memory_space<vmem>>, vector<1x16xf32>,
      %get3A_1194 = arith.constant 1848 : index
      %get3A_1195 = tpu.vector_load %arg4[%get3A_1194] {strides = array<i32>} : memref<2248xf32, #tpu.memory_space<vmem>>, vector<16xf32>,
      %get3A_1196 = vector.shape_cast %get3A_1195 : vector<16xf32> to vector<16xf32>
      %swap3A_1197 = arith.constant 33 : i32
      %swap3A_1198 = arith.index_cast %swap3A_1197 : i32 to index
      %swap3A_1199 = arith.constant 0 : index
      %swap3A_1200 = tpu.vector_load %arg5[%swap3A_1198, %swap3A_1199] {strides = array<i32>} : memref<40x64xf32, #tpu.memory_space<vmem>>, vector<1x16xf32>,
      %swap3A_1201 = vector.shape_cast %swap3A_1200 : vector<1x16xf32> to vector<16xf32>
      %swap3A_1202 = vector.shape_cast %get3A_1196 : vector<16xf32> to vector<1x16xf32>
      tpu.vector_store %arg5[%swap3A_1198, %swap3A_1199], %swap3A_1202 {strides = array<i32>} : memref<40x64xf32, #tpu.memory_space<vmem>>, vector<1x16xf32>,
      %get3A_1203 = arith.constant 1864 : index
      %get3A_1204 = tpu.vector_load %arg4[%get3A_1203] {strides = array<i32>} : memref<2248xf32, #tpu.memory_space<vmem>>, vector<16xf32>,
      %get3A_1205 = vector.shape_cast %get3A_1204 : vector<16xf32> to vector<16xf32>
      %swap3A_1206 = arith.constant 33 : i32
      %swap3A_1207 = arith.index_cast %swap3A_1206 : i32 to index
      %swap3A_1208 = arith.constant 16 : index
      %swap3A_1209 = tpu.vector_load %arg5[%swap3A_1207, %swap3A_1208] {strides = array<i32>} : memref<40x64xf32, #tpu.memory_space<vmem>>, vector<1x16xf32>,
      %swap3A_1210 = vector.shape_cast %swap3A_1209 : vector<1x16xf32> to vector<16xf32>
      %swap3A_1211 = vector.shape_cast %get3A_1205 : vector<16xf32> to vector<1x16xf32>
      tpu.vector_store %arg5[%swap3A_1207, %swap3A_1208], %swap3A_1211 {strides = array<i32>} : memref<40x64xf32, #tpu.memory_space<vmem>>, vector<1x16xf32>,
      %get3A_1212 = arith.constant 1880 : index
      %get3A_1213 = tpu.vector_load %arg4[%get3A_1212] {strides = array<i32>} : memref<2248xf32, #tpu.memory_space<vmem>>, vector<16xf32>,
      %get3A_1214 = vector.shape_cast %get3A_1213 : vector<16xf32> to vector<16xf32>
      %swap3A_1215 = arith.constant 33 : i32
      %swap3A_1216 = arith.index_cast %swap3A_1215 : i32 to index
      %swap3A_1217 = arith.constant 32 : index
      %swap3A_1218 = tpu.vector_load %arg5[%swap3A_1216, %swap3A_1217] {strides = array<i32>} : memref<40x64xf32, #tpu.memory_space<vmem>>, vector<1x16xf32>,
      %swap3A_1219 = vector.shape_cast %swap3A_1218 : vector<1x16xf32> to vector<16xf32>
      %swap3A_1220 = vector.shape_cast %get3A_1214 : vector<16xf32> to vector<1x16xf32>
      tpu.vector_store %arg5[%swap3A_1216, %swap3A_1217], %swap3A_1220 {strides = array<i32>} : memref<40x64xf32, #tpu.memory_space<vmem>>, vector<1x16xf32>,
      %get3A_1221 = arith.constant 1896 : index
      %get3A_1222 = tpu.vector_load %arg4[%get3A_1221] {strides = array<i32>} : memref<2248xf32, #tpu.memory_space<vmem>>, vector<16xf32>,
      %get3A_1223 = vector.shape_cast %get3A_1222 : vector<16xf32> to vector<16xf32>
      %swap3A_1224 = arith.constant 33 : i32
      %swap3A_1225 = arith.index_cast %swap3A_1224 : i32 to index
      %swap3A_1226 = arith.constant 48 : index
      %swap3A_1227 = tpu.vector_load %arg5[%swap3A_1225, %swap3A_1226] {strides = array<i32>} : memref<40x64xf32, #tpu.memory_space<vmem>>, vector<1x16xf32>,
      %swap3A_1228 = vector.shape_cast %swap3A_1227 : vector<1x16xf32> to vector<16xf32>
      %swap3A_1229 = vector.shape_cast %get3A_1223 : vector<16xf32> to vector<1x16xf32>
      tpu.vector_store %arg5[%swap3A_1225, %swap3A_1226], %swap3A_1229 {strides = array<i32>} : memref<40x64xf32, #tpu.memory_space<vmem>>, vector<1x16xf32>,
      %get3A_1230 = arith.constant 1904 : index
      %get3A_1231 = tpu.vector_load %arg4[%get3A_1230] {strides = array<i32>} : memref<2248xf32, #tpu.memory_space<vmem>>, vector<16xf32>,
      %get3A_1232 = vector.shape_cast %get3A_1231 : vector<16xf32> to vector<16xf32>
      %swap3A_1233 = arith.constant 34 : i32
      %swap3A_1234 = arith.index_cast %swap3A_1233 : i32 to index
      %swap3A_1235 = arith.constant 0 : index
      %swap3A_1236 = tpu.vector_load %arg5[%swap3A_1234, %swap3A_1235] {strides = array<i32>} : memref<40x64xf32, #tpu.memory_space<vmem>>, vector<1x16xf32>,
      %swap3A_1237 = vector.shape_cast %swap3A_1236 : vector<1x16xf32> to vector<16xf32>
      %swap3A_1238 = vector.shape_cast %get3A_1232 : vector<16xf32> to vector<1x16xf32>
      tpu.vector_store %arg5[%swap3A_1234, %swap3A_1235], %swap3A_1238 {strides = array<i32>} : memref<40x64xf32, #tpu.memory_space<vmem>>, vector<1x16xf32>,
      %get3A_1239 = arith.constant 1920 : index
      %get3A_1240 = tpu.vector_load %arg4[%get3A_1239] {strides = array<i32>} : memref<2248xf32, #tpu.memory_space<vmem>>, vector<16xf32>,
      %get3A_1241 = vector.shape_cast %get3A_1240 : vector<16xf32> to vector<16xf32>
      %swap3A_1242 = arith.constant 34 : i32
      %swap3A_1243 = arith.index_cast %swap3A_1242 : i32 to index
      %swap3A_1244 = arith.constant 16 : index
      %swap3A_1245 = tpu.vector_load %arg5[%swap3A_1243, %swap3A_1244] {strides = array<i32>} : memref<40x64xf32, #tpu.memory_space<vmem>>, vector<1x16xf32>,
      %swap3A_1246 = vector.shape_cast %swap3A_1245 : vector<1x16xf32> to vector<16xf32>
      %swap3A_1247 = vector.shape_cast %get3A_1241 : vector<16xf32> to vector<1x16xf32>
      tpu.vector_store %arg5[%swap3A_1243, %swap3A_1244], %swap3A_1247 {strides = array<i32>} : memref<40x64xf32, #tpu.memory_space<vmem>>, vector<1x16xf32>,
      %get3A_1248 = arith.constant 1936 : index
      %get3A_1249 = tpu.vector_load %arg4[%get3A_1248] {strides = array<i32>} : memref<2248xf32, #tpu.memory_space<vmem>>, vector<16xf32>,
      %get3A_1250 = vector.shape_cast %get3A_1249 : vector<16xf32> to vector<16xf32>
      %swap3A_1251 = arith.constant 34 : i32
      %swap3A_1252 = arith.index_cast %swap3A_1251 : i32 to index
      %swap3A_1253 = arith.constant 32 : index
      %swap3A_1254 = tpu.vector_load %arg5[%swap3A_1252, %swap3A_1253] {strides = array<i32>} : memref<40x64xf32, #tpu.memory_space<vmem>>, vector<1x16xf32>,
      %swap3A_1255 = vector.shape_cast %swap3A_1254 : vector<1x16xf32> to vector<16xf32>
      %swap3A_1256 = vector.shape_cast %get3A_1250 : vector<16xf32> to vector<1x16xf32>
      tpu.vector_store %arg5[%swap3A_1252, %swap3A_1253], %swap3A_1256 {strides = array<i32>} : memref<40x64xf32, #tpu.memory_space<vmem>>, vector<1x16xf32>,
      %get3A_1257 = arith.constant 1952 : index
      %get3A_1258 = tpu.vector_load %arg4[%get3A_1257] {strides = array<i32>} : memref<2248xf32, #tpu.memory_space<vmem>>, vector<16xf32>,
      %get3A_1259 = vector.shape_cast %get3A_1258 : vector<16xf32> to vector<16xf32>
      %swap3A_1260 = arith.constant 34 : i32
      %swap3A_1261 = arith.index_cast %swap3A_1260 : i32 to index
      %swap3A_1262 = arith.constant 48 : index
      %swap3A_1263 = tpu.vector_load %arg5[%swap3A_1261, %swap3A_1262] {strides = array<i32>} : memref<40x64xf32, #tpu.memory_space<vmem>>, vector<1x16xf32>,
      %swap3A_1264 = vector.shape_cast %swap3A_1263 : vector<1x16xf32> to vector<16xf32>
      %swap3A_1265 = vector.shape_cast %get3A_1259 : vector<16xf32> to vector<1x16xf32>
      tpu.vector_store %arg5[%swap3A_1261, %swap3A_1262], %swap3A_1265 {strides = array<i32>} : memref<40x64xf32, #tpu.memory_space<vmem>>, vector<1x16xf32>,
      %get3A_1266 = arith.constant 1960 : index
      %get3A_1267 = tpu.vector_load %arg4[%get3A_1266] {strides = array<i32>} : memref<2248xf32, #tpu.memory_space<vmem>>, vector<16xf32>,
      %get3A_1268 = vector.shape_cast %get3A_1267 : vector<16xf32> to vector<16xf32>
      %swap3A_1269 = arith.constant 35 : i32
      %swap3A_1270 = arith.index_cast %swap3A_1269 : i32 to index
      %swap3A_1271 = arith.constant 0 : index
      %swap3A_1272 = tpu.vector_load %arg5[%swap3A_1270, %swap3A_1271] {strides = array<i32>} : memref<40x64xf32, #tpu.memory_space<vmem>>, vector<1x16xf32>,
      %swap3A_1273 = vector.shape_cast %swap3A_1272 : vector<1x16xf32> to vector<16xf32>
      %swap3A_1274 = vector.shape_cast %get3A_1268 : vector<16xf32> to vector<1x16xf32>
      tpu.vector_store %arg5[%swap3A_1270, %swap3A_1271], %swap3A_1274 {strides = array<i32>} : memref<40x64xf32, #tpu.memory_space<vmem>>, vector<1x16xf32>,
      %get3A_1275 = arith.constant 1976 : index
      %get3A_1276 = tpu.vector_load %arg4[%get3A_1275] {strides = array<i32>} : memref<2248xf32, #tpu.memory_space<vmem>>, vector<16xf32>,
      %get3A_1277 = vector.shape_cast %get3A_1276 : vector<16xf32> to vector<16xf32>
      %swap3A_1278 = arith.constant 35 : i32
      %swap3A_1279 = arith.index_cast %swap3A_1278 : i32 to index
      %swap3A_1280 = arith.constant 16 : index
      %swap3A_1281 = tpu.vector_load %arg5[%swap3A_1279, %swap3A_1280] {strides = array<i32>} : memref<40x64xf32, #tpu.memory_space<vmem>>, vector<1x16xf32>,
      %swap3A_1282 = vector.shape_cast %swap3A_1281 : vector<1x16xf32> to vector<16xf32>
      %swap3A_1283 = vector.shape_cast %get3A_1277 : vector<16xf32> to vector<1x16xf32>
      tpu.vector_store %arg5[%swap3A_1279, %swap3A_1280], %swap3A_1283 {strides = array<i32>} : memref<40x64xf32, #tpu.memory_space<vmem>>, vector<1x16xf32>,
      %get3A_1284 = arith.constant 1992 : index
      %get3A_1285 = tpu.vector_load %arg4[%get3A_1284] {strides = array<i32>} : memref<2248xf32, #tpu.memory_space<vmem>>, vector<16xf32>,
      %get3A_1286 = vector.shape_cast %get3A_1285 : vector<16xf32> to vector<16xf32>
      %swap3A_1287 = arith.constant 35 : i32
      %swap3A_1288 = arith.index_cast %swap3A_1287 : i32 to index
      %swap3A_1289 = arith.constant 32 : index
      %swap3A_1290 = tpu.vector_load %arg5[%swap3A_1288, %swap3A_1289] {strides = array<i32>} : memref<40x64xf32, #tpu.memory_space<vmem>>, vector<1x16xf32>,
      %swap3A_1291 = vector.shape_cast %swap3A_1290 : vector<1x16xf32> to vector<16xf32>
      %swap3A_1292 = vector.shape_cast %get3A_1286 : vector<16xf32> to vector<1x16xf32>
      tpu.vector_store %arg5[%swap3A_1288, %swap3A_1289], %swap3A_1292 {strides = array<i32>} : memref<40x64xf32, #tpu.memory_space<vmem>>, vector<1x16xf32>,
      %get3A_1293 = arith.constant 2008 : index
      %get3A_1294 = tpu.vector_load %arg4[%get3A_1293] {strides = array<i32>} : memref<2248xf32, #tpu.memory_space<vmem>>, vector<16xf32>,
      %get3A_1295 = vector.shape_cast %get3A_1294 : vector<16xf32> to vector<16xf32>
      %swap3A_1296 = arith.constant 35 : i32
      %swap3A_1297 = arith.index_cast %swap3A_1296 : i32 to index
      %swap3A_1298 = arith.constant 48 : index
      %swap3A_1299 = tpu.vector_load %arg5[%swap3A_1297, %swap3A_1298] {strides = array<i32>} : memref<40x64xf32, #tpu.memory_space<vmem>>, vector<1x16xf32>,
      %swap3A_1300 = vector.shape_cast %swap3A_1299 : vector<1x16xf32> to vector<16xf32>
      %swap3A_1301 = vector.shape_cast %get3A_1295 : vector<16xf32> to vector<1x16xf32>
      tpu.vector_store %arg5[%swap3A_1297, %swap3A_1298], %swap3A_1301 {strides = array<i32>} : memref<40x64xf32, #tpu.memory_space<vmem>>, vector<1x16xf32>,
      %get3A_1302 = arith.constant 2016 : index
      %get3A_1303 = tpu.vector_load %arg4[%get3A_1302] {strides = array<i32>} : memref<2248xf32, #tpu.memory_space<vmem>>, vector<16xf32>,
      %get3A_1304 = vector.shape_cast %get3A_1303 : vector<16xf32> to vector<16xf32>
      %swap3A_1305 = arith.constant 36 : i32
      %swap3A_1306 = arith.index_cast %swap3A_1305 : i32 to index
      %swap3A_1307 = arith.constant 0 : index
      %swap3A_1308 = tpu.vector_load %arg5[%swap3A_1306, %swap3A_1307] {strides = array<i32>} : memref<40x64xf32, #tpu.memory_space<vmem>>, vector<1x16xf32>,
      %swap3A_1309 = vector.shape_cast %swap3A_1308 : vector<1x16xf32> to vector<16xf32>
      %swap3A_1310 = vector.shape_cast %get3A_1304 : vector<16xf32> to vector<1x16xf32>
      tpu.vector_store %arg5[%swap3A_1306, %swap3A_1307], %swap3A_1310 {strides = array<i32>} : memref<40x64xf32, #tpu.memory_space<vmem>>, vector<1x16xf32>,
      %get3A_1311 = arith.constant 2032 : index
      %get3A_1312 = tpu.vector_load %arg4[%get3A_1311] {strides = array<i32>} : memref<2248xf32, #tpu.memory_space<vmem>>, vector<16xf32>,
      %get3A_1313 = vector.shape_cast %get3A_1312 : vector<16xf32> to vector<16xf32>
      %swap3A_1314 = arith.constant 36 : i32
      %swap3A_1315 = arith.index_cast %swap3A_1314 : i32 to index
      %swap3A_1316 = arith.constant 16 : index
      %swap3A_1317 = tpu.vector_load %arg5[%swap3A_1315, %swap3A_1316] {strides = array<i32>} : memref<40x64xf32, #tpu.memory_space<vmem>>, vector<1x16xf32>,
      %swap3A_1318 = vector.shape_cast %swap3A_1317 : vector<1x16xf32> to vector<16xf32>
      %swap3A_1319 = vector.shape_cast %get3A_1313 : vector<16xf32> to vector<1x16xf32>
      tpu.vector_store %arg5[%swap3A_1315, %swap3A_1316], %swap3A_1319 {strides = array<i32>} : memref<40x64xf32, #tpu.memory_space<vmem>>, vector<1x16xf32>,
      %get3A_1320 = arith.constant 2048 : index
      %get3A_1321 = tpu.vector_load %arg4[%get3A_1320] {strides = array<i32>} : memref<2248xf32, #tpu.memory_space<vmem>>, vector<16xf32>,
      %get3A_1322 = vector.shape_cast %get3A_1321 : vector<16xf32> to vector<16xf32>
      %swap3A_1323 = arith.constant 36 : i32
      %swap3A_1324 = arith.index_cast %swap3A_1323 : i32 to index
      %swap3A_1325 = arith.constant 32 : index
      %swap3A_1326 = tpu.vector_load %arg5[%swap3A_1324, %swap3A_1325] {strides = array<i32>} : memref<40x64xf32, #tpu.memory_space<vmem>>, vector<1x16xf32>,
      %swap3A_1327 = vector.shape_cast %swap3A_1326 : vector<1x16xf32> to vector<16xf32>
      %swap3A_1328 = vector.shape_cast %get3A_1322 : vector<16xf32> to vector<1x16xf32>
      tpu.vector_store %arg5[%swap3A_1324, %swap3A_1325], %swap3A_1328 {strides = array<i32>} : memref<40x64xf32, #tpu.memory_space<vmem>>, vector<1x16xf32>,
      %get3A_1329 = arith.constant 2064 : index
      %get3A_1330 = tpu.vector_load %arg4[%get3A_1329] {strides = array<i32>} : memref<2248xf32, #tpu.memory_space<vmem>>, vector<16xf32>,
      %get3A_1331 = vector.shape_cast %get3A_1330 : vector<16xf32> to vector<16xf32>
      %swap3A_1332 = arith.constant 36 : i32
      %swap3A_1333 = arith.index_cast %swap3A_1332 : i32 to index
      %swap3A_1334 = arith.constant 48 : index
      %swap3A_1335 = tpu.vector_load %arg5[%swap3A_1333, %swap3A_1334] {strides = array<i32>} : memref<40x64xf32, #tpu.memory_space<vmem>>, vector<1x16xf32>,
      %swap3A_1336 = vector.shape_cast %swap3A_1335 : vector<1x16xf32> to vector<16xf32>
      %swap3A_1337 = vector.shape_cast %get3A_1331 : vector<16xf32> to vector<1x16xf32>
      tpu.vector_store %arg5[%swap3A_1333, %swap3A_1334], %swap3A_1337 {strides = array<i32>} : memref<40x64xf32, #tpu.memory_space<vmem>>, vector<1x16xf32>,
      %get3A_1338 = arith.constant 2072 : index
      %get3A_1339 = tpu.vector_load %arg4[%get3A_1338] {strides = array<i32>} : memref<2248xf32, #tpu.memory_space<vmem>>, vector<16xf32>,
      %get3A_1340 = vector.shape_cast %get3A_1339 : vector<16xf32> to vector<16xf32>
      %swap3A_1341 = arith.constant 37 : i32
      %swap3A_1342 = arith.index_cast %swap3A_1341 : i32 to index
      %swap3A_1343 = arith.constant 0 : index
      %swap3A_1344 = tpu.vector_load %arg5[%swap3A_1342, %swap3A_1343] {strides = array<i32>} : memref<40x64xf32, #tpu.memory_space<vmem>>, vector<1x16xf32>,
      %swap3A_1345 = vector.shape_cast %swap3A_1344 : vector<1x16xf32> to vector<16xf32>
      %swap3A_1346 = vector.shape_cast %get3A_1340 : vector<16xf32> to vector<1x16xf32>
      tpu.vector_store %arg5[%swap3A_1342, %swap3A_1343], %swap3A_1346 {strides = array<i32>} : memref<40x64xf32, #tpu.memory_space<vmem>>, vector<1x16xf32>,
      %get3A_1347 = arith.constant 2088 : index
      %get3A_1348 = tpu.vector_load %arg4[%get3A_1347] {strides = array<i32>} : memref<2248xf32, #tpu.memory_space<vmem>>, vector<16xf32>,
      %get3A_1349 = vector.shape_cast %get3A_1348 : vector<16xf32> to vector<16xf32>
      %swap3A_1350 = arith.constant 37 : i32
      %swap3A_1351 = arith.index_cast %swap3A_1350 : i32 to index
      %swap3A_1352 = arith.constant 16 : index
      %swap3A_1353 = tpu.vector_load %arg5[%swap3A_1351, %swap3A_1352] {strides = array<i32>} : memref<40x64xf32, #tpu.memory_space<vmem>>, vector<1x16xf32>,
      %swap3A_1354 = vector.shape_cast %swap3A_1353 : vector<1x16xf32> to vector<16xf32>
      %swap3A_1355 = vector.shape_cast %get3A_1349 : vector<16xf32> to vector<1x16xf32>
      tpu.vector_store %arg5[%swap3A_1351, %swap3A_1352], %swap3A_1355 {strides = array<i32>} : memref<40x64xf32, #tpu.memory_space<vmem>>, vector<1x16xf32>,
      %get3A_1356 = arith.constant 2104 : index
      %get3A_1357 = tpu.vector_load %arg4[%get3A_1356] {strides = array<i32>} : memref<2248xf32, #tpu.memory_space<vmem>>, vector<16xf32>,
      %get3A_1358 = vector.shape_cast %get3A_1357 : vector<16xf32> to vector<16xf32>
      %swap3A_1359 = arith.constant 37 : i32
      %swap3A_1360 = arith.index_cast %swap3A_1359 : i32 to index
      %swap3A_1361 = arith.constant 32 : index
      %swap3A_1362 = tpu.vector_load %arg5[%swap3A_1360, %swap3A_1361] {strides = array<i32>} : memref<40x64xf32, #tpu.memory_space<vmem>>, vector<1x16xf32>,
      %swap3A_1363 = vector.shape_cast %swap3A_1362 : vector<1x16xf32> to vector<16xf32>
      %swap3A_1364 = vector.shape_cast %get3A_1358 : vector<16xf32> to vector<1x16xf32>
      tpu.vector_store %arg5[%swap3A_1360, %swap3A_1361], %swap3A_1364 {strides = array<i32>} : memref<40x64xf32, #tpu.memory_space<vmem>>, vector<1x16xf32>,
      %get3A_1365 = arith.constant 2120 : index
      %get3A_1366 = tpu.vector_load %arg4[%get3A_1365] {strides = array<i32>} : memref<2248xf32, #tpu.memory_space<vmem>>, vector<16xf32>,
      %get3A_1367 = vector.shape_cast %get3A_1366 : vector<16xf32> to vector<16xf32>
      %swap3A_1368 = arith.constant 37 : i32
      %swap3A_1369 = arith.index_cast %swap3A_1368 : i32 to index
      %swap3A_1370 = arith.constant 48 : index
      %swap3A_1371 = tpu.vector_load %arg5[%swap3A_1369, %swap3A_1370] {strides = array<i32>} : memref<40x64xf32, #tpu.memory_space<vmem>>, vector<1x16xf32>,
      %swap3A_1372 = vector.shape_cast %swap3A_1371 : vector<1x16xf32> to vector<16xf32>
      %swap3A_1373 = vector.shape_cast %get3A_1367 : vector<16xf32> to vector<1x16xf32>
      tpu.vector_store %arg5[%swap3A_1369, %swap3A_1370], %swap3A_1373 {strides = array<i32>} : memref<40x64xf32, #tpu.memory_space<vmem>>, vector<1x16xf32>,
      %get3A_1374 = arith.constant 2128 : index
      %get3A_1375 = tpu.vector_load %arg4[%get3A_1374] {strides = array<i32>} : memref<2248xf32, #tpu.memory_space<vmem>>, vector<16xf32>,
      %get3A_1376 = vector.shape_cast %get3A_1375 : vector<16xf32> to vector<16xf32>
      %swap3A_1377 = arith.constant 38 : i32
      %swap3A_1378 = arith.index_cast %swap3A_1377 : i32 to index
      %swap3A_1379 = arith.constant 0 : index
      %swap3A_1380 = tpu.vector_load %arg5[%swap3A_1378, %swap3A_1379] {strides = array<i32>} : memref<40x64xf32, #tpu.memory_space<vmem>>, vector<1x16xf32>,
      %swap3A_1381 = vector.shape_cast %swap3A_1380 : vector<1x16xf32> to vector<16xf32>
      %swap3A_1382 = vector.shape_cast %get3A_1376 : vector<16xf32> to vector<1x16xf32>
      tpu.vector_store %arg5[%swap3A_1378, %swap3A_1379], %swap3A_1382 {strides = array<i32>} : memref<40x64xf32, #tpu.memory_space<vmem>>, vector<1x16xf32>,
      %get3A_1383 = arith.constant 2144 : index
      %get3A_1384 = tpu.vector_load %arg4[%get3A_1383] {strides = array<i32>} : memref<2248xf32, #tpu.memory_space<vmem>>, vector<16xf32>,
      %get3A_1385 = vector.shape_cast %get3A_1384 : vector<16xf32> to vector<16xf32>
      %swap3A_1386 = arith.constant 38 : i32
      %swap3A_1387 = arith.index_cast %swap3A_1386 : i32 to index
      %swap3A_1388 = arith.constant 16 : index
      %swap3A_1389 = tpu.vector_load %arg5[%swap3A_1387, %swap3A_1388] {strides = array<i32>} : memref<40x64xf32, #tpu.memory_space<vmem>>, vector<1x16xf32>,
      %swap3A_1390 = vector.shape_cast %swap3A_1389 : vector<1x16xf32> to vector<16xf32>
      %swap3A_1391 = vector.shape_cast %get3A_1385 : vector<16xf32> to vector<1x16xf32>
      tpu.vector_store %arg5[%swap3A_1387, %swap3A_1388], %swap3A_1391 {strides = array<i32>} : memref<40x64xf32, #tpu.memory_space<vmem>>, vector<1x16xf32>,
      %get3A_1392 = arith.constant 2160 : index
      %get3A_1393 = tpu.vector_load %arg4[%get3A_1392] {strides = array<i32>} : memref<2248xf32, #tpu.memory_space<vmem>>, vector<16xf32>,
      %get3A_1394 = vector.shape_cast %get3A_1393 : vector<16xf32> to vector<16xf32>
      %swap3A_1395 = arith.constant 38 : i32
      %swap3A_1396 = arith.index_cast %swap3A_1395 : i32 to index
      %swap3A_1397 = arith.constant 32 : index
      %swap3A_1398 = tpu.vector_load %arg5[%swap3A_1396, %swap3A_1397] {strides = array<i32>} : memref<40x64xf32, #tpu.memory_space<vmem>>, vector<1x16xf32>,
      %swap3A_1399 = vector.shape_cast %swap3A_1398 : vector<1x16xf32> to vector<16xf32>
      %swap3A_1400 = vector.shape_cast %get3A_1394 : vector<16xf32> to vector<1x16xf32>
      tpu.vector_store %arg5[%swap3A_1396, %swap3A_1397], %swap3A_1400 {strides = array<i32>} : memref<40x64xf32, #tpu.memory_space<vmem>>, vector<1x16xf32>,
      %get3A_1401 = arith.constant 2176 : index
      %get3A_1402 = tpu.vector_load %arg4[%get3A_1401] {strides = array<i32>} : memref<2248xf32, #tpu.memory_space<vmem>>, vector<16xf32>,
      %get3A_1403 = vector.shape_cast %get3A_1402 : vector<16xf32> to vector<16xf32>
      %swap3A_1404 = arith.constant 38 : i32
      %swap3A_1405 = arith.index_cast %swap3A_1404 : i32 to index
      %swap3A_1406 = arith.constant 48 : index
      %swap3A_1407 = tpu.vector_load %arg5[%swap3A_1405, %swap3A_1406] {strides = array<i32>} : memref<40x64xf32, #tpu.memory_space<vmem>>, vector<1x16xf32>,
      %swap3A_1408 = vector.shape_cast %swap3A_1407 : vector<1x16xf32> to vector<16xf32>
      %swap3A_1409 = vector.shape_cast %get3A_1403 : vector<16xf32> to vector<1x16xf32>
      tpu.vector_store %arg5[%swap3A_1405, %swap3A_1406], %swap3A_1409 {strides = array<i32>} : memref<40x64xf32, #tpu.memory_space<vmem>>, vector<1x16xf32>,
      %get3A_1410 = arith.constant 2184 : index
      %get3A_1411 = tpu.vector_load %arg4[%get3A_1410] {strides = array<i32>} : memref<2248xf32, #tpu.memory_space<vmem>>, vector<16xf32>,
      %get3A_1412 = vector.shape_cast %get3A_1411 : vector<16xf32> to vector<16xf32>
      %swap3A_1413 = arith.constant 39 : i32
      %swap3A_1414 = arith.index_cast %swap3A_1413 : i32 to index
      %swap3A_1415 = arith.constant 0 : index
      %swap3A_1416 = tpu.vector_load %arg5[%swap3A_1414, %swap3A_1415] {strides = array<i32>} : memref<40x64xf32, #tpu.memory_space<vmem>>, vector<1x16xf32>,
      %swap3A_1417 = vector.shape_cast %swap3A_1416 : vector<1x16xf32> to vector<16xf32>
      %swap3A_1418 = vector.shape_cast %get3A_1412 : vector<16xf32> to vector<1x16xf32>
      tpu.vector_store %arg5[%swap3A_1414, %swap3A_1415], %swap3A_1418 {strides = array<i32>} : memref<40x64xf32, #tpu.memory_space<vmem>>, vector<1x16xf32>,
      %get3A_1419 = arith.constant 2200 : index
      %get3A_1420 = tpu.vector_load %arg4[%get3A_1419] {strides = array<i32>} : memref<2248xf32, #tpu.memory_space<vmem>>, vector<16xf32>,
      %get3A_1421 = vector.shape_cast %get3A_1420 : vector<16xf32> to vector<16xf32>
      %swap3A_1422 = arith.constant 39 : i32
      %swap3A_1423 = arith.index_cast %swap3A_1422 : i32 to index
      %swap3A_1424 = arith.constant 16 : index
      %swap3A_1425 = tpu.vector_load %arg5[%swap3A_1423, %swap3A_1424] {strides = array<i32>} : memref<40x64xf32, #tpu.memory_space<vmem>>, vector<1x16xf32>,
      %swap3A_1426 = vector.shape_cast %swap3A_1425 : vector<1x16xf32> to vector<16xf32>
      %swap3A_1427 = vector.shape_cast %get3A_1421 : vector<16xf32> to vector<1x16xf32>
      tpu.vector_store %arg5[%swap3A_1423, %swap3A_1424], %swap3A_1427 {strides = array<i32>} : memref<40x64xf32, #tpu.memory_space<vmem>>, vector<1x16xf32>,
      %get3A_1428 = arith.constant 2216 : index
      %get3A_1429 = tpu.vector_load %arg4[%get3A_1428] {strides = array<i32>} : memref<2248xf32, #tpu.memory_space<vmem>>, vector<16xf32>,
      %get3A_1430 = vector.shape_cast %get3A_1429 : vector<16xf32> to vector<16xf32>
      %swap3A_1431 = arith.constant 39 : i32
      %swap3A_1432 = arith.index_cast %swap3A_1431 : i32 to index
      %swap3A_1433 = arith.constant 32 : index
      %swap3A_1434 = tpu.vector_load %arg5[%swap3A_1432, %swap3A_1433] {strides = array<i32>} : memref<40x64xf32, #tpu.memory_space<vmem>>, vector<1x16xf32>,
      %swap3A_1435 = vector.shape_cast %swap3A_1434 : vector<1x16xf32> to vector<16xf32>
      %swap3A_1436 = vector.shape_cast %get3A_1430 : vector<16xf32> to vector<1x16xf32>
      tpu.vector_store %arg5[%swap3A_1432, %swap3A_1433], %swap3A_1436 {strides = array<i32>} : memref<40x64xf32, #tpu.memory_space<vmem>>, vector<1x16xf32>,
      %get3A_1437 = arith.constant 2232 : index
      %get3A_1438 = tpu.vector_load %arg4[%get3A_1437] {strides = array<i32>} : memref<2248xf32, #tpu.memory_space<vmem>>, vector<16xf32>,
      %get3A_1439 = vector.shape_cast %get3A_1438 : vector<16xf32> to vector<16xf32>
      %swap3A_1440 = arith.constant 39 : i32
      %swap3A_1441 = arith.index_cast %swap3A_1440 : i32 to index
      %swap3A_1442 = arith.constant 48 : index
      %swap3A_1443 = tpu.vector_load %arg5[%swap3A_1441, %swap3A_1442] {strides = array<i32>} : memref<40x64xf32, #tpu.memory_space<vmem>>, vector<1x16xf32>,
      %swap3A_1444 = vector.shape_cast %swap3A_1443 : vector<1x16xf32> to vector<16xf32>
      %swap3A_1445 = vector.shape_cast %get3A_1439 : vector<16xf32> to vector<1x16xf32>
      tpu.vector_store %arg5[%swap3A_1441, %swap3A_1442], %swap3A_1445 {strides = array<i32>} : memref<40x64xf32, #tpu.memory_space<vmem>>, vector<1x16xf32>,
      "tpu.region"() ({
        %run_scoped3A = tpu.sem_alloc : memref<!tpu.dma_semaphore, #tpu.memory_space<semaphore_mem>>
        %dma_start3A = arith.constant 0 : i32
        %dma_start3A_1446 = arith.constant 0 : i32
        %dma_start3A_1447 = tpu.memref_slice %arg3[%arg1, %dma_start3A, %dma_start3A_1446] : memref<16x73x64xf32, #tpu.memory_space<hbm>> -> memref<1x40x64xf32, #tpu.memory_space<hbm>>
        %dma_start3A_1448 = tpu.memref_squeeze %dma_start3A_1447 : memref<1x40x64xf32, #tpu.memory_space<hbm>> -> memref<40x64xf32, #tpu.memory_space<hbm>>
        %dma_start3A_1449 = arith.constant 0 : i32
        %dma_start3A_1450 = arith.constant 0 : i32
        %dma_start3A_1451 = tpu.memref_slice %arg3[%arg1, %dma_start3A_1449, %dma_start3A_1450] : memref<16x73x64xf32, #tpu.memory_space<hbm>> -> memref<1x40x64xf32, #tpu.memory_space<hbm>>
        %dma_start3A_1452 = tpu.memref_squeeze %dma_start3A_1451 : memref<1x40x64xf32, #tpu.memory_space<hbm>> -> memref<40x64xf32, #tpu.memory_space<hbm>>
        tpu.enqueue_dma source(%arg5 : memref<40x64xf32, #tpu.memory_space<vmem>>) target(%dma_start3A_1452 : memref<40x64xf32, #tpu.memory_space<hbm>>) target_semaphore(%run_scoped3A : memref<!tpu.dma_semaphore, #tpu.memory_space<semaphore_mem>>)
        %dma_wait3A = arith.constant 0 : i32
        %dma_wait3A_1453 = arith.constant 0 : i32
        %dma_wait3A_1454 = tpu.memref_slice %arg3[%arg1, %dma_wait3A, %dma_wait3A_1453] : memref<16x73x64xf32, #tpu.memory_space<hbm>> -> memref<1x40x64xf32, #tpu.memory_space<hbm>>
        %dma_wait3A_1455 = tpu.memref_squeeze %dma_wait3A_1454 : memref<1x40x64xf32, #tpu.memory_space<hbm>> -> memref<40x64xf32, #tpu.memory_space<hbm>>
        %dma_wait3A_1456 = arith.constant 0 : i32
        %dma_wait3A_1457 = arith.constant 0 : i32
        %dma_wait3A_1458 = tpu.memref_slice %arg3[%arg1, %dma_wait3A_1456, %dma_wait3A_1457] : memref<16x73x64xf32, #tpu.memory_space<hbm>> -> memref<1x40x64xf32, #tpu.memory_space<hbm>>
        %dma_wait3A_1459 = tpu.memref_squeeze %dma_wait3A_1458 : memref<1x40x64xf32, #tpu.memory_space<hbm>> -> memref<40x64xf32, #tpu.memory_space<hbm>>
        tpu.wait_dma2 semaphore(%run_scoped3A : memref<!tpu.dma_semaphore, #tpu.memory_space<semaphore_mem>>) src(%arg5 : memref<40x64xf32, #tpu.memory_space<vmem>>) dst(%dma_wait3A_1459 : memref<40x64xf32, #tpu.memory_space<hbm>>)
        tpu.yield
      }) : () -> ()
    } else {
    }
    %eq3A_2 = arith.constant 1 : i32
    %eq3A_3 = arith.cmpi eq, %arg0, %eq3A_2 : i32
    %convert_element_type3A_4 = arith.extui %eq3A_3 : i1 to i32
    %cond3A_5 = arith.constant 0 : i32
    %cond3A_6 = arith.cmpi ne, %convert_element_type3A_4, %cond3A_5 : i32
    scf.if %cond3A_6 {
      %mul3A = arith.constant 4096 : i32
      %mul3A_7 = arith.muli %arg1, %mul3A : i32
      %add3A = arith.constant 2240 : i32
      %add3A_8 = arith.addi %mul3A_7, %add3A : i32
      %multiple_of3A = tpu.assume_multiple %add3A_8, 8 : i32
      "tpu.region"() ({
        %run_scoped3A = tpu.sem_alloc : memref<!tpu.dma_semaphore, #tpu.memory_space<semaphore_mem>>
        %dma_start3A = arith.constant 0 : i32
        %dma_start3A_1195 = tpu.memref_slice %arg4[%dma_start3A] : memref<2248xf32, #tpu.memory_space<vmem>> -> memref<1856xf32, #tpu.memory_space<vmem>>
        %dma_start3A_1196 = tpu.memref_slice %arg2[%multiple_of3A] : memref<65536xf32, #tpu.memory_space<hbm>> -> memref<1856xf32, #tpu.memory_space<hbm>>
        %dma_start3A_1197 = arith.constant 0 : i32
        %dma_start3A_1198 = tpu.memref_slice %arg4[%dma_start3A_1197] : memref<2248xf32, #tpu.memory_space<vmem>> -> memref<1856xf32, #tpu.memory_space<vmem>>
        %dma_start3A_1199 = tpu.memref_slice %arg2[%multiple_of3A] : memref<65536xf32, #tpu.memory_space<hbm>> -> memref<1856xf32, #tpu.memory_space<hbm>>
        tpu.enqueue_dma source(%dma_start3A_1199 : memref<1856xf32, #tpu.memory_space<hbm>>) target(%dma_start3A_1198 : memref<1856xf32, #tpu.memory_space<vmem>>) target_semaphore(%run_scoped3A : memref<!tpu.dma_semaphore, #tpu.memory_space<semaphore_mem>>)
        %dma_wait3A = arith.constant 0 : i32
        %dma_wait3A_1200 = tpu.memref_slice %arg4[%dma_wait3A] : memref<2248xf32, #tpu.memory_space<vmem>> -> memref<1856xf32, #tpu.memory_space<vmem>>
        %dma_wait3A_1201 = tpu.memref_slice %arg2[%multiple_of3A] : memref<65536xf32, #tpu.memory_space<hbm>> -> memref<1856xf32, #tpu.memory_space<hbm>>
        %dma_wait3A_1202 = arith.constant 0 : i32
        %dma_wait3A_1203 = tpu.memref_slice %arg4[%dma_wait3A_1202] : memref<2248xf32, #tpu.memory_space<vmem>> -> memref<1856xf32, #tpu.memory_space<vmem>>
        %dma_wait3A_1204 = tpu.memref_slice %arg2[%multiple_of3A] : memref<65536xf32, #tpu.memory_space<hbm>> -> memref<1856xf32, #tpu.memory_space<hbm>>
        tpu.wait_dma2 semaphore(%run_scoped3A : memref<!tpu.dma_semaphore, #tpu.memory_space<semaphore_mem>>) src(%dma_wait3A_1204 : memref<1856xf32, #tpu.memory_space<hbm>>) dst(%dma_wait3A_1203 : memref<1856xf32, #tpu.memory_space<vmem>>)
        tpu.yield
      }) : () -> ()
      %get3A = arith.constant 0 : index
      %get3A_9 = tpu.vector_load %arg4[%get3A] {strides = array<i32>} : memref<2248xf32, #tpu.memory_space<vmem>>, vector<16xf32>,
      %get3A_10 = vector.shape_cast %get3A_9 : vector<16xf32> to vector<16xf32>
      %swap3A = arith.constant 0 : i32
      %swap3A_11 = arith.index_cast %swap3A : i32 to index
      %swap3A_12 = arith.constant 0 : index
      %swap3A_13 = tpu.vector_load %arg5[%swap3A_11, %swap3A_12] {strides = array<i32>} : memref<40x64xf32, #tpu.memory_space<vmem>>, vector<1x16xf32>,
      %swap3A_14 = vector.shape_cast %swap3A_13 : vector<1x16xf32> to vector<16xf32>
      %swap3A_15 = vector.shape_cast %get3A_10 : vector<16xf32> to vector<1x16xf32>
      tpu.vector_store %arg5[%swap3A_11, %swap3A_12], %swap3A_15 {strides = array<i32>} : memref<40x64xf32, #tpu.memory_space<vmem>>, vector<1x16xf32>,
      %get3A_16 = arith.constant 16 : index
      %get3A_17 = tpu.vector_load %arg4[%get3A_16] {strides = array<i32>} : memref<2248xf32, #tpu.memory_space<vmem>>, vector<16xf32>,
      %get3A_18 = vector.shape_cast %get3A_17 : vector<16xf32> to vector<16xf32>
      %swap3A_19 = arith.constant 0 : i32
      %swap3A_20 = arith.index_cast %swap3A_19 : i32 to index
      %swap3A_21 = arith.constant 16 : index
      %swap3A_22 = tpu.vector_load %arg5[%swap3A_20, %swap3A_21] {strides = array<i32>} : memref<40x64xf32, #tpu.memory_space<vmem>>, vector<1x16xf32>,
      %swap3A_23 = vector.shape_cast %swap3A_22 : vector<1x16xf32> to vector<16xf32>
      %swap3A_24 = vector.shape_cast %get3A_18 : vector<16xf32> to vector<1x16xf32>
      tpu.vector_store %arg5[%swap3A_20, %swap3A_21], %swap3A_24 {strides = array<i32>} : memref<40x64xf32, #tpu.memory_space<vmem>>, vector<1x16xf32>,
      %get3A_25 = arith.constant 32 : index
      %get3A_26 = tpu.vector_load %arg4[%get3A_25] {strides = array<i32>} : memref<2248xf32, #tpu.memory_space<vmem>>, vector<16xf32>,
      %get3A_27 = vector.shape_cast %get3A_26 : vector<16xf32> to vector<16xf32>
      %swap3A_28 = arith.constant 0 : i32
      %swap3A_29 = arith.index_cast %swap3A_28 : i32 to index
      %swap3A_30 = arith.constant 32 : index
      %swap3A_31 = tpu.vector_load %arg5[%swap3A_29, %swap3A_30] {strides = array<i32>} : memref<40x64xf32, #tpu.memory_space<vmem>>, vector<1x16xf32>,
      %swap3A_32 = vector.shape_cast %swap3A_31 : vector<1x16xf32> to vector<16xf32>
      %swap3A_33 = vector.shape_cast %get3A_27 : vector<16xf32> to vector<1x16xf32>
      tpu.vector_store %arg5[%swap3A_29, %swap3A_30], %swap3A_33 {strides = array<i32>} : memref<40x64xf32, #tpu.memory_space<vmem>>, vector<1x16xf32>,
      %get3A_34 = arith.constant 48 : index
      %get3A_35 = tpu.vector_load %arg4[%get3A_34] {strides = array<i32>} : memref<2248xf32, #tpu.memory_space<vmem>>, vector<16xf32>,
      %get3A_36 = vector.shape_cast %get3A_35 : vector<16xf32> to vector<16xf32>
      %swap3A_37 = arith.constant 0 : i32
      %swap3A_38 = arith.index_cast %swap3A_37 : i32 to index
      %swap3A_39 = arith.constant 48 : index
      %swap3A_40 = tpu.vector_load %arg5[%swap3A_38, %swap3A_39] {strides = array<i32>} : memref<40x64xf32, #tpu.memory_space<vmem>>, vector<1x16xf32>,
      %swap3A_41 = vector.shape_cast %swap3A_40 : vector<1x16xf32> to vector<16xf32>
      %swap3A_42 = vector.shape_cast %get3A_36 : vector<16xf32> to vector<1x16xf32>
      tpu.vector_store %arg5[%swap3A_38, %swap3A_39], %swap3A_42 {strides = array<i32>} : memref<40x64xf32, #tpu.memory_space<vmem>>, vector<1x16xf32>,
      %get3A_43 = arith.constant 56 : index
      %get3A_44 = tpu.vector_load %arg4[%get3A_43] {strides = array<i32>} : memref<2248xf32, #tpu.memory_space<vmem>>, vector<16xf32>,
      %get3A_45 = vector.shape_cast %get3A_44 : vector<16xf32> to vector<16xf32>
      %swap3A_46 = arith.constant 1 : i32
      %swap3A_47 = arith.index_cast %swap3A_46 : i32 to index
      %swap3A_48 = arith.constant 0 : index
      %swap3A_49 = tpu.vector_load %arg5[%swap3A_47, %swap3A_48] {strides = array<i32>} : memref<40x64xf32, #tpu.memory_space<vmem>>, vector<1x16xf32>,
      %swap3A_50 = vector.shape_cast %swap3A_49 : vector<1x16xf32> to vector<16xf32>
      %swap3A_51 = vector.shape_cast %get3A_45 : vector<16xf32> to vector<1x16xf32>
      tpu.vector_store %arg5[%swap3A_47, %swap3A_48], %swap3A_51 {strides = array<i32>} : memref<40x64xf32, #tpu.memory_space<vmem>>, vector<1x16xf32>,
      %get3A_52 = arith.constant 72 : index
      %get3A_53 = tpu.vector_load %arg4[%get3A_52] {strides = array<i32>} : memref<2248xf32, #tpu.memory_space<vmem>>, vector<16xf32>,
      %get3A_54 = vector.shape_cast %get3A_53 : vector<16xf32> to vector<16xf32>
      %swap3A_55 = arith.constant 1 : i32
      %swap3A_56 = arith.index_cast %swap3A_55 : i32 to index
      %swap3A_57 = arith.constant 16 : index
      %swap3A_58 = tpu.vector_load %arg5[%swap3A_56, %swap3A_57] {strides = array<i32>} : memref<40x64xf32, #tpu.memory_space<vmem>>, vector<1x16xf32>,
      %swap3A_59 = vector.shape_cast %swap3A_58 : vector<1x16xf32> to vector<16xf32>
      %swap3A_60 = vector.shape_cast %get3A_54 : vector<16xf32> to vector<1x16xf32>
      tpu.vector_store %arg5[%swap3A_56, %swap3A_57], %swap3A_60 {strides = array<i32>} : memref<40x64xf32, #tpu.memory_space<vmem>>, vector<1x16xf32>,
      %get3A_61 = arith.constant 88 : index
      %get3A_62 = tpu.vector_load %arg4[%get3A_61] {strides = array<i32>} : memref<2248xf32, #tpu.memory_space<vmem>>, vector<16xf32>,
      %get3A_63 = vector.shape_cast %get3A_62 : vector<16xf32> to vector<16xf32>
      %swap3A_64 = arith.constant 1 : i32
      %swap3A_65 = arith.index_cast %swap3A_64 : i32 to index
      %swap3A_66 = arith.constant 32 : index
      %swap3A_67 = tpu.vector_load %arg5[%swap3A_65, %swap3A_66] {strides = array<i32>} : memref<40x64xf32, #tpu.memory_space<vmem>>, vector<1x16xf32>,
      %swap3A_68 = vector.shape_cast %swap3A_67 : vector<1x16xf32> to vector<16xf32>
      %swap3A_69 = vector.shape_cast %get3A_63 : vector<16xf32> to vector<1x16xf32>
      tpu.vector_store %arg5[%swap3A_65, %swap3A_66], %swap3A_69 {strides = array<i32>} : memref<40x64xf32, #tpu.memory_space<vmem>>, vector<1x16xf32>,
      %get3A_70 = arith.constant 104 : index
      %get3A_71 = tpu.vector_load %arg4[%get3A_70] {strides = array<i32>} : memref<2248xf32, #tpu.memory_space<vmem>>, vector<16xf32>,
      %get3A_72 = vector.shape_cast %get3A_71 : vector<16xf32> to vector<16xf32>
      %swap3A_73 = arith.constant 1 : i32
      %swap3A_74 = arith.index_cast %swap3A_73 : i32 to index
      %swap3A_75 = arith.constant 48 : index
      %swap3A_76 = tpu.vector_load %arg5[%swap3A_74, %swap3A_75] {strides = array<i32>} : memref<40x64xf32, #tpu.memory_space<vmem>>, vector<1x16xf32>,
      %swap3A_77 = vector.shape_cast %swap3A_76 : vector<1x16xf32> to vector<16xf32>
      %swap3A_78 = vector.shape_cast %get3A_72 : vector<16xf32> to vector<1x16xf32>
      tpu.vector_store %arg5[%swap3A_74, %swap3A_75], %swap3A_78 {strides = array<i32>} : memref<40x64xf32, #tpu.memory_space<vmem>>, vector<1x16xf32>,
      %get3A_79 = arith.constant 112 : index
      %get3A_80 = tpu.vector_load %arg4[%get3A_79] {strides = array<i32>} : memref<2248xf32, #tpu.memory_space<vmem>>, vector<16xf32>,
      %get3A_81 = vector.shape_cast %get3A_80 : vector<16xf32> to vector<16xf32>
      %swap3A_82 = arith.constant 2 : i32
      %swap3A_83 = arith.index_cast %swap3A_82 : i32 to index
      %swap3A_84 = arith.constant 0 : index
      %swap3A_85 = tpu.vector_load %arg5[%swap3A_83, %swap3A_84] {strides = array<i32>} : memref<40x64xf32, #tpu.memory_space<vmem>>, vector<1x16xf32>,
      %swap3A_86 = vector.shape_cast %swap3A_85 : vector<1x16xf32> to vector<16xf32>
      %swap3A_87 = vector.shape_cast %get3A_81 : vector<16xf32> to vector<1x16xf32>
      tpu.vector_store %arg5[%swap3A_83, %swap3A_84], %swap3A_87 {strides = array<i32>} : memref<40x64xf32, #tpu.memory_space<vmem>>, vector<1x16xf32>,
      %get3A_88 = arith.constant 128 : index
      %get3A_89 = tpu.vector_load %arg4[%get3A_88] {strides = array<i32>} : memref<2248xf32, #tpu.memory_space<vmem>>, vector<16xf32>,
      %get3A_90 = vector.shape_cast %get3A_89 : vector<16xf32> to vector<16xf32>
      %swap3A_91 = arith.constant 2 : i32
      %swap3A_92 = arith.index_cast %swap3A_91 : i32 to index
      %swap3A_93 = arith.constant 16 : index
      %swap3A_94 = tpu.vector_load %arg5[%swap3A_92, %swap3A_93] {strides = array<i32>} : memref<40x64xf32, #tpu.memory_space<vmem>>, vector<1x16xf32>,
      %swap3A_95 = vector.shape_cast %swap3A_94 : vector<1x16xf32> to vector<16xf32>
      %swap3A_96 = vector.shape_cast %get3A_90 : vector<16xf32> to vector<1x16xf32>
      tpu.vector_store %arg5[%swap3A_92, %swap3A_93], %swap3A_96 {strides = array<i32>} : memref<40x64xf32, #tpu.memory_space<vmem>>, vector<1x16xf32>,
      %get3A_97 = arith.constant 144 : index
      %get3A_98 = tpu.vector_load %arg4[%get3A_97] {strides = array<i32>} : memref<2248xf32, #tpu.memory_space<vmem>>, vector<16xf32>,
      %get3A_99 = vector.shape_cast %get3A_98 : vector<16xf32> to vector<16xf32>
      %swap3A_100 = arith.constant 2 : i32
      %swap3A_101 = arith.index_cast %swap3A_100 : i32 to index
      %swap3A_102 = arith.constant 32 : index
      %swap3A_103 = tpu.vector_load %arg5[%swap3A_101, %swap3A_102] {strides = array<i32>} : memref<40x64xf32, #tpu.memory_space<vmem>>, vector<1x16xf32>,
      %swap3A_104 = vector.shape_cast %swap3A_103 : vector<1x16xf32> to vector<16xf32>
      %swap3A_105 = vector.shape_cast %get3A_99 : vector<16xf32> to vector<1x16xf32>
      tpu.vector_store %arg5[%swap3A_101, %swap3A_102], %swap3A_105 {strides = array<i32>} : memref<40x64xf32, #tpu.memory_space<vmem>>, vector<1x16xf32>,
      %get3A_106 = arith.constant 160 : index
      %get3A_107 = tpu.vector_load %arg4[%get3A_106] {strides = array<i32>} : memref<2248xf32, #tpu.memory_space<vmem>>, vector<16xf32>,
      %get3A_108 = vector.shape_cast %get3A_107 : vector<16xf32> to vector<16xf32>
      %swap3A_109 = arith.constant 2 : i32
      %swap3A_110 = arith.index_cast %swap3A_109 : i32 to index
      %swap3A_111 = arith.constant 48 : index
      %swap3A_112 = tpu.vector_load %arg5[%swap3A_110, %swap3A_111] {strides = array<i32>} : memref<40x64xf32, #tpu.memory_space<vmem>>, vector<1x16xf32>,
      %swap3A_113 = vector.shape_cast %swap3A_112 : vector<1x16xf32> to vector<16xf32>
      %swap3A_114 = vector.shape_cast %get3A_108 : vector<16xf32> to vector<1x16xf32>
      tpu.vector_store %arg5[%swap3A_110, %swap3A_111], %swap3A_114 {strides = array<i32>} : memref<40x64xf32, #tpu.memory_space<vmem>>, vector<1x16xf32>,
      %get3A_115 = arith.constant 168 : index
      %get3A_116 = tpu.vector_load %arg4[%get3A_115] {strides = array<i32>} : memref<2248xf32, #tpu.memory_space<vmem>>, vector<16xf32>,
      %get3A_117 = vector.shape_cast %get3A_116 : vector<16xf32> to vector<16xf32>
      %swap3A_118 = arith.constant 3 : i32
      %swap3A_119 = arith.index_cast %swap3A_118 : i32 to index
      %swap3A_120 = arith.constant 0 : index
      %swap3A_121 = tpu.vector_load %arg5[%swap3A_119, %swap3A_120] {strides = array<i32>} : memref<40x64xf32, #tpu.memory_space<vmem>>, vector<1x16xf32>,
      %swap3A_122 = vector.shape_cast %swap3A_121 : vector<1x16xf32> to vector<16xf32>
      %swap3A_123 = vector.shape_cast %get3A_117 : vector<16xf32> to vector<1x16xf32>
      tpu.vector_store %arg5[%swap3A_119, %swap3A_120], %swap3A_123 {strides = array<i32>} : memref<40x64xf32, #tpu.memory_space<vmem>>, vector<1x16xf32>,
      %get3A_124 = arith.constant 184 : index
      %get3A_125 = tpu.vector_load %arg4[%get3A_124] {strides = array<i32>} : memref<2248xf32, #tpu.memory_space<vmem>>, vector<16xf32>,
      %get3A_126 = vector.shape_cast %get3A_125 : vector<16xf32> to vector<16xf32>
      %swap3A_127 = arith.constant 3 : i32
      %swap3A_128 = arith.index_cast %swap3A_127 : i32 to index
      %swap3A_129 = arith.constant 16 : index
      %swap3A_130 = tpu.vector_load %arg5[%swap3A_128, %swap3A_129] {strides = array<i32>} : memref<40x64xf32, #tpu.memory_space<vmem>>, vector<1x16xf32>,
      %swap3A_131 = vector.shape_cast %swap3A_130 : vector<1x16xf32> to vector<16xf32>
      %swap3A_132 = vector.shape_cast %get3A_126 : vector<16xf32> to vector<1x16xf32>
      tpu.vector_store %arg5[%swap3A_128, %swap3A_129], %swap3A_132 {strides = array<i32>} : memref<40x64xf32, #tpu.memory_space<vmem>>, vector<1x16xf32>,
      %get3A_133 = arith.constant 200 : index
      %get3A_134 = tpu.vector_load %arg4[%get3A_133] {strides = array<i32>} : memref<2248xf32, #tpu.memory_space<vmem>>, vector<16xf32>,
      %get3A_135 = vector.shape_cast %get3A_134 : vector<16xf32> to vector<16xf32>
      %swap3A_136 = arith.constant 3 : i32
      %swap3A_137 = arith.index_cast %swap3A_136 : i32 to index
      %swap3A_138 = arith.constant 32 : index
      %swap3A_139 = tpu.vector_load %arg5[%swap3A_137, %swap3A_138] {strides = array<i32>} : memref<40x64xf32, #tpu.memory_space<vmem>>, vector<1x16xf32>,
      %swap3A_140 = vector.shape_cast %swap3A_139 : vector<1x16xf32> to vector<16xf32>
      %swap3A_141 = vector.shape_cast %get3A_135 : vector<16xf32> to vector<1x16xf32>
      tpu.vector_store %arg5[%swap3A_137, %swap3A_138], %swap3A_141 {strides = array<i32>} : memref<40x64xf32, #tpu.memory_space<vmem>>, vector<1x16xf32>,
      %get3A_142 = arith.constant 216 : index
      %get3A_143 = tpu.vector_load %arg4[%get3A_142] {strides = array<i32>} : memref<2248xf32, #tpu.memory_space<vmem>>, vector<16xf32>,
      %get3A_144 = vector.shape_cast %get3A_143 : vector<16xf32> to vector<16xf32>
      %swap3A_145 = arith.constant 3 : i32
      %swap3A_146 = arith.index_cast %swap3A_145 : i32 to index
      %swap3A_147 = arith.constant 48 : index
      %swap3A_148 = tpu.vector_load %arg5[%swap3A_146, %swap3A_147] {strides = array<i32>} : memref<40x64xf32, #tpu.memory_space<vmem>>, vector<1x16xf32>,
      %swap3A_149 = vector.shape_cast %swap3A_148 : vector<1x16xf32> to vector<16xf32>
      %swap3A_150 = vector.shape_cast %get3A_144 : vector<16xf32> to vector<1x16xf32>
      tpu.vector_store %arg5[%swap3A_146, %swap3A_147], %swap3A_150 {strides = array<i32>} : memref<40x64xf32, #tpu.memory_space<vmem>>, vector<1x16xf32>,
      %get3A_151 = arith.constant 224 : index
      %get3A_152 = tpu.vector_load %arg4[%get3A_151] {strides = array<i32>} : memref<2248xf32, #tpu.memory_space<vmem>>, vector<16xf32>,
      %get3A_153 = vector.shape_cast %get3A_152 : vector<16xf32> to vector<16xf32>
      %swap3A_154 = arith.constant 4 : i32
      %swap3A_155 = arith.index_cast %swap3A_154 : i32 to index
      %swap3A_156 = arith.constant 0 : index
      %swap3A_157 = tpu.vector_load %arg5[%swap3A_155, %swap3A_156] {strides = array<i32>} : memref<40x64xf32, #tpu.memory_space<vmem>>, vector<1x16xf32>,
      %swap3A_158 = vector.shape_cast %swap3A_157 : vector<1x16xf32> to vector<16xf32>
      %swap3A_159 = vector.shape_cast %get3A_153 : vector<16xf32> to vector<1x16xf32>
      tpu.vector_store %arg5[%swap3A_155, %swap3A_156], %swap3A_159 {strides = array<i32>} : memref<40x64xf32, #tpu.memory_space<vmem>>, vector<1x16xf32>,
      %get3A_160 = arith.constant 240 : index
      %get3A_161 = tpu.vector_load %arg4[%get3A_160] {strides = array<i32>} : memref<2248xf32, #tpu.memory_space<vmem>>, vector<16xf32>,
      %get3A_162 = vector.shape_cast %get3A_161 : vector<16xf32> to vector<16xf32>
      %swap3A_163 = arith.constant 4 : i32
      %swap3A_164 = arith.index_cast %swap3A_163 : i32 to index
      %swap3A_165 = arith.constant 16 : index
      %swap3A_166 = tpu.vector_load %arg5[%swap3A_164, %swap3A_165] {strides = array<i32>} : memref<40x64xf32, #tpu.memory_space<vmem>>, vector<1x16xf32>,
      %swap3A_167 = vector.shape_cast %swap3A_166 : vector<1x16xf32> to vector<16xf32>
      %swap3A_168 = vector.shape_cast %get3A_162 : vector<16xf32> to vector<1x16xf32>
      tpu.vector_store %arg5[%swap3A_164, %swap3A_165], %swap3A_168 {strides = array<i32>} : memref<40x64xf32, #tpu.memory_space<vmem>>, vector<1x16xf32>,
      %get3A_169 = arith.constant 256 : index
      %get3A_170 = tpu.vector_load %arg4[%get3A_169] {strides = array<i32>} : memref<2248xf32, #tpu.memory_space<vmem>>, vector<16xf32>,
      %get3A_171 = vector.shape_cast %get3A_170 : vector<16xf32> to vector<16xf32>
      %swap3A_172 = arith.constant 4 : i32
      %swap3A_173 = arith.index_cast %swap3A_172 : i32 to index
      %swap3A_174 = arith.constant 32 : index
      %swap3A_175 = tpu.vector_load %arg5[%swap3A_173, %swap3A_174] {strides = array<i32>} : memref<40x64xf32, #tpu.memory_space<vmem>>, vector<1x16xf32>,
      %swap3A_176 = vector.shape_cast %swap3A_175 : vector<1x16xf32> to vector<16xf32>
      %swap3A_177 = vector.shape_cast %get3A_171 : vector<16xf32> to vector<1x16xf32>
      tpu.vector_store %arg5[%swap3A_173, %swap3A_174], %swap3A_177 {strides = array<i32>} : memref<40x64xf32, #tpu.memory_space<vmem>>, vector<1x16xf32>,
      %get3A_178 = arith.constant 272 : index
      %get3A_179 = tpu.vector_load %arg4[%get3A_178] {strides = array<i32>} : memref<2248xf32, #tpu.memory_space<vmem>>, vector<16xf32>,
      %get3A_180 = vector.shape_cast %get3A_179 : vector<16xf32> to vector<16xf32>
      %swap3A_181 = arith.constant 4 : i32
      %swap3A_182 = arith.index_cast %swap3A_181 : i32 to index
      %swap3A_183 = arith.constant 48 : index
      %swap3A_184 = tpu.vector_load %arg5[%swap3A_182, %swap3A_183] {strides = array<i32>} : memref<40x64xf32, #tpu.memory_space<vmem>>, vector<1x16xf32>,
      %swap3A_185 = vector.shape_cast %swap3A_184 : vector<1x16xf32> to vector<16xf32>
      %swap3A_186 = vector.shape_cast %get3A_180 : vector<16xf32> to vector<1x16xf32>
      tpu.vector_store %arg5[%swap3A_182, %swap3A_183], %swap3A_186 {strides = array<i32>} : memref<40x64xf32, #tpu.memory_space<vmem>>, vector<1x16xf32>,
      %get3A_187 = arith.constant 280 : index
      %get3A_188 = tpu.vector_load %arg4[%get3A_187] {strides = array<i32>} : memref<2248xf32, #tpu.memory_space<vmem>>, vector<16xf32>,
      %get3A_189 = vector.shape_cast %get3A_188 : vector<16xf32> to vector<16xf32>
      %swap3A_190 = arith.constant 5 : i32
      %swap3A_191 = arith.index_cast %swap3A_190 : i32 to index
      %swap3A_192 = arith.constant 0 : index
      %swap3A_193 = tpu.vector_load %arg5[%swap3A_191, %swap3A_192] {strides = array<i32>} : memref<40x64xf32, #tpu.memory_space<vmem>>, vector<1x16xf32>,
      %swap3A_194 = vector.shape_cast %swap3A_193 : vector<1x16xf32> to vector<16xf32>
      %swap3A_195 = vector.shape_cast %get3A_189 : vector<16xf32> to vector<1x16xf32>
      tpu.vector_store %arg5[%swap3A_191, %swap3A_192], %swap3A_195 {strides = array<i32>} : memref<40x64xf32, #tpu.memory_space<vmem>>, vector<1x16xf32>,
      %get3A_196 = arith.constant 296 : index
      %get3A_197 = tpu.vector_load %arg4[%get3A_196] {strides = array<i32>} : memref<2248xf32, #tpu.memory_space<vmem>>, vector<16xf32>,
      %get3A_198 = vector.shape_cast %get3A_197 : vector<16xf32> to vector<16xf32>
      %swap3A_199 = arith.constant 5 : i32
      %swap3A_200 = arith.index_cast %swap3A_199 : i32 to index
      %swap3A_201 = arith.constant 16 : index
      %swap3A_202 = tpu.vector_load %arg5[%swap3A_200, %swap3A_201] {strides = array<i32>} : memref<40x64xf32, #tpu.memory_space<vmem>>, vector<1x16xf32>,
      %swap3A_203 = vector.shape_cast %swap3A_202 : vector<1x16xf32> to vector<16xf32>
      %swap3A_204 = vector.shape_cast %get3A_198 : vector<16xf32> to vector<1x16xf32>
      tpu.vector_store %arg5[%swap3A_200, %swap3A_201], %swap3A_204 {strides = array<i32>} : memref<40x64xf32, #tpu.memory_space<vmem>>, vector<1x16xf32>,
      %get3A_205 = arith.constant 312 : index
      %get3A_206 = tpu.vector_load %arg4[%get3A_205] {strides = array<i32>} : memref<2248xf32, #tpu.memory_space<vmem>>, vector<16xf32>,
      %get3A_207 = vector.shape_cast %get3A_206 : vector<16xf32> to vector<16xf32>
      %swap3A_208 = arith.constant 5 : i32
      %swap3A_209 = arith.index_cast %swap3A_208 : i32 to index
      %swap3A_210 = arith.constant 32 : index
      %swap3A_211 = tpu.vector_load %arg5[%swap3A_209, %swap3A_210] {strides = array<i32>} : memref<40x64xf32, #tpu.memory_space<vmem>>, vector<1x16xf32>,
      %swap3A_212 = vector.shape_cast %swap3A_211 : vector<1x16xf32> to vector<16xf32>
      %swap3A_213 = vector.shape_cast %get3A_207 : vector<16xf32> to vector<1x16xf32>
      tpu.vector_store %arg5[%swap3A_209, %swap3A_210], %swap3A_213 {strides = array<i32>} : memref<40x64xf32, #tpu.memory_space<vmem>>, vector<1x16xf32>,
      %get3A_214 = arith.constant 328 : index
      %get3A_215 = tpu.vector_load %arg4[%get3A_214] {strides = array<i32>} : memref<2248xf32, #tpu.memory_space<vmem>>, vector<16xf32>,
      %get3A_216 = vector.shape_cast %get3A_215 : vector<16xf32> to vector<16xf32>
      %swap3A_217 = arith.constant 5 : i32
      %swap3A_218 = arith.index_cast %swap3A_217 : i32 to index
      %swap3A_219 = arith.constant 48 : index
      %swap3A_220 = tpu.vector_load %arg5[%swap3A_218, %swap3A_219] {strides = array<i32>} : memref<40x64xf32, #tpu.memory_space<vmem>>, vector<1x16xf32>,
      %swap3A_221 = vector.shape_cast %swap3A_220 : vector<1x16xf32> to vector<16xf32>
      %swap3A_222 = vector.shape_cast %get3A_216 : vector<16xf32> to vector<1x16xf32>
      tpu.vector_store %arg5[%swap3A_218, %swap3A_219], %swap3A_222 {strides = array<i32>} : memref<40x64xf32, #tpu.memory_space<vmem>>, vector<1x16xf32>,
      %get3A_223 = arith.constant 336 : index
      %get3A_224 = tpu.vector_load %arg4[%get3A_223] {strides = array<i32>} : memref<2248xf32, #tpu.memory_space<vmem>>, vector<16xf32>,
      %get3A_225 = vector.shape_cast %get3A_224 : vector<16xf32> to vector<16xf32>
      %swap3A_226 = arith.constant 6 : i32
      %swap3A_227 = arith.index_cast %swap3A_226 : i32 to index
      %swap3A_228 = arith.constant 0 : index
      %swap3A_229 = tpu.vector_load %arg5[%swap3A_227, %swap3A_228] {strides = array<i32>} : memref<40x64xf32, #tpu.memory_space<vmem>>, vector<1x16xf32>,
      %swap3A_230 = vector.shape_cast %swap3A_229 : vector<1x16xf32> to vector<16xf32>
      %swap3A_231 = vector.shape_cast %get3A_225 : vector<16xf32> to vector<1x16xf32>
      tpu.vector_store %arg5[%swap3A_227, %swap3A_228], %swap3A_231 {strides = array<i32>} : memref<40x64xf32, #tpu.memory_space<vmem>>, vector<1x16xf32>,
      %get3A_232 = arith.constant 352 : index
      %get3A_233 = tpu.vector_load %arg4[%get3A_232] {strides = array<i32>} : memref<2248xf32, #tpu.memory_space<vmem>>, vector<16xf32>,
      %get3A_234 = vector.shape_cast %get3A_233 : vector<16xf32> to vector<16xf32>
      %swap3A_235 = arith.constant 6 : i32
      %swap3A_236 = arith.index_cast %swap3A_235 : i32 to index
      %swap3A_237 = arith.constant 16 : index
      %swap3A_238 = tpu.vector_load %arg5[%swap3A_236, %swap3A_237] {strides = array<i32>} : memref<40x64xf32, #tpu.memory_space<vmem>>, vector<1x16xf32>,
      %swap3A_239 = vector.shape_cast %swap3A_238 : vector<1x16xf32> to vector<16xf32>
      %swap3A_240 = vector.shape_cast %get3A_234 : vector<16xf32> to vector<1x16xf32>
      tpu.vector_store %arg5[%swap3A_236, %swap3A_237], %swap3A_240 {strides = array<i32>} : memref<40x64xf32, #tpu.memory_space<vmem>>, vector<1x16xf32>,
      %get3A_241 = arith.constant 368 : index
      %get3A_242 = tpu.vector_load %arg4[%get3A_241] {strides = array<i32>} : memref<2248xf32, #tpu.memory_space<vmem>>, vector<16xf32>,
      %get3A_243 = vector.shape_cast %get3A_242 : vector<16xf32> to vector<16xf32>
      %swap3A_244 = arith.constant 6 : i32
      %swap3A_245 = arith.index_cast %swap3A_244 : i32 to index
      %swap3A_246 = arith.constant 32 : index
      %swap3A_247 = tpu.vector_load %arg5[%swap3A_245, %swap3A_246] {strides = array<i32>} : memref<40x64xf32, #tpu.memory_space<vmem>>, vector<1x16xf32>,
      %swap3A_248 = vector.shape_cast %swap3A_247 : vector<1x16xf32> to vector<16xf32>
      %swap3A_249 = vector.shape_cast %get3A_243 : vector<16xf32> to vector<1x16xf32>
      tpu.vector_store %arg5[%swap3A_245, %swap3A_246], %swap3A_249 {strides = array<i32>} : memref<40x64xf32, #tpu.memory_space<vmem>>, vector<1x16xf32>,
      %get3A_250 = arith.constant 384 : index
      %get3A_251 = tpu.vector_load %arg4[%get3A_250] {strides = array<i32>} : memref<2248xf32, #tpu.memory_space<vmem>>, vector<16xf32>,
      %get3A_252 = vector.shape_cast %get3A_251 : vector<16xf32> to vector<16xf32>
      %swap3A_253 = arith.constant 6 : i32
      %swap3A_254 = arith.index_cast %swap3A_253 : i32 to index
      %swap3A_255 = arith.constant 48 : index
      %swap3A_256 = tpu.vector_load %arg5[%swap3A_254, %swap3A_255] {strides = array<i32>} : memref<40x64xf32, #tpu.memory_space<vmem>>, vector<1x16xf32>,
      %swap3A_257 = vector.shape_cast %swap3A_256 : vector<1x16xf32> to vector<16xf32>
      %swap3A_258 = vector.shape_cast %get3A_252 : vector<16xf32> to vector<1x16xf32>
      tpu.vector_store %arg5[%swap3A_254, %swap3A_255], %swap3A_258 {strides = array<i32>} : memref<40x64xf32, #tpu.memory_space<vmem>>, vector<1x16xf32>,
      %get3A_259 = arith.constant 392 : index
      %get3A_260 = tpu.vector_load %arg4[%get3A_259] {strides = array<i32>} : memref<2248xf32, #tpu.memory_space<vmem>>, vector<16xf32>,
      %get3A_261 = vector.shape_cast %get3A_260 : vector<16xf32> to vector<16xf32>
      %swap3A_262 = arith.constant 7 : i32
      %swap3A_263 = arith.index_cast %swap3A_262 : i32 to index
      %swap3A_264 = arith.constant 0 : index
      %swap3A_265 = tpu.vector_load %arg5[%swap3A_263, %swap3A_264] {strides = array<i32>} : memref<40x64xf32, #tpu.memory_space<vmem>>, vector<1x16xf32>,
      %swap3A_266 = vector.shape_cast %swap3A_265 : vector<1x16xf32> to vector<16xf32>
      %swap3A_267 = vector.shape_cast %get3A_261 : vector<16xf32> to vector<1x16xf32>
      tpu.vector_store %arg5[%swap3A_263, %swap3A_264], %swap3A_267 {strides = array<i32>} : memref<40x64xf32, #tpu.memory_space<vmem>>, vector<1x16xf32>,
      %get3A_268 = arith.constant 408 : index
      %get3A_269 = tpu.vector_load %arg4[%get3A_268] {strides = array<i32>} : memref<2248xf32, #tpu.memory_space<vmem>>, vector<16xf32>,
      %get3A_270 = vector.shape_cast %get3A_269 : vector<16xf32> to vector<16xf32>
      %swap3A_271 = arith.constant 7 : i32
      %swap3A_272 = arith.index_cast %swap3A_271 : i32 to index
      %swap3A_273 = arith.constant 16 : index
      %swap3A_274 = tpu.vector_load %arg5[%swap3A_272, %swap3A_273] {strides = array<i32>} : memref<40x64xf32, #tpu.memory_space<vmem>>, vector<1x16xf32>,
      %swap3A_275 = vector.shape_cast %swap3A_274 : vector<1x16xf32> to vector<16xf32>
      %swap3A_276 = vector.shape_cast %get3A_270 : vector<16xf32> to vector<1x16xf32>
      tpu.vector_store %arg5[%swap3A_272, %swap3A_273], %swap3A_276 {strides = array<i32>} : memref<40x64xf32, #tpu.memory_space<vmem>>, vector<1x16xf32>,
      %get3A_277 = arith.constant 424 : index
      %get3A_278 = tpu.vector_load %arg4[%get3A_277] {strides = array<i32>} : memref<2248xf32, #tpu.memory_space<vmem>>, vector<16xf32>,
      %get3A_279 = vector.shape_cast %get3A_278 : vector<16xf32> to vector<16xf32>
      %swap3A_280 = arith.constant 7 : i32
      %swap3A_281 = arith.index_cast %swap3A_280 : i32 to index
      %swap3A_282 = arith.constant 32 : index
      %swap3A_283 = tpu.vector_load %arg5[%swap3A_281, %swap3A_282] {strides = array<i32>} : memref<40x64xf32, #tpu.memory_space<vmem>>, vector<1x16xf32>,
      %swap3A_284 = vector.shape_cast %swap3A_283 : vector<1x16xf32> to vector<16xf32>
      %swap3A_285 = vector.shape_cast %get3A_279 : vector<16xf32> to vector<1x16xf32>
      tpu.vector_store %arg5[%swap3A_281, %swap3A_282], %swap3A_285 {strides = array<i32>} : memref<40x64xf32, #tpu.memory_space<vmem>>, vector<1x16xf32>,
      %get3A_286 = arith.constant 440 : index
      %get3A_287 = tpu.vector_load %arg4[%get3A_286] {strides = array<i32>} : memref<2248xf32, #tpu.memory_space<vmem>>, vector<16xf32>,
      %get3A_288 = vector.shape_cast %get3A_287 : vector<16xf32> to vector<16xf32>
      %swap3A_289 = arith.constant 7 : i32
      %swap3A_290 = arith.index_cast %swap3A_289 : i32 to index
      %swap3A_291 = arith.constant 48 : index
      %swap3A_292 = tpu.vector_load %arg5[%swap3A_290, %swap3A_291] {strides = array<i32>} : memref<40x64xf32, #tpu.memory_space<vmem>>, vector<1x16xf32>,
      %swap3A_293 = vector.shape_cast %swap3A_292 : vector<1x16xf32> to vector<16xf32>
      %swap3A_294 = vector.shape_cast %get3A_288 : vector<16xf32> to vector<1x16xf32>
      tpu.vector_store %arg5[%swap3A_290, %swap3A_291], %swap3A_294 {strides = array<i32>} : memref<40x64xf32, #tpu.memory_space<vmem>>, vector<1x16xf32>,
      %get3A_295 = arith.constant 448 : index
      %get3A_296 = tpu.vector_load %arg4[%get3A_295] {strides = array<i32>} : memref<2248xf32, #tpu.memory_space<vmem>>, vector<16xf32>,
      %get3A_297 = vector.shape_cast %get3A_296 : vector<16xf32> to vector<16xf32>
      %swap3A_298 = arith.constant 8 : i32
      %swap3A_299 = arith.index_cast %swap3A_298 : i32 to index
      %swap3A_300 = arith.constant 0 : index
      %swap3A_301 = tpu.vector_load %arg5[%swap3A_299, %swap3A_300] {strides = array<i32>} : memref<40x64xf32, #tpu.memory_space<vmem>>, vector<1x16xf32>,
      %swap3A_302 = vector.shape_cast %swap3A_301 : vector<1x16xf32> to vector<16xf32>
      %swap3A_303 = vector.shape_cast %get3A_297 : vector<16xf32> to vector<1x16xf32>
      tpu.vector_store %arg5[%swap3A_299, %swap3A_300], %swap3A_303 {strides = array<i32>} : memref<40x64xf32, #tpu.memory_space<vmem>>, vector<1x16xf32>,
      %get3A_304 = arith.constant 464 : index
      %get3A_305 = tpu.vector_load %arg4[%get3A_304] {strides = array<i32>} : memref<2248xf32, #tpu.memory_space<vmem>>, vector<16xf32>,
      %get3A_306 = vector.shape_cast %get3A_305 : vector<16xf32> to vector<16xf32>
      %swap3A_307 = arith.constant 8 : i32
      %swap3A_308 = arith.index_cast %swap3A_307 : i32 to index
      %swap3A_309 = arith.constant 16 : index
      %swap3A_310 = tpu.vector_load %arg5[%swap3A_308, %swap3A_309] {strides = array<i32>} : memref<40x64xf32, #tpu.memory_space<vmem>>, vector<1x16xf32>,
      %swap3A_311 = vector.shape_cast %swap3A_310 : vector<1x16xf32> to vector<16xf32>
      %swap3A_312 = vector.shape_cast %get3A_306 : vector<16xf32> to vector<1x16xf32>
      tpu.vector_store %arg5[%swap3A_308, %swap3A_309], %swap3A_312 {strides = array<i32>} : memref<40x64xf32, #tpu.memory_space<vmem>>, vector<1x16xf32>,
      %get3A_313 = arith.constant 480 : index
      %get3A_314 = tpu.vector_load %arg4[%get3A_313] {strides = array<i32>} : memref<2248xf32, #tpu.memory_space<vmem>>, vector<16xf32>,
      %get3A_315 = vector.shape_cast %get3A_314 : vector<16xf32> to vector<16xf32>
      %swap3A_316 = arith.constant 8 : i32
      %swap3A_317 = arith.index_cast %swap3A_316 : i32 to index
      %swap3A_318 = arith.constant 32 : index
      %swap3A_319 = tpu.vector_load %arg5[%swap3A_317, %swap3A_318] {strides = array<i32>} : memref<40x64xf32, #tpu.memory_space<vmem>>, vector<1x16xf32>,
      %swap3A_320 = vector.shape_cast %swap3A_319 : vector<1x16xf32> to vector<16xf32>
      %swap3A_321 = vector.shape_cast %get3A_315 : vector<16xf32> to vector<1x16xf32>
      tpu.vector_store %arg5[%swap3A_317, %swap3A_318], %swap3A_321 {strides = array<i32>} : memref<40x64xf32, #tpu.memory_space<vmem>>, vector<1x16xf32>,
      %get3A_322 = arith.constant 496 : index
      %get3A_323 = tpu.vector_load %arg4[%get3A_322] {strides = array<i32>} : memref<2248xf32, #tpu.memory_space<vmem>>, vector<16xf32>,
      %get3A_324 = vector.shape_cast %get3A_323 : vector<16xf32> to vector<16xf32>
      %swap3A_325 = arith.constant 8 : i32
      %swap3A_326 = arith.index_cast %swap3A_325 : i32 to index
      %swap3A_327 = arith.constant 48 : index
      %swap3A_328 = tpu.vector_load %arg5[%swap3A_326, %swap3A_327] {strides = array<i32>} : memref<40x64xf32, #tpu.memory_space<vmem>>, vector<1x16xf32>,
      %swap3A_329 = vector.shape_cast %swap3A_328 : vector<1x16xf32> to vector<16xf32>
      %swap3A_330 = vector.shape_cast %get3A_324 : vector<16xf32> to vector<1x16xf32>
      tpu.vector_store %arg5[%swap3A_326, %swap3A_327], %swap3A_330 {strides = array<i32>} : memref<40x64xf32, #tpu.memory_space<vmem>>, vector<1x16xf32>,
      %get3A_331 = arith.constant 504 : index
      %get3A_332 = tpu.vector_load %arg4[%get3A_331] {strides = array<i32>} : memref<2248xf32, #tpu.memory_space<vmem>>, vector<16xf32>,
      %get3A_333 = vector.shape_cast %get3A_332 : vector<16xf32> to vector<16xf32>
      %swap3A_334 = arith.constant 9 : i32
      %swap3A_335 = arith.index_cast %swap3A_334 : i32 to index
      %swap3A_336 = arith.constant 0 : index
      %swap3A_337 = tpu.vector_load %arg5[%swap3A_335, %swap3A_336] {strides = array<i32>} : memref<40x64xf32, #tpu.memory_space<vmem>>, vector<1x16xf32>,
      %swap3A_338 = vector.shape_cast %swap3A_337 : vector<1x16xf32> to vector<16xf32>
      %swap3A_339 = vector.shape_cast %get3A_333 : vector<16xf32> to vector<1x16xf32>
      tpu.vector_store %arg5[%swap3A_335, %swap3A_336], %swap3A_339 {strides = array<i32>} : memref<40x64xf32, #tpu.memory_space<vmem>>, vector<1x16xf32>,
      %get3A_340 = arith.constant 520 : index
      %get3A_341 = tpu.vector_load %arg4[%get3A_340] {strides = array<i32>} : memref<2248xf32, #tpu.memory_space<vmem>>, vector<16xf32>,
      %get3A_342 = vector.shape_cast %get3A_341 : vector<16xf32> to vector<16xf32>
      %swap3A_343 = arith.constant 9 : i32
      %swap3A_344 = arith.index_cast %swap3A_343 : i32 to index
      %swap3A_345 = arith.constant 16 : index
      %swap3A_346 = tpu.vector_load %arg5[%swap3A_344, %swap3A_345] {strides = array<i32>} : memref<40x64xf32, #tpu.memory_space<vmem>>, vector<1x16xf32>,
      %swap3A_347 = vector.shape_cast %swap3A_346 : vector<1x16xf32> to vector<16xf32>
      %swap3A_348 = vector.shape_cast %get3A_342 : vector<16xf32> to vector<1x16xf32>
      tpu.vector_store %arg5[%swap3A_344, %swap3A_345], %swap3A_348 {strides = array<i32>} : memref<40x64xf32, #tpu.memory_space<vmem>>, vector<1x16xf32>,
      %get3A_349 = arith.constant 536 : index
      %get3A_350 = tpu.vector_load %arg4[%get3A_349] {strides = array<i32>} : memref<2248xf32, #tpu.memory_space<vmem>>, vector<16xf32>,
      %get3A_351 = vector.shape_cast %get3A_350 : vector<16xf32> to vector<16xf32>
      %swap3A_352 = arith.constant 9 : i32
      %swap3A_353 = arith.index_cast %swap3A_352 : i32 to index
      %swap3A_354 = arith.constant 32 : index
      %swap3A_355 = tpu.vector_load %arg5[%swap3A_353, %swap3A_354] {strides = array<i32>} : memref<40x64xf32, #tpu.memory_space<vmem>>, vector<1x16xf32>,
      %swap3A_356 = vector.shape_cast %swap3A_355 : vector<1x16xf32> to vector<16xf32>
      %swap3A_357 = vector.shape_cast %get3A_351 : vector<16xf32> to vector<1x16xf32>
      tpu.vector_store %arg5[%swap3A_353, %swap3A_354], %swap3A_357 {strides = array<i32>} : memref<40x64xf32, #tpu.memory_space<vmem>>, vector<1x16xf32>,
      %get3A_358 = arith.constant 552 : index
      %get3A_359 = tpu.vector_load %arg4[%get3A_358] {strides = array<i32>} : memref<2248xf32, #tpu.memory_space<vmem>>, vector<16xf32>,
      %get3A_360 = vector.shape_cast %get3A_359 : vector<16xf32> to vector<16xf32>
      %swap3A_361 = arith.constant 9 : i32
      %swap3A_362 = arith.index_cast %swap3A_361 : i32 to index
      %swap3A_363 = arith.constant 48 : index
      %swap3A_364 = tpu.vector_load %arg5[%swap3A_362, %swap3A_363] {strides = array<i32>} : memref<40x64xf32, #tpu.memory_space<vmem>>, vector<1x16xf32>,
      %swap3A_365 = vector.shape_cast %swap3A_364 : vector<1x16xf32> to vector<16xf32>
      %swap3A_366 = vector.shape_cast %get3A_360 : vector<16xf32> to vector<1x16xf32>
      tpu.vector_store %arg5[%swap3A_362, %swap3A_363], %swap3A_366 {strides = array<i32>} : memref<40x64xf32, #tpu.memory_space<vmem>>, vector<1x16xf32>,
      %get3A_367 = arith.constant 560 : index
      %get3A_368 = tpu.vector_load %arg4[%get3A_367] {strides = array<i32>} : memref<2248xf32, #tpu.memory_space<vmem>>, vector<16xf32>,
      %get3A_369 = vector.shape_cast %get3A_368 : vector<16xf32> to vector<16xf32>
      %swap3A_370 = arith.constant 10 : i32
      %swap3A_371 = arith.index_cast %swap3A_370 : i32 to index
      %swap3A_372 = arith.constant 0 : index
      %swap3A_373 = tpu.vector_load %arg5[%swap3A_371, %swap3A_372] {strides = array<i32>} : memref<40x64xf32, #tpu.memory_space<vmem>>, vector<1x16xf32>,
      %swap3A_374 = vector.shape_cast %swap3A_373 : vector<1x16xf32> to vector<16xf32>
      %swap3A_375 = vector.shape_cast %get3A_369 : vector<16xf32> to vector<1x16xf32>
      tpu.vector_store %arg5[%swap3A_371, %swap3A_372], %swap3A_375 {strides = array<i32>} : memref<40x64xf32, #tpu.memory_space<vmem>>, vector<1x16xf32>,
      %get3A_376 = arith.constant 576 : index
      %get3A_377 = tpu.vector_load %arg4[%get3A_376] {strides = array<i32>} : memref<2248xf32, #tpu.memory_space<vmem>>, vector<16xf32>,
      %get3A_378 = vector.shape_cast %get3A_377 : vector<16xf32> to vector<16xf32>
      %swap3A_379 = arith.constant 10 : i32
      %swap3A_380 = arith.index_cast %swap3A_379 : i32 to index
      %swap3A_381 = arith.constant 16 : index
      %swap3A_382 = tpu.vector_load %arg5[%swap3A_380, %swap3A_381] {strides = array<i32>} : memref<40x64xf32, #tpu.memory_space<vmem>>, vector<1x16xf32>,
      %swap3A_383 = vector.shape_cast %swap3A_382 : vector<1x16xf32> to vector<16xf32>
      %swap3A_384 = vector.shape_cast %get3A_378 : vector<16xf32> to vector<1x16xf32>
      tpu.vector_store %arg5[%swap3A_380, %swap3A_381], %swap3A_384 {strides = array<i32>} : memref<40x64xf32, #tpu.memory_space<vmem>>, vector<1x16xf32>,
      %get3A_385 = arith.constant 592 : index
      %get3A_386 = tpu.vector_load %arg4[%get3A_385] {strides = array<i32>} : memref<2248xf32, #tpu.memory_space<vmem>>, vector<16xf32>,
      %get3A_387 = vector.shape_cast %get3A_386 : vector<16xf32> to vector<16xf32>
      %swap3A_388 = arith.constant 10 : i32
      %swap3A_389 = arith.index_cast %swap3A_388 : i32 to index
      %swap3A_390 = arith.constant 32 : index
      %swap3A_391 = tpu.vector_load %arg5[%swap3A_389, %swap3A_390] {strides = array<i32>} : memref<40x64xf32, #tpu.memory_space<vmem>>, vector<1x16xf32>,
      %swap3A_392 = vector.shape_cast %swap3A_391 : vector<1x16xf32> to vector<16xf32>
      %swap3A_393 = vector.shape_cast %get3A_387 : vector<16xf32> to vector<1x16xf32>
      tpu.vector_store %arg5[%swap3A_389, %swap3A_390], %swap3A_393 {strides = array<i32>} : memref<40x64xf32, #tpu.memory_space<vmem>>, vector<1x16xf32>,
      %get3A_394 = arith.constant 608 : index
      %get3A_395 = tpu.vector_load %arg4[%get3A_394] {strides = array<i32>} : memref<2248xf32, #tpu.memory_space<vmem>>, vector<16xf32>,
      %get3A_396 = vector.shape_cast %get3A_395 : vector<16xf32> to vector<16xf32>
      %swap3A_397 = arith.constant 10 : i32
      %swap3A_398 = arith.index_cast %swap3A_397 : i32 to index
      %swap3A_399 = arith.constant 48 : index
      %swap3A_400 = tpu.vector_load %arg5[%swap3A_398, %swap3A_399] {strides = array<i32>} : memref<40x64xf32, #tpu.memory_space<vmem>>, vector<1x16xf32>,
      %swap3A_401 = vector.shape_cast %swap3A_400 : vector<1x16xf32> to vector<16xf32>
      %swap3A_402 = vector.shape_cast %get3A_396 : vector<16xf32> to vector<1x16xf32>
      tpu.vector_store %arg5[%swap3A_398, %swap3A_399], %swap3A_402 {strides = array<i32>} : memref<40x64xf32, #tpu.memory_space<vmem>>, vector<1x16xf32>,
      %get3A_403 = arith.constant 616 : index
      %get3A_404 = tpu.vector_load %arg4[%get3A_403] {strides = array<i32>} : memref<2248xf32, #tpu.memory_space<vmem>>, vector<16xf32>,
      %get3A_405 = vector.shape_cast %get3A_404 : vector<16xf32> to vector<16xf32>
      %swap3A_406 = arith.constant 11 : i32
      %swap3A_407 = arith.index_cast %swap3A_406 : i32 to index
      %swap3A_408 = arith.constant 0 : index
      %swap3A_409 = tpu.vector_load %arg5[%swap3A_407, %swap3A_408] {strides = array<i32>} : memref<40x64xf32, #tpu.memory_space<vmem>>, vector<1x16xf32>,
      %swap3A_410 = vector.shape_cast %swap3A_409 : vector<1x16xf32> to vector<16xf32>
      %swap3A_411 = vector.shape_cast %get3A_405 : vector<16xf32> to vector<1x16xf32>
      tpu.vector_store %arg5[%swap3A_407, %swap3A_408], %swap3A_411 {strides = array<i32>} : memref<40x64xf32, #tpu.memory_space<vmem>>, vector<1x16xf32>,
      %get3A_412 = arith.constant 632 : index
      %get3A_413 = tpu.vector_load %arg4[%get3A_412] {strides = array<i32>} : memref<2248xf32, #tpu.memory_space<vmem>>, vector<16xf32>,
      %get3A_414 = vector.shape_cast %get3A_413 : vector<16xf32> to vector<16xf32>
      %swap3A_415 = arith.constant 11 : i32
      %swap3A_416 = arith.index_cast %swap3A_415 : i32 to index
      %swap3A_417 = arith.constant 16 : index
      %swap3A_418 = tpu.vector_load %arg5[%swap3A_416, %swap3A_417] {strides = array<i32>} : memref<40x64xf32, #tpu.memory_space<vmem>>, vector<1x16xf32>,
      %swap3A_419 = vector.shape_cast %swap3A_418 : vector<1x16xf32> to vector<16xf32>
      %swap3A_420 = vector.shape_cast %get3A_414 : vector<16xf32> to vector<1x16xf32>
      tpu.vector_store %arg5[%swap3A_416, %swap3A_417], %swap3A_420 {strides = array<i32>} : memref<40x64xf32, #tpu.memory_space<vmem>>, vector<1x16xf32>,
      %get3A_421 = arith.constant 648 : index
      %get3A_422 = tpu.vector_load %arg4[%get3A_421] {strides = array<i32>} : memref<2248xf32, #tpu.memory_space<vmem>>, vector<16xf32>,
      %get3A_423 = vector.shape_cast %get3A_422 : vector<16xf32> to vector<16xf32>
      %swap3A_424 = arith.constant 11 : i32
      %swap3A_425 = arith.index_cast %swap3A_424 : i32 to index
      %swap3A_426 = arith.constant 32 : index
      %swap3A_427 = tpu.vector_load %arg5[%swap3A_425, %swap3A_426] {strides = array<i32>} : memref<40x64xf32, #tpu.memory_space<vmem>>, vector<1x16xf32>,
      %swap3A_428 = vector.shape_cast %swap3A_427 : vector<1x16xf32> to vector<16xf32>
      %swap3A_429 = vector.shape_cast %get3A_423 : vector<16xf32> to vector<1x16xf32>
      tpu.vector_store %arg5[%swap3A_425, %swap3A_426], %swap3A_429 {strides = array<i32>} : memref<40x64xf32, #tpu.memory_space<vmem>>, vector<1x16xf32>,
      %get3A_430 = arith.constant 664 : index
      %get3A_431 = tpu.vector_load %arg4[%get3A_430] {strides = array<i32>} : memref<2248xf32, #tpu.memory_space<vmem>>, vector<16xf32>,
      %get3A_432 = vector.shape_cast %get3A_431 : vector<16xf32> to vector<16xf32>
      %swap3A_433 = arith.constant 11 : i32
      %swap3A_434 = arith.index_cast %swap3A_433 : i32 to index
      %swap3A_435 = arith.constant 48 : index
      %swap3A_436 = tpu.vector_load %arg5[%swap3A_434, %swap3A_435] {strides = array<i32>} : memref<40x64xf32, #tpu.memory_space<vmem>>, vector<1x16xf32>,
      %swap3A_437 = vector.shape_cast %swap3A_436 : vector<1x16xf32> to vector<16xf32>
      %swap3A_438 = vector.shape_cast %get3A_432 : vector<16xf32> to vector<1x16xf32>
      tpu.vector_store %arg5[%swap3A_434, %swap3A_435], %swap3A_438 {strides = array<i32>} : memref<40x64xf32, #tpu.memory_space<vmem>>, vector<1x16xf32>,
      %get3A_439 = arith.constant 672 : index
      %get3A_440 = tpu.vector_load %arg4[%get3A_439] {strides = array<i32>} : memref<2248xf32, #tpu.memory_space<vmem>>, vector<16xf32>,
      %get3A_441 = vector.shape_cast %get3A_440 : vector<16xf32> to vector<16xf32>
      %swap3A_442 = arith.constant 12 : i32
      %swap3A_443 = arith.index_cast %swap3A_442 : i32 to index
      %swap3A_444 = arith.constant 0 : index
      %swap3A_445 = tpu.vector_load %arg5[%swap3A_443, %swap3A_444] {strides = array<i32>} : memref<40x64xf32, #tpu.memory_space<vmem>>, vector<1x16xf32>,
      %swap3A_446 = vector.shape_cast %swap3A_445 : vector<1x16xf32> to vector<16xf32>
      %swap3A_447 = vector.shape_cast %get3A_441 : vector<16xf32> to vector<1x16xf32>
      tpu.vector_store %arg5[%swap3A_443, %swap3A_444], %swap3A_447 {strides = array<i32>} : memref<40x64xf32, #tpu.memory_space<vmem>>, vector<1x16xf32>,
      %get3A_448 = arith.constant 688 : index
      %get3A_449 = tpu.vector_load %arg4[%get3A_448] {strides = array<i32>} : memref<2248xf32, #tpu.memory_space<vmem>>, vector<16xf32>,
      %get3A_450 = vector.shape_cast %get3A_449 : vector<16xf32> to vector<16xf32>
      %swap3A_451 = arith.constant 12 : i32
      %swap3A_452 = arith.index_cast %swap3A_451 : i32 to index
      %swap3A_453 = arith.constant 16 : index
      %swap3A_454 = tpu.vector_load %arg5[%swap3A_452, %swap3A_453] {strides = array<i32>} : memref<40x64xf32, #tpu.memory_space<vmem>>, vector<1x16xf32>,
      %swap3A_455 = vector.shape_cast %swap3A_454 : vector<1x16xf32> to vector<16xf32>
      %swap3A_456 = vector.shape_cast %get3A_450 : vector<16xf32> to vector<1x16xf32>
      tpu.vector_store %arg5[%swap3A_452, %swap3A_453], %swap3A_456 {strides = array<i32>} : memref<40x64xf32, #tpu.memory_space<vmem>>, vector<1x16xf32>,
      %get3A_457 = arith.constant 704 : index
      %get3A_458 = tpu.vector_load %arg4[%get3A_457] {strides = array<i32>} : memref<2248xf32, #tpu.memory_space<vmem>>, vector<16xf32>,
      %get3A_459 = vector.shape_cast %get3A_458 : vector<16xf32> to vector<16xf32>
      %swap3A_460 = arith.constant 12 : i32
      %swap3A_461 = arith.index_cast %swap3A_460 : i32 to index
      %swap3A_462 = arith.constant 32 : index
      %swap3A_463 = tpu.vector_load %arg5[%swap3A_461, %swap3A_462] {strides = array<i32>} : memref<40x64xf32, #tpu.memory_space<vmem>>, vector<1x16xf32>,
      %swap3A_464 = vector.shape_cast %swap3A_463 : vector<1x16xf32> to vector<16xf32>
      %swap3A_465 = vector.shape_cast %get3A_459 : vector<16xf32> to vector<1x16xf32>
      tpu.vector_store %arg5[%swap3A_461, %swap3A_462], %swap3A_465 {strides = array<i32>} : memref<40x64xf32, #tpu.memory_space<vmem>>, vector<1x16xf32>,
      %get3A_466 = arith.constant 720 : index
      %get3A_467 = tpu.vector_load %arg4[%get3A_466] {strides = array<i32>} : memref<2248xf32, #tpu.memory_space<vmem>>, vector<16xf32>,
      %get3A_468 = vector.shape_cast %get3A_467 : vector<16xf32> to vector<16xf32>
      %swap3A_469 = arith.constant 12 : i32
      %swap3A_470 = arith.index_cast %swap3A_469 : i32 to index
      %swap3A_471 = arith.constant 48 : index
      %swap3A_472 = tpu.vector_load %arg5[%swap3A_470, %swap3A_471] {strides = array<i32>} : memref<40x64xf32, #tpu.memory_space<vmem>>, vector<1x16xf32>,
      %swap3A_473 = vector.shape_cast %swap3A_472 : vector<1x16xf32> to vector<16xf32>
      %swap3A_474 = vector.shape_cast %get3A_468 : vector<16xf32> to vector<1x16xf32>
      tpu.vector_store %arg5[%swap3A_470, %swap3A_471], %swap3A_474 {strides = array<i32>} : memref<40x64xf32, #tpu.memory_space<vmem>>, vector<1x16xf32>,
      %get3A_475 = arith.constant 728 : index
      %get3A_476 = tpu.vector_load %arg4[%get3A_475] {strides = array<i32>} : memref<2248xf32, #tpu.memory_space<vmem>>, vector<16xf32>,
      %get3A_477 = vector.shape_cast %get3A_476 : vector<16xf32> to vector<16xf32>
      %swap3A_478 = arith.constant 13 : i32
      %swap3A_479 = arith.index_cast %swap3A_478 : i32 to index
      %swap3A_480 = arith.constant 0 : index
      %swap3A_481 = tpu.vector_load %arg5[%swap3A_479, %swap3A_480] {strides = array<i32>} : memref<40x64xf32, #tpu.memory_space<vmem>>, vector<1x16xf32>,
      %swap3A_482 = vector.shape_cast %swap3A_481 : vector<1x16xf32> to vector<16xf32>
      %swap3A_483 = vector.shape_cast %get3A_477 : vector<16xf32> to vector<1x16xf32>
      tpu.vector_store %arg5[%swap3A_479, %swap3A_480], %swap3A_483 {strides = array<i32>} : memref<40x64xf32, #tpu.memory_space<vmem>>, vector<1x16xf32>,
      %get3A_484 = arith.constant 744 : index
      %get3A_485 = tpu.vector_load %arg4[%get3A_484] {strides = array<i32>} : memref<2248xf32, #tpu.memory_space<vmem>>, vector<16xf32>,
      %get3A_486 = vector.shape_cast %get3A_485 : vector<16xf32> to vector<16xf32>
      %swap3A_487 = arith.constant 13 : i32
      %swap3A_488 = arith.index_cast %swap3A_487 : i32 to index
      %swap3A_489 = arith.constant 16 : index
      %swap3A_490 = tpu.vector_load %arg5[%swap3A_488, %swap3A_489] {strides = array<i32>} : memref<40x64xf32, #tpu.memory_space<vmem>>, vector<1x16xf32>,
      %swap3A_491 = vector.shape_cast %swap3A_490 : vector<1x16xf32> to vector<16xf32>
      %swap3A_492 = vector.shape_cast %get3A_486 : vector<16xf32> to vector<1x16xf32>
      tpu.vector_store %arg5[%swap3A_488, %swap3A_489], %swap3A_492 {strides = array<i32>} : memref<40x64xf32, #tpu.memory_space<vmem>>, vector<1x16xf32>,
      %get3A_493 = arith.constant 760 : index
      %get3A_494 = tpu.vector_load %arg4[%get3A_493] {strides = array<i32>} : memref<2248xf32, #tpu.memory_space<vmem>>, vector<16xf32>,
      %get3A_495 = vector.shape_cast %get3A_494 : vector<16xf32> to vector<16xf32>
      %swap3A_496 = arith.constant 13 : i32
      %swap3A_497 = arith.index_cast %swap3A_496 : i32 to index
      %swap3A_498 = arith.constant 32 : index
      %swap3A_499 = tpu.vector_load %arg5[%swap3A_497, %swap3A_498] {strides = array<i32>} : memref<40x64xf32, #tpu.memory_space<vmem>>, vector<1x16xf32>,
      %swap3A_500 = vector.shape_cast %swap3A_499 : vector<1x16xf32> to vector<16xf32>
      %swap3A_501 = vector.shape_cast %get3A_495 : vector<16xf32> to vector<1x16xf32>
      tpu.vector_store %arg5[%swap3A_497, %swap3A_498], %swap3A_501 {strides = array<i32>} : memref<40x64xf32, #tpu.memory_space<vmem>>, vector<1x16xf32>,
      %get3A_502 = arith.constant 776 : index
      %get3A_503 = tpu.vector_load %arg4[%get3A_502] {strides = array<i32>} : memref<2248xf32, #tpu.memory_space<vmem>>, vector<16xf32>,
      %get3A_504 = vector.shape_cast %get3A_503 : vector<16xf32> to vector<16xf32>
      %swap3A_505 = arith.constant 13 : i32
      %swap3A_506 = arith.index_cast %swap3A_505 : i32 to index
      %swap3A_507 = arith.constant 48 : index
      %swap3A_508 = tpu.vector_load %arg5[%swap3A_506, %swap3A_507] {strides = array<i32>} : memref<40x64xf32, #tpu.memory_space<vmem>>, vector<1x16xf32>,
      %swap3A_509 = vector.shape_cast %swap3A_508 : vector<1x16xf32> to vector<16xf32>
      %swap3A_510 = vector.shape_cast %get3A_504 : vector<16xf32> to vector<1x16xf32>
      tpu.vector_store %arg5[%swap3A_506, %swap3A_507], %swap3A_510 {strides = array<i32>} : memref<40x64xf32, #tpu.memory_space<vmem>>, vector<1x16xf32>,
      %get3A_511 = arith.constant 784 : index
      %get3A_512 = tpu.vector_load %arg4[%get3A_511] {strides = array<i32>} : memref<2248xf32, #tpu.memory_space<vmem>>, vector<16xf32>,
      %get3A_513 = vector.shape_cast %get3A_512 : vector<16xf32> to vector<16xf32>
      %swap3A_514 = arith.constant 14 : i32
      %swap3A_515 = arith.index_cast %swap3A_514 : i32 to index
      %swap3A_516 = arith.constant 0 : index
      %swap3A_517 = tpu.vector_load %arg5[%swap3A_515, %swap3A_516] {strides = array<i32>} : memref<40x64xf32, #tpu.memory_space<vmem>>, vector<1x16xf32>,
      %swap3A_518 = vector.shape_cast %swap3A_517 : vector<1x16xf32> to vector<16xf32>
      %swap3A_519 = vector.shape_cast %get3A_513 : vector<16xf32> to vector<1x16xf32>
      tpu.vector_store %arg5[%swap3A_515, %swap3A_516], %swap3A_519 {strides = array<i32>} : memref<40x64xf32, #tpu.memory_space<vmem>>, vector<1x16xf32>,
      %get3A_520 = arith.constant 800 : index
      %get3A_521 = tpu.vector_load %arg4[%get3A_520] {strides = array<i32>} : memref<2248xf32, #tpu.memory_space<vmem>>, vector<16xf32>,
      %get3A_522 = vector.shape_cast %get3A_521 : vector<16xf32> to vector<16xf32>
      %swap3A_523 = arith.constant 14 : i32
      %swap3A_524 = arith.index_cast %swap3A_523 : i32 to index
      %swap3A_525 = arith.constant 16 : index
      %swap3A_526 = tpu.vector_load %arg5[%swap3A_524, %swap3A_525] {strides = array<i32>} : memref<40x64xf32, #tpu.memory_space<vmem>>, vector<1x16xf32>,
      %swap3A_527 = vector.shape_cast %swap3A_526 : vector<1x16xf32> to vector<16xf32>
      %swap3A_528 = vector.shape_cast %get3A_522 : vector<16xf32> to vector<1x16xf32>
      tpu.vector_store %arg5[%swap3A_524, %swap3A_525], %swap3A_528 {strides = array<i32>} : memref<40x64xf32, #tpu.memory_space<vmem>>, vector<1x16xf32>,
      %get3A_529 = arith.constant 816 : index
      %get3A_530 = tpu.vector_load %arg4[%get3A_529] {strides = array<i32>} : memref<2248xf32, #tpu.memory_space<vmem>>, vector<16xf32>,
      %get3A_531 = vector.shape_cast %get3A_530 : vector<16xf32> to vector<16xf32>
      %swap3A_532 = arith.constant 14 : i32
      %swap3A_533 = arith.index_cast %swap3A_532 : i32 to index
      %swap3A_534 = arith.constant 32 : index
      %swap3A_535 = tpu.vector_load %arg5[%swap3A_533, %swap3A_534] {strides = array<i32>} : memref<40x64xf32, #tpu.memory_space<vmem>>, vector<1x16xf32>,
      %swap3A_536 = vector.shape_cast %swap3A_535 : vector<1x16xf32> to vector<16xf32>
      %swap3A_537 = vector.shape_cast %get3A_531 : vector<16xf32> to vector<1x16xf32>
      tpu.vector_store %arg5[%swap3A_533, %swap3A_534], %swap3A_537 {strides = array<i32>} : memref<40x64xf32, #tpu.memory_space<vmem>>, vector<1x16xf32>,
      %get3A_538 = arith.constant 832 : index
      %get3A_539 = tpu.vector_load %arg4[%get3A_538] {strides = array<i32>} : memref<2248xf32, #tpu.memory_space<vmem>>, vector<16xf32>,
      %get3A_540 = vector.shape_cast %get3A_539 : vector<16xf32> to vector<16xf32>
      %swap3A_541 = arith.constant 14 : i32
      %swap3A_542 = arith.index_cast %swap3A_541 : i32 to index
      %swap3A_543 = arith.constant 48 : index
      %swap3A_544 = tpu.vector_load %arg5[%swap3A_542, %swap3A_543] {strides = array<i32>} : memref<40x64xf32, #tpu.memory_space<vmem>>, vector<1x16xf32>,
      %swap3A_545 = vector.shape_cast %swap3A_544 : vector<1x16xf32> to vector<16xf32>
      %swap3A_546 = vector.shape_cast %get3A_540 : vector<16xf32> to vector<1x16xf32>
      tpu.vector_store %arg5[%swap3A_542, %swap3A_543], %swap3A_546 {strides = array<i32>} : memref<40x64xf32, #tpu.memory_space<vmem>>, vector<1x16xf32>,
      %get3A_547 = arith.constant 840 : index
      %get3A_548 = tpu.vector_load %arg4[%get3A_547] {strides = array<i32>} : memref<2248xf32, #tpu.memory_space<vmem>>, vector<16xf32>,
      %get3A_549 = vector.shape_cast %get3A_548 : vector<16xf32> to vector<16xf32>
      %swap3A_550 = arith.constant 15 : i32
      %swap3A_551 = arith.index_cast %swap3A_550 : i32 to index
      %swap3A_552 = arith.constant 0 : index
      %swap3A_553 = tpu.vector_load %arg5[%swap3A_551, %swap3A_552] {strides = array<i32>} : memref<40x64xf32, #tpu.memory_space<vmem>>, vector<1x16xf32>,
      %swap3A_554 = vector.shape_cast %swap3A_553 : vector<1x16xf32> to vector<16xf32>
      %swap3A_555 = vector.shape_cast %get3A_549 : vector<16xf32> to vector<1x16xf32>
      tpu.vector_store %arg5[%swap3A_551, %swap3A_552], %swap3A_555 {strides = array<i32>} : memref<40x64xf32, #tpu.memory_space<vmem>>, vector<1x16xf32>,
      %get3A_556 = arith.constant 856 : index
      %get3A_557 = tpu.vector_load %arg4[%get3A_556] {strides = array<i32>} : memref<2248xf32, #tpu.memory_space<vmem>>, vector<16xf32>,
      %get3A_558 = vector.shape_cast %get3A_557 : vector<16xf32> to vector<16xf32>
      %swap3A_559 = arith.constant 15 : i32
      %swap3A_560 = arith.index_cast %swap3A_559 : i32 to index
      %swap3A_561 = arith.constant 16 : index
      %swap3A_562 = tpu.vector_load %arg5[%swap3A_560, %swap3A_561] {strides = array<i32>} : memref<40x64xf32, #tpu.memory_space<vmem>>, vector<1x16xf32>,
      %swap3A_563 = vector.shape_cast %swap3A_562 : vector<1x16xf32> to vector<16xf32>
      %swap3A_564 = vector.shape_cast %get3A_558 : vector<16xf32> to vector<1x16xf32>
      tpu.vector_store %arg5[%swap3A_560, %swap3A_561], %swap3A_564 {strides = array<i32>} : memref<40x64xf32, #tpu.memory_space<vmem>>, vector<1x16xf32>,
      %get3A_565 = arith.constant 872 : index
      %get3A_566 = tpu.vector_load %arg4[%get3A_565] {strides = array<i32>} : memref<2248xf32, #tpu.memory_space<vmem>>, vector<16xf32>,
      %get3A_567 = vector.shape_cast %get3A_566 : vector<16xf32> to vector<16xf32>
      %swap3A_568 = arith.constant 15 : i32
      %swap3A_569 = arith.index_cast %swap3A_568 : i32 to index
      %swap3A_570 = arith.constant 32 : index
      %swap3A_571 = tpu.vector_load %arg5[%swap3A_569, %swap3A_570] {strides = array<i32>} : memref<40x64xf32, #tpu.memory_space<vmem>>, vector<1x16xf32>,
      %swap3A_572 = vector.shape_cast %swap3A_571 : vector<1x16xf32> to vector<16xf32>
      %swap3A_573 = vector.shape_cast %get3A_567 : vector<16xf32> to vector<1x16xf32>
      tpu.vector_store %arg5[%swap3A_569, %swap3A_570], %swap3A_573 {strides = array<i32>} : memref<40x64xf32, #tpu.memory_space<vmem>>, vector<1x16xf32>,
      %get3A_574 = arith.constant 888 : index
      %get3A_575 = tpu.vector_load %arg4[%get3A_574] {strides = array<i32>} : memref<2248xf32, #tpu.memory_space<vmem>>, vector<16xf32>,
      %get3A_576 = vector.shape_cast %get3A_575 : vector<16xf32> to vector<16xf32>
      %swap3A_577 = arith.constant 15 : i32
      %swap3A_578 = arith.index_cast %swap3A_577 : i32 to index
      %swap3A_579 = arith.constant 48 : index
      %swap3A_580 = tpu.vector_load %arg5[%swap3A_578, %swap3A_579] {strides = array<i32>} : memref<40x64xf32, #tpu.memory_space<vmem>>, vector<1x16xf32>,
      %swap3A_581 = vector.shape_cast %swap3A_580 : vector<1x16xf32> to vector<16xf32>
      %swap3A_582 = vector.shape_cast %get3A_576 : vector<16xf32> to vector<1x16xf32>
      tpu.vector_store %arg5[%swap3A_578, %swap3A_579], %swap3A_582 {strides = array<i32>} : memref<40x64xf32, #tpu.memory_space<vmem>>, vector<1x16xf32>,
      %get3A_583 = arith.constant 896 : index
      %get3A_584 = tpu.vector_load %arg4[%get3A_583] {strides = array<i32>} : memref<2248xf32, #tpu.memory_space<vmem>>, vector<16xf32>,
      %get3A_585 = vector.shape_cast %get3A_584 : vector<16xf32> to vector<16xf32>
      %swap3A_586 = arith.constant 16 : i32
      %swap3A_587 = arith.index_cast %swap3A_586 : i32 to index
      %swap3A_588 = arith.constant 0 : index
      %swap3A_589 = tpu.vector_load %arg5[%swap3A_587, %swap3A_588] {strides = array<i32>} : memref<40x64xf32, #tpu.memory_space<vmem>>, vector<1x16xf32>,
      %swap3A_590 = vector.shape_cast %swap3A_589 : vector<1x16xf32> to vector<16xf32>
      %swap3A_591 = vector.shape_cast %get3A_585 : vector<16xf32> to vector<1x16xf32>
      tpu.vector_store %arg5[%swap3A_587, %swap3A_588], %swap3A_591 {strides = array<i32>} : memref<40x64xf32, #tpu.memory_space<vmem>>, vector<1x16xf32>,
      %get3A_592 = arith.constant 912 : index
      %get3A_593 = tpu.vector_load %arg4[%get3A_592] {strides = array<i32>} : memref<2248xf32, #tpu.memory_space<vmem>>, vector<16xf32>,
      %get3A_594 = vector.shape_cast %get3A_593 : vector<16xf32> to vector<16xf32>
      %swap3A_595 = arith.constant 16 : i32
      %swap3A_596 = arith.index_cast %swap3A_595 : i32 to index
      %swap3A_597 = arith.constant 16 : index
      %swap3A_598 = tpu.vector_load %arg5[%swap3A_596, %swap3A_597] {strides = array<i32>} : memref<40x64xf32, #tpu.memory_space<vmem>>, vector<1x16xf32>,
      %swap3A_599 = vector.shape_cast %swap3A_598 : vector<1x16xf32> to vector<16xf32>
      %swap3A_600 = vector.shape_cast %get3A_594 : vector<16xf32> to vector<1x16xf32>
      tpu.vector_store %arg5[%swap3A_596, %swap3A_597], %swap3A_600 {strides = array<i32>} : memref<40x64xf32, #tpu.memory_space<vmem>>, vector<1x16xf32>,
      %get3A_601 = arith.constant 928 : index
      %get3A_602 = tpu.vector_load %arg4[%get3A_601] {strides = array<i32>} : memref<2248xf32, #tpu.memory_space<vmem>>, vector<16xf32>,
      %get3A_603 = vector.shape_cast %get3A_602 : vector<16xf32> to vector<16xf32>
      %swap3A_604 = arith.constant 16 : i32
      %swap3A_605 = arith.index_cast %swap3A_604 : i32 to index
      %swap3A_606 = arith.constant 32 : index
      %swap3A_607 = tpu.vector_load %arg5[%swap3A_605, %swap3A_606] {strides = array<i32>} : memref<40x64xf32, #tpu.memory_space<vmem>>, vector<1x16xf32>,
      %swap3A_608 = vector.shape_cast %swap3A_607 : vector<1x16xf32> to vector<16xf32>
      %swap3A_609 = vector.shape_cast %get3A_603 : vector<16xf32> to vector<1x16xf32>
      tpu.vector_store %arg5[%swap3A_605, %swap3A_606], %swap3A_609 {strides = array<i32>} : memref<40x64xf32, #tpu.memory_space<vmem>>, vector<1x16xf32>,
      %get3A_610 = arith.constant 944 : index
      %get3A_611 = tpu.vector_load %arg4[%get3A_610] {strides = array<i32>} : memref<2248xf32, #tpu.memory_space<vmem>>, vector<16xf32>,
      %get3A_612 = vector.shape_cast %get3A_611 : vector<16xf32> to vector<16xf32>
      %swap3A_613 = arith.constant 16 : i32
      %swap3A_614 = arith.index_cast %swap3A_613 : i32 to index
      %swap3A_615 = arith.constant 48 : index
      %swap3A_616 = tpu.vector_load %arg5[%swap3A_614, %swap3A_615] {strides = array<i32>} : memref<40x64xf32, #tpu.memory_space<vmem>>, vector<1x16xf32>,
      %swap3A_617 = vector.shape_cast %swap3A_616 : vector<1x16xf32> to vector<16xf32>
      %swap3A_618 = vector.shape_cast %get3A_612 : vector<16xf32> to vector<1x16xf32>
      tpu.vector_store %arg5[%swap3A_614, %swap3A_615], %swap3A_618 {strides = array<i32>} : memref<40x64xf32, #tpu.memory_space<vmem>>, vector<1x16xf32>,
      %get3A_619 = arith.constant 952 : index
      %get3A_620 = tpu.vector_load %arg4[%get3A_619] {strides = array<i32>} : memref<2248xf32, #tpu.memory_space<vmem>>, vector<16xf32>,
      %get3A_621 = vector.shape_cast %get3A_620 : vector<16xf32> to vector<16xf32>
      %swap3A_622 = arith.constant 17 : i32
      %swap3A_623 = arith.index_cast %swap3A_622 : i32 to index
      %swap3A_624 = arith.constant 0 : index
      %swap3A_625 = tpu.vector_load %arg5[%swap3A_623, %swap3A_624] {strides = array<i32>} : memref<40x64xf32, #tpu.memory_space<vmem>>, vector<1x16xf32>,
      %swap3A_626 = vector.shape_cast %swap3A_625 : vector<1x16xf32> to vector<16xf32>
      %swap3A_627 = vector.shape_cast %get3A_621 : vector<16xf32> to vector<1x16xf32>
      tpu.vector_store %arg5[%swap3A_623, %swap3A_624], %swap3A_627 {strides = array<i32>} : memref<40x64xf32, #tpu.memory_space<vmem>>, vector<1x16xf32>,
      %get3A_628 = arith.constant 968 : index
      %get3A_629 = tpu.vector_load %arg4[%get3A_628] {strides = array<i32>} : memref<2248xf32, #tpu.memory_space<vmem>>, vector<16xf32>,
      %get3A_630 = vector.shape_cast %get3A_629 : vector<16xf32> to vector<16xf32>
      %swap3A_631 = arith.constant 17 : i32
      %swap3A_632 = arith.index_cast %swap3A_631 : i32 to index
      %swap3A_633 = arith.constant 16 : index
      %swap3A_634 = tpu.vector_load %arg5[%swap3A_632, %swap3A_633] {strides = array<i32>} : memref<40x64xf32, #tpu.memory_space<vmem>>, vector<1x16xf32>,
      %swap3A_635 = vector.shape_cast %swap3A_634 : vector<1x16xf32> to vector<16xf32>
      %swap3A_636 = vector.shape_cast %get3A_630 : vector<16xf32> to vector<1x16xf32>
      tpu.vector_store %arg5[%swap3A_632, %swap3A_633], %swap3A_636 {strides = array<i32>} : memref<40x64xf32, #tpu.memory_space<vmem>>, vector<1x16xf32>,
      %get3A_637 = arith.constant 984 : index
      %get3A_638 = tpu.vector_load %arg4[%get3A_637] {strides = array<i32>} : memref<2248xf32, #tpu.memory_space<vmem>>, vector<16xf32>,
      %get3A_639 = vector.shape_cast %get3A_638 : vector<16xf32> to vector<16xf32>
      %swap3A_640 = arith.constant 17 : i32
      %swap3A_641 = arith.index_cast %swap3A_640 : i32 to index
      %swap3A_642 = arith.constant 32 : index
      %swap3A_643 = tpu.vector_load %arg5[%swap3A_641, %swap3A_642] {strides = array<i32>} : memref<40x64xf32, #tpu.memory_space<vmem>>, vector<1x16xf32>,
      %swap3A_644 = vector.shape_cast %swap3A_643 : vector<1x16xf32> to vector<16xf32>
      %swap3A_645 = vector.shape_cast %get3A_639 : vector<16xf32> to vector<1x16xf32>
      tpu.vector_store %arg5[%swap3A_641, %swap3A_642], %swap3A_645 {strides = array<i32>} : memref<40x64xf32, #tpu.memory_space<vmem>>, vector<1x16xf32>,
      %get3A_646 = arith.constant 1000 : index
      %get3A_647 = tpu.vector_load %arg4[%get3A_646] {strides = array<i32>} : memref<2248xf32, #tpu.memory_space<vmem>>, vector<16xf32>,
      %get3A_648 = vector.shape_cast %get3A_647 : vector<16xf32> to vector<16xf32>
      %swap3A_649 = arith.constant 17 : i32
      %swap3A_650 = arith.index_cast %swap3A_649 : i32 to index
      %swap3A_651 = arith.constant 48 : index
      %swap3A_652 = tpu.vector_load %arg5[%swap3A_650, %swap3A_651] {strides = array<i32>} : memref<40x64xf32, #tpu.memory_space<vmem>>, vector<1x16xf32>,
      %swap3A_653 = vector.shape_cast %swap3A_652 : vector<1x16xf32> to vector<16xf32>
      %swap3A_654 = vector.shape_cast %get3A_648 : vector<16xf32> to vector<1x16xf32>
      tpu.vector_store %arg5[%swap3A_650, %swap3A_651], %swap3A_654 {strides = array<i32>} : memref<40x64xf32, #tpu.memory_space<vmem>>, vector<1x16xf32>,
      %get3A_655 = arith.constant 1008 : index
      %get3A_656 = tpu.vector_load %arg4[%get3A_655] {strides = array<i32>} : memref<2248xf32, #tpu.memory_space<vmem>>, vector<16xf32>,
      %get3A_657 = vector.shape_cast %get3A_656 : vector<16xf32> to vector<16xf32>
      %swap3A_658 = arith.constant 18 : i32
      %swap3A_659 = arith.index_cast %swap3A_658 : i32 to index
      %swap3A_660 = arith.constant 0 : index
      %swap3A_661 = tpu.vector_load %arg5[%swap3A_659, %swap3A_660] {strides = array<i32>} : memref<40x64xf32, #tpu.memory_space<vmem>>, vector<1x16xf32>,
      %swap3A_662 = vector.shape_cast %swap3A_661 : vector<1x16xf32> to vector<16xf32>
      %swap3A_663 = vector.shape_cast %get3A_657 : vector<16xf32> to vector<1x16xf32>
      tpu.vector_store %arg5[%swap3A_659, %swap3A_660], %swap3A_663 {strides = array<i32>} : memref<40x64xf32, #tpu.memory_space<vmem>>, vector<1x16xf32>,
      %get3A_664 = arith.constant 1024 : index
      %get3A_665 = tpu.vector_load %arg4[%get3A_664] {strides = array<i32>} : memref<2248xf32, #tpu.memory_space<vmem>>, vector<16xf32>,
      %get3A_666 = vector.shape_cast %get3A_665 : vector<16xf32> to vector<16xf32>
      %swap3A_667 = arith.constant 18 : i32
      %swap3A_668 = arith.index_cast %swap3A_667 : i32 to index
      %swap3A_669 = arith.constant 16 : index
      %swap3A_670 = tpu.vector_load %arg5[%swap3A_668, %swap3A_669] {strides = array<i32>} : memref<40x64xf32, #tpu.memory_space<vmem>>, vector<1x16xf32>,
      %swap3A_671 = vector.shape_cast %swap3A_670 : vector<1x16xf32> to vector<16xf32>
      %swap3A_672 = vector.shape_cast %get3A_666 : vector<16xf32> to vector<1x16xf32>
      tpu.vector_store %arg5[%swap3A_668, %swap3A_669], %swap3A_672 {strides = array<i32>} : memref<40x64xf32, #tpu.memory_space<vmem>>, vector<1x16xf32>,
      %get3A_673 = arith.constant 1040 : index
      %get3A_674 = tpu.vector_load %arg4[%get3A_673] {strides = array<i32>} : memref<2248xf32, #tpu.memory_space<vmem>>, vector<16xf32>,
      %get3A_675 = vector.shape_cast %get3A_674 : vector<16xf32> to vector<16xf32>
      %swap3A_676 = arith.constant 18 : i32
      %swap3A_677 = arith.index_cast %swap3A_676 : i32 to index
      %swap3A_678 = arith.constant 32 : index
      %swap3A_679 = tpu.vector_load %arg5[%swap3A_677, %swap3A_678] {strides = array<i32>} : memref<40x64xf32, #tpu.memory_space<vmem>>, vector<1x16xf32>,
      %swap3A_680 = vector.shape_cast %swap3A_679 : vector<1x16xf32> to vector<16xf32>
      %swap3A_681 = vector.shape_cast %get3A_675 : vector<16xf32> to vector<1x16xf32>
      tpu.vector_store %arg5[%swap3A_677, %swap3A_678], %swap3A_681 {strides = array<i32>} : memref<40x64xf32, #tpu.memory_space<vmem>>, vector<1x16xf32>,
      %get3A_682 = arith.constant 1056 : index
      %get3A_683 = tpu.vector_load %arg4[%get3A_682] {strides = array<i32>} : memref<2248xf32, #tpu.memory_space<vmem>>, vector<16xf32>,
      %get3A_684 = vector.shape_cast %get3A_683 : vector<16xf32> to vector<16xf32>
      %swap3A_685 = arith.constant 18 : i32
      %swap3A_686 = arith.index_cast %swap3A_685 : i32 to index
      %swap3A_687 = arith.constant 48 : index
      %swap3A_688 = tpu.vector_load %arg5[%swap3A_686, %swap3A_687] {strides = array<i32>} : memref<40x64xf32, #tpu.memory_space<vmem>>, vector<1x16xf32>,
      %swap3A_689 = vector.shape_cast %swap3A_688 : vector<1x16xf32> to vector<16xf32>
      %swap3A_690 = vector.shape_cast %get3A_684 : vector<16xf32> to vector<1x16xf32>
      tpu.vector_store %arg5[%swap3A_686, %swap3A_687], %swap3A_690 {strides = array<i32>} : memref<40x64xf32, #tpu.memory_space<vmem>>, vector<1x16xf32>,
      %get3A_691 = arith.constant 1064 : index
      %get3A_692 = tpu.vector_load %arg4[%get3A_691] {strides = array<i32>} : memref<2248xf32, #tpu.memory_space<vmem>>, vector<16xf32>,
      %get3A_693 = vector.shape_cast %get3A_692 : vector<16xf32> to vector<16xf32>
      %swap3A_694 = arith.constant 19 : i32
      %swap3A_695 = arith.index_cast %swap3A_694 : i32 to index
      %swap3A_696 = arith.constant 0 : index
      %swap3A_697 = tpu.vector_load %arg5[%swap3A_695, %swap3A_696] {strides = array<i32>} : memref<40x64xf32, #tpu.memory_space<vmem>>, vector<1x16xf32>,
      %swap3A_698 = vector.shape_cast %swap3A_697 : vector<1x16xf32> to vector<16xf32>
      %swap3A_699 = vector.shape_cast %get3A_693 : vector<16xf32> to vector<1x16xf32>
      tpu.vector_store %arg5[%swap3A_695, %swap3A_696], %swap3A_699 {strides = array<i32>} : memref<40x64xf32, #tpu.memory_space<vmem>>, vector<1x16xf32>,
      %get3A_700 = arith.constant 1080 : index
      %get3A_701 = tpu.vector_load %arg4[%get3A_700] {strides = array<i32>} : memref<2248xf32, #tpu.memory_space<vmem>>, vector<16xf32>,
      %get3A_702 = vector.shape_cast %get3A_701 : vector<16xf32> to vector<16xf32>
      %swap3A_703 = arith.constant 19 : i32
      %swap3A_704 = arith.index_cast %swap3A_703 : i32 to index
      %swap3A_705 = arith.constant 16 : index
      %swap3A_706 = tpu.vector_load %arg5[%swap3A_704, %swap3A_705] {strides = array<i32>} : memref<40x64xf32, #tpu.memory_space<vmem>>, vector<1x16xf32>,
      %swap3A_707 = vector.shape_cast %swap3A_706 : vector<1x16xf32> to vector<16xf32>
      %swap3A_708 = vector.shape_cast %get3A_702 : vector<16xf32> to vector<1x16xf32>
      tpu.vector_store %arg5[%swap3A_704, %swap3A_705], %swap3A_708 {strides = array<i32>} : memref<40x64xf32, #tpu.memory_space<vmem>>, vector<1x16xf32>,
      %get3A_709 = arith.constant 1096 : index
      %get3A_710 = tpu.vector_load %arg4[%get3A_709] {strides = array<i32>} : memref<2248xf32, #tpu.memory_space<vmem>>, vector<16xf32>,
      %get3A_711 = vector.shape_cast %get3A_710 : vector<16xf32> to vector<16xf32>
      %swap3A_712 = arith.constant 19 : i32
      %swap3A_713 = arith.index_cast %swap3A_712 : i32 to index
      %swap3A_714 = arith.constant 32 : index
      %swap3A_715 = tpu.vector_load %arg5[%swap3A_713, %swap3A_714] {strides = array<i32>} : memref<40x64xf32, #tpu.memory_space<vmem>>, vector<1x16xf32>,
      %swap3A_716 = vector.shape_cast %swap3A_715 : vector<1x16xf32> to vector<16xf32>
      %swap3A_717 = vector.shape_cast %get3A_711 : vector<16xf32> to vector<1x16xf32>
      tpu.vector_store %arg5[%swap3A_713, %swap3A_714], %swap3A_717 {strides = array<i32>} : memref<40x64xf32, #tpu.memory_space<vmem>>, vector<1x16xf32>,
      %get3A_718 = arith.constant 1112 : index
      %get3A_719 = tpu.vector_load %arg4[%get3A_718] {strides = array<i32>} : memref<2248xf32, #tpu.memory_space<vmem>>, vector<16xf32>,
      %get3A_720 = vector.shape_cast %get3A_719 : vector<16xf32> to vector<16xf32>
      %swap3A_721 = arith.constant 19 : i32
      %swap3A_722 = arith.index_cast %swap3A_721 : i32 to index
      %swap3A_723 = arith.constant 48 : index
      %swap3A_724 = tpu.vector_load %arg5[%swap3A_722, %swap3A_723] {strides = array<i32>} : memref<40x64xf32, #tpu.memory_space<vmem>>, vector<1x16xf32>,
      %swap3A_725 = vector.shape_cast %swap3A_724 : vector<1x16xf32> to vector<16xf32>
      %swap3A_726 = vector.shape_cast %get3A_720 : vector<16xf32> to vector<1x16xf32>
      tpu.vector_store %arg5[%swap3A_722, %swap3A_723], %swap3A_726 {strides = array<i32>} : memref<40x64xf32, #tpu.memory_space<vmem>>, vector<1x16xf32>,
      %get3A_727 = arith.constant 1120 : index
      %get3A_728 = tpu.vector_load %arg4[%get3A_727] {strides = array<i32>} : memref<2248xf32, #tpu.memory_space<vmem>>, vector<16xf32>,
      %get3A_729 = vector.shape_cast %get3A_728 : vector<16xf32> to vector<16xf32>
      %swap3A_730 = arith.constant 20 : i32
      %swap3A_731 = arith.index_cast %swap3A_730 : i32 to index
      %swap3A_732 = arith.constant 0 : index
      %swap3A_733 = tpu.vector_load %arg5[%swap3A_731, %swap3A_732] {strides = array<i32>} : memref<40x64xf32, #tpu.memory_space<vmem>>, vector<1x16xf32>,
      %swap3A_734 = vector.shape_cast %swap3A_733 : vector<1x16xf32> to vector<16xf32>
      %swap3A_735 = vector.shape_cast %get3A_729 : vector<16xf32> to vector<1x16xf32>
      tpu.vector_store %arg5[%swap3A_731, %swap3A_732], %swap3A_735 {strides = array<i32>} : memref<40x64xf32, #tpu.memory_space<vmem>>, vector<1x16xf32>,
      %get3A_736 = arith.constant 1136 : index
      %get3A_737 = tpu.vector_load %arg4[%get3A_736] {strides = array<i32>} : memref<2248xf32, #tpu.memory_space<vmem>>, vector<16xf32>,
      %get3A_738 = vector.shape_cast %get3A_737 : vector<16xf32> to vector<16xf32>
      %swap3A_739 = arith.constant 20 : i32
      %swap3A_740 = arith.index_cast %swap3A_739 : i32 to index
      %swap3A_741 = arith.constant 16 : index
      %swap3A_742 = tpu.vector_load %arg5[%swap3A_740, %swap3A_741] {strides = array<i32>} : memref<40x64xf32, #tpu.memory_space<vmem>>, vector<1x16xf32>,
      %swap3A_743 = vector.shape_cast %swap3A_742 : vector<1x16xf32> to vector<16xf32>
      %swap3A_744 = vector.shape_cast %get3A_738 : vector<16xf32> to vector<1x16xf32>
      tpu.vector_store %arg5[%swap3A_740, %swap3A_741], %swap3A_744 {strides = array<i32>} : memref<40x64xf32, #tpu.memory_space<vmem>>, vector<1x16xf32>,
      %get3A_745 = arith.constant 1152 : index
      %get3A_746 = tpu.vector_load %arg4[%get3A_745] {strides = array<i32>} : memref<2248xf32, #tpu.memory_space<vmem>>, vector<16xf32>,
      %get3A_747 = vector.shape_cast %get3A_746 : vector<16xf32> to vector<16xf32>
      %swap3A_748 = arith.constant 20 : i32
      %swap3A_749 = arith.index_cast %swap3A_748 : i32 to index
      %swap3A_750 = arith.constant 32 : index
      %swap3A_751 = tpu.vector_load %arg5[%swap3A_749, %swap3A_750] {strides = array<i32>} : memref<40x64xf32, #tpu.memory_space<vmem>>, vector<1x16xf32>,
      %swap3A_752 = vector.shape_cast %swap3A_751 : vector<1x16xf32> to vector<16xf32>
      %swap3A_753 = vector.shape_cast %get3A_747 : vector<16xf32> to vector<1x16xf32>
      tpu.vector_store %arg5[%swap3A_749, %swap3A_750], %swap3A_753 {strides = array<i32>} : memref<40x64xf32, #tpu.memory_space<vmem>>, vector<1x16xf32>,
      %get3A_754 = arith.constant 1168 : index
      %get3A_755 = tpu.vector_load %arg4[%get3A_754] {strides = array<i32>} : memref<2248xf32, #tpu.memory_space<vmem>>, vector<16xf32>,
      %get3A_756 = vector.shape_cast %get3A_755 : vector<16xf32> to vector<16xf32>
      %swap3A_757 = arith.constant 20 : i32
      %swap3A_758 = arith.index_cast %swap3A_757 : i32 to index
      %swap3A_759 = arith.constant 48 : index
      %swap3A_760 = tpu.vector_load %arg5[%swap3A_758, %swap3A_759] {strides = array<i32>} : memref<40x64xf32, #tpu.memory_space<vmem>>, vector<1x16xf32>,
      %swap3A_761 = vector.shape_cast %swap3A_760 : vector<1x16xf32> to vector<16xf32>
      %swap3A_762 = vector.shape_cast %get3A_756 : vector<16xf32> to vector<1x16xf32>
      tpu.vector_store %arg5[%swap3A_758, %swap3A_759], %swap3A_762 {strides = array<i32>} : memref<40x64xf32, #tpu.memory_space<vmem>>, vector<1x16xf32>,
      %get3A_763 = arith.constant 1176 : index
      %get3A_764 = tpu.vector_load %arg4[%get3A_763] {strides = array<i32>} : memref<2248xf32, #tpu.memory_space<vmem>>, vector<16xf32>,
      %get3A_765 = vector.shape_cast %get3A_764 : vector<16xf32> to vector<16xf32>
      %swap3A_766 = arith.constant 21 : i32
      %swap3A_767 = arith.index_cast %swap3A_766 : i32 to index
      %swap3A_768 = arith.constant 0 : index
      %swap3A_769 = tpu.vector_load %arg5[%swap3A_767, %swap3A_768] {strides = array<i32>} : memref<40x64xf32, #tpu.memory_space<vmem>>, vector<1x16xf32>,
      %swap3A_770 = vector.shape_cast %swap3A_769 : vector<1x16xf32> to vector<16xf32>
      %swap3A_771 = vector.shape_cast %get3A_765 : vector<16xf32> to vector<1x16xf32>
      tpu.vector_store %arg5[%swap3A_767, %swap3A_768], %swap3A_771 {strides = array<i32>} : memref<40x64xf32, #tpu.memory_space<vmem>>, vector<1x16xf32>,
      %get3A_772 = arith.constant 1192 : index
      %get3A_773 = tpu.vector_load %arg4[%get3A_772] {strides = array<i32>} : memref<2248xf32, #tpu.memory_space<vmem>>, vector<16xf32>,
      %get3A_774 = vector.shape_cast %get3A_773 : vector<16xf32> to vector<16xf32>
      %swap3A_775 = arith.constant 21 : i32
      %swap3A_776 = arith.index_cast %swap3A_775 : i32 to index
      %swap3A_777 = arith.constant 16 : index
      %swap3A_778 = tpu.vector_load %arg5[%swap3A_776, %swap3A_777] {strides = array<i32>} : memref<40x64xf32, #tpu.memory_space<vmem>>, vector<1x16xf32>,
      %swap3A_779 = vector.shape_cast %swap3A_778 : vector<1x16xf32> to vector<16xf32>
      %swap3A_780 = vector.shape_cast %get3A_774 : vector<16xf32> to vector<1x16xf32>
      tpu.vector_store %arg5[%swap3A_776, %swap3A_777], %swap3A_780 {strides = array<i32>} : memref<40x64xf32, #tpu.memory_space<vmem>>, vector<1x16xf32>,
      %get3A_781 = arith.constant 1208 : index
      %get3A_782 = tpu.vector_load %arg4[%get3A_781] {strides = array<i32>} : memref<2248xf32, #tpu.memory_space<vmem>>, vector<16xf32>,
      %get3A_783 = vector.shape_cast %get3A_782 : vector<16xf32> to vector<16xf32>
      %swap3A_784 = arith.constant 21 : i32
      %swap3A_785 = arith.index_cast %swap3A_784 : i32 to index
      %swap3A_786 = arith.constant 32 : index
      %swap3A_787 = tpu.vector_load %arg5[%swap3A_785, %swap3A_786] {strides = array<i32>} : memref<40x64xf32, #tpu.memory_space<vmem>>, vector<1x16xf32>,
      %swap3A_788 = vector.shape_cast %swap3A_787 : vector<1x16xf32> to vector<16xf32>
      %swap3A_789 = vector.shape_cast %get3A_783 : vector<16xf32> to vector<1x16xf32>
      tpu.vector_store %arg5[%swap3A_785, %swap3A_786], %swap3A_789 {strides = array<i32>} : memref<40x64xf32, #tpu.memory_space<vmem>>, vector<1x16xf32>,
      %get3A_790 = arith.constant 1224 : index
      %get3A_791 = tpu.vector_load %arg4[%get3A_790] {strides = array<i32>} : memref<2248xf32, #tpu.memory_space<vmem>>, vector<16xf32>,
      %get3A_792 = vector.shape_cast %get3A_791 : vector<16xf32> to vector<16xf32>
      %swap3A_793 = arith.constant 21 : i32
      %swap3A_794 = arith.index_cast %swap3A_793 : i32 to index
      %swap3A_795 = arith.constant 48 : index
      %swap3A_796 = tpu.vector_load %arg5[%swap3A_794, %swap3A_795] {strides = array<i32>} : memref<40x64xf32, #tpu.memory_space<vmem>>, vector<1x16xf32>,
      %swap3A_797 = vector.shape_cast %swap3A_796 : vector<1x16xf32> to vector<16xf32>
      %swap3A_798 = vector.shape_cast %get3A_792 : vector<16xf32> to vector<1x16xf32>
      tpu.vector_store %arg5[%swap3A_794, %swap3A_795], %swap3A_798 {strides = array<i32>} : memref<40x64xf32, #tpu.memory_space<vmem>>, vector<1x16xf32>,
      %get3A_799 = arith.constant 1232 : index
      %get3A_800 = tpu.vector_load %arg4[%get3A_799] {strides = array<i32>} : memref<2248xf32, #tpu.memory_space<vmem>>, vector<16xf32>,
      %get3A_801 = vector.shape_cast %get3A_800 : vector<16xf32> to vector<16xf32>
      %swap3A_802 = arith.constant 22 : i32
      %swap3A_803 = arith.index_cast %swap3A_802 : i32 to index
      %swap3A_804 = arith.constant 0 : index
      %swap3A_805 = tpu.vector_load %arg5[%swap3A_803, %swap3A_804] {strides = array<i32>} : memref<40x64xf32, #tpu.memory_space<vmem>>, vector<1x16xf32>,
      %swap3A_806 = vector.shape_cast %swap3A_805 : vector<1x16xf32> to vector<16xf32>
      %swap3A_807 = vector.shape_cast %get3A_801 : vector<16xf32> to vector<1x16xf32>
      tpu.vector_store %arg5[%swap3A_803, %swap3A_804], %swap3A_807 {strides = array<i32>} : memref<40x64xf32, #tpu.memory_space<vmem>>, vector<1x16xf32>,
      %get3A_808 = arith.constant 1248 : index
      %get3A_809 = tpu.vector_load %arg4[%get3A_808] {strides = array<i32>} : memref<2248xf32, #tpu.memory_space<vmem>>, vector<16xf32>,
      %get3A_810 = vector.shape_cast %get3A_809 : vector<16xf32> to vector<16xf32>
      %swap3A_811 = arith.constant 22 : i32
      %swap3A_812 = arith.index_cast %swap3A_811 : i32 to index
      %swap3A_813 = arith.constant 16 : index
      %swap3A_814 = tpu.vector_load %arg5[%swap3A_812, %swap3A_813] {strides = array<i32>} : memref<40x64xf32, #tpu.memory_space<vmem>>, vector<1x16xf32>,
      %swap3A_815 = vector.shape_cast %swap3A_814 : vector<1x16xf32> to vector<16xf32>
      %swap3A_816 = vector.shape_cast %get3A_810 : vector<16xf32> to vector<1x16xf32>
      tpu.vector_store %arg5[%swap3A_812, %swap3A_813], %swap3A_816 {strides = array<i32>} : memref<40x64xf32, #tpu.memory_space<vmem>>, vector<1x16xf32>,
      %get3A_817 = arith.constant 1264 : index
      %get3A_818 = tpu.vector_load %arg4[%get3A_817] {strides = array<i32>} : memref<2248xf32, #tpu.memory_space<vmem>>, vector<16xf32>,
      %get3A_819 = vector.shape_cast %get3A_818 : vector<16xf32> to vector<16xf32>
      %swap3A_820 = arith.constant 22 : i32
      %swap3A_821 = arith.index_cast %swap3A_820 : i32 to index
      %swap3A_822 = arith.constant 32 : index
      %swap3A_823 = tpu.vector_load %arg5[%swap3A_821, %swap3A_822] {strides = array<i32>} : memref<40x64xf32, #tpu.memory_space<vmem>>, vector<1x16xf32>,
      %swap3A_824 = vector.shape_cast %swap3A_823 : vector<1x16xf32> to vector<16xf32>
      %swap3A_825 = vector.shape_cast %get3A_819 : vector<16xf32> to vector<1x16xf32>
      tpu.vector_store %arg5[%swap3A_821, %swap3A_822], %swap3A_825 {strides = array<i32>} : memref<40x64xf32, #tpu.memory_space<vmem>>, vector<1x16xf32>,
      %get3A_826 = arith.constant 1280 : index
      %get3A_827 = tpu.vector_load %arg4[%get3A_826] {strides = array<i32>} : memref<2248xf32, #tpu.memory_space<vmem>>, vector<16xf32>,
      %get3A_828 = vector.shape_cast %get3A_827 : vector<16xf32> to vector<16xf32>
      %swap3A_829 = arith.constant 22 : i32
      %swap3A_830 = arith.index_cast %swap3A_829 : i32 to index
      %swap3A_831 = arith.constant 48 : index
      %swap3A_832 = tpu.vector_load %arg5[%swap3A_830, %swap3A_831] {strides = array<i32>} : memref<40x64xf32, #tpu.memory_space<vmem>>, vector<1x16xf32>,
      %swap3A_833 = vector.shape_cast %swap3A_832 : vector<1x16xf32> to vector<16xf32>
      %swap3A_834 = vector.shape_cast %get3A_828 : vector<16xf32> to vector<1x16xf32>
      tpu.vector_store %arg5[%swap3A_830, %swap3A_831], %swap3A_834 {strides = array<i32>} : memref<40x64xf32, #tpu.memory_space<vmem>>, vector<1x16xf32>,
      %get3A_835 = arith.constant 1288 : index
      %get3A_836 = tpu.vector_load %arg4[%get3A_835] {strides = array<i32>} : memref<2248xf32, #tpu.memory_space<vmem>>, vector<16xf32>,
      %get3A_837 = vector.shape_cast %get3A_836 : vector<16xf32> to vector<16xf32>
      %swap3A_838 = arith.constant 23 : i32
      %swap3A_839 = arith.index_cast %swap3A_838 : i32 to index
      %swap3A_840 = arith.constant 0 : index
      %swap3A_841 = tpu.vector_load %arg5[%swap3A_839, %swap3A_840] {strides = array<i32>} : memref<40x64xf32, #tpu.memory_space<vmem>>, vector<1x16xf32>,
      %swap3A_842 = vector.shape_cast %swap3A_841 : vector<1x16xf32> to vector<16xf32>
      %swap3A_843 = vector.shape_cast %get3A_837 : vector<16xf32> to vector<1x16xf32>
      tpu.vector_store %arg5[%swap3A_839, %swap3A_840], %swap3A_843 {strides = array<i32>} : memref<40x64xf32, #tpu.memory_space<vmem>>, vector<1x16xf32>,
      %get3A_844 = arith.constant 1304 : index
      %get3A_845 = tpu.vector_load %arg4[%get3A_844] {strides = array<i32>} : memref<2248xf32, #tpu.memory_space<vmem>>, vector<16xf32>,
      %get3A_846 = vector.shape_cast %get3A_845 : vector<16xf32> to vector<16xf32>
      %swap3A_847 = arith.constant 23 : i32
      %swap3A_848 = arith.index_cast %swap3A_847 : i32 to index
      %swap3A_849 = arith.constant 16 : index
      %swap3A_850 = tpu.vector_load %arg5[%swap3A_848, %swap3A_849] {strides = array<i32>} : memref<40x64xf32, #tpu.memory_space<vmem>>, vector<1x16xf32>,
      %swap3A_851 = vector.shape_cast %swap3A_850 : vector<1x16xf32> to vector<16xf32>
      %swap3A_852 = vector.shape_cast %get3A_846 : vector<16xf32> to vector<1x16xf32>
      tpu.vector_store %arg5[%swap3A_848, %swap3A_849], %swap3A_852 {strides = array<i32>} : memref<40x64xf32, #tpu.memory_space<vmem>>, vector<1x16xf32>,
      %get3A_853 = arith.constant 1320 : index
      %get3A_854 = tpu.vector_load %arg4[%get3A_853] {strides = array<i32>} : memref<2248xf32, #tpu.memory_space<vmem>>, vector<16xf32>,
      %get3A_855 = vector.shape_cast %get3A_854 : vector<16xf32> to vector<16xf32>
      %swap3A_856 = arith.constant 23 : i32
      %swap3A_857 = arith.index_cast %swap3A_856 : i32 to index
      %swap3A_858 = arith.constant 32 : index
      %swap3A_859 = tpu.vector_load %arg5[%swap3A_857, %swap3A_858] {strides = array<i32>} : memref<40x64xf32, #tpu.memory_space<vmem>>, vector<1x16xf32>,
      %swap3A_860 = vector.shape_cast %swap3A_859 : vector<1x16xf32> to vector<16xf32>
      %swap3A_861 = vector.shape_cast %get3A_855 : vector<16xf32> to vector<1x16xf32>
      tpu.vector_store %arg5[%swap3A_857, %swap3A_858], %swap3A_861 {strides = array<i32>} : memref<40x64xf32, #tpu.memory_space<vmem>>, vector<1x16xf32>,
      %get3A_862 = arith.constant 1336 : index
      %get3A_863 = tpu.vector_load %arg4[%get3A_862] {strides = array<i32>} : memref<2248xf32, #tpu.memory_space<vmem>>, vector<16xf32>,
      %get3A_864 = vector.shape_cast %get3A_863 : vector<16xf32> to vector<16xf32>
      %swap3A_865 = arith.constant 23 : i32
      %swap3A_866 = arith.index_cast %swap3A_865 : i32 to index
      %swap3A_867 = arith.constant 48 : index
      %swap3A_868 = tpu.vector_load %arg5[%swap3A_866, %swap3A_867] {strides = array<i32>} : memref<40x64xf32, #tpu.memory_space<vmem>>, vector<1x16xf32>,
      %swap3A_869 = vector.shape_cast %swap3A_868 : vector<1x16xf32> to vector<16xf32>
      %swap3A_870 = vector.shape_cast %get3A_864 : vector<16xf32> to vector<1x16xf32>
      tpu.vector_store %arg5[%swap3A_866, %swap3A_867], %swap3A_870 {strides = array<i32>} : memref<40x64xf32, #tpu.memory_space<vmem>>, vector<1x16xf32>,
      %get3A_871 = arith.constant 1344 : index
      %get3A_872 = tpu.vector_load %arg4[%get3A_871] {strides = array<i32>} : memref<2248xf32, #tpu.memory_space<vmem>>, vector<16xf32>,
      %get3A_873 = vector.shape_cast %get3A_872 : vector<16xf32> to vector<16xf32>
      %swap3A_874 = arith.constant 24 : i32
      %swap3A_875 = arith.index_cast %swap3A_874 : i32 to index
      %swap3A_876 = arith.constant 0 : index
      %swap3A_877 = tpu.vector_load %arg5[%swap3A_875, %swap3A_876] {strides = array<i32>} : memref<40x64xf32, #tpu.memory_space<vmem>>, vector<1x16xf32>,
      %swap3A_878 = vector.shape_cast %swap3A_877 : vector<1x16xf32> to vector<16xf32>
      %swap3A_879 = vector.shape_cast %get3A_873 : vector<16xf32> to vector<1x16xf32>
      tpu.vector_store %arg5[%swap3A_875, %swap3A_876], %swap3A_879 {strides = array<i32>} : memref<40x64xf32, #tpu.memory_space<vmem>>, vector<1x16xf32>,
      %get3A_880 = arith.constant 1360 : index
      %get3A_881 = tpu.vector_load %arg4[%get3A_880] {strides = array<i32>} : memref<2248xf32, #tpu.memory_space<vmem>>, vector<16xf32>,
      %get3A_882 = vector.shape_cast %get3A_881 : vector<16xf32> to vector<16xf32>
      %swap3A_883 = arith.constant 24 : i32
      %swap3A_884 = arith.index_cast %swap3A_883 : i32 to index
      %swap3A_885 = arith.constant 16 : index
      %swap3A_886 = tpu.vector_load %arg5[%swap3A_884, %swap3A_885] {strides = array<i32>} : memref<40x64xf32, #tpu.memory_space<vmem>>, vector<1x16xf32>,
      %swap3A_887 = vector.shape_cast %swap3A_886 : vector<1x16xf32> to vector<16xf32>
      %swap3A_888 = vector.shape_cast %get3A_882 : vector<16xf32> to vector<1x16xf32>
      tpu.vector_store %arg5[%swap3A_884, %swap3A_885], %swap3A_888 {strides = array<i32>} : memref<40x64xf32, #tpu.memory_space<vmem>>, vector<1x16xf32>,
      %get3A_889 = arith.constant 1376 : index
      %get3A_890 = tpu.vector_load %arg4[%get3A_889] {strides = array<i32>} : memref<2248xf32, #tpu.memory_space<vmem>>, vector<16xf32>,
      %get3A_891 = vector.shape_cast %get3A_890 : vector<16xf32> to vector<16xf32>
      %swap3A_892 = arith.constant 24 : i32
      %swap3A_893 = arith.index_cast %swap3A_892 : i32 to index
      %swap3A_894 = arith.constant 32 : index
      %swap3A_895 = tpu.vector_load %arg5[%swap3A_893, %swap3A_894] {strides = array<i32>} : memref<40x64xf32, #tpu.memory_space<vmem>>, vector<1x16xf32>,
      %swap3A_896 = vector.shape_cast %swap3A_895 : vector<1x16xf32> to vector<16xf32>
      %swap3A_897 = vector.shape_cast %get3A_891 : vector<16xf32> to vector<1x16xf32>
      tpu.vector_store %arg5[%swap3A_893, %swap3A_894], %swap3A_897 {strides = array<i32>} : memref<40x64xf32, #tpu.memory_space<vmem>>, vector<1x16xf32>,
      %get3A_898 = arith.constant 1392 : index
      %get3A_899 = tpu.vector_load %arg4[%get3A_898] {strides = array<i32>} : memref<2248xf32, #tpu.memory_space<vmem>>, vector<16xf32>,
      %get3A_900 = vector.shape_cast %get3A_899 : vector<16xf32> to vector<16xf32>
      %swap3A_901 = arith.constant 24 : i32
      %swap3A_902 = arith.index_cast %swap3A_901 : i32 to index
      %swap3A_903 = arith.constant 48 : index
      %swap3A_904 = tpu.vector_load %arg5[%swap3A_902, %swap3A_903] {strides = array<i32>} : memref<40x64xf32, #tpu.memory_space<vmem>>, vector<1x16xf32>,
      %swap3A_905 = vector.shape_cast %swap3A_904 : vector<1x16xf32> to vector<16xf32>
      %swap3A_906 = vector.shape_cast %get3A_900 : vector<16xf32> to vector<1x16xf32>
      tpu.vector_store %arg5[%swap3A_902, %swap3A_903], %swap3A_906 {strides = array<i32>} : memref<40x64xf32, #tpu.memory_space<vmem>>, vector<1x16xf32>,
      %get3A_907 = arith.constant 1400 : index
      %get3A_908 = tpu.vector_load %arg4[%get3A_907] {strides = array<i32>} : memref<2248xf32, #tpu.memory_space<vmem>>, vector<16xf32>,
      %get3A_909 = vector.shape_cast %get3A_908 : vector<16xf32> to vector<16xf32>
      %swap3A_910 = arith.constant 25 : i32
      %swap3A_911 = arith.index_cast %swap3A_910 : i32 to index
      %swap3A_912 = arith.constant 0 : index
      %swap3A_913 = tpu.vector_load %arg5[%swap3A_911, %swap3A_912] {strides = array<i32>} : memref<40x64xf32, #tpu.memory_space<vmem>>, vector<1x16xf32>,
      %swap3A_914 = vector.shape_cast %swap3A_913 : vector<1x16xf32> to vector<16xf32>
      %swap3A_915 = vector.shape_cast %get3A_909 : vector<16xf32> to vector<1x16xf32>
      tpu.vector_store %arg5[%swap3A_911, %swap3A_912], %swap3A_915 {strides = array<i32>} : memref<40x64xf32, #tpu.memory_space<vmem>>, vector<1x16xf32>,
      %get3A_916 = arith.constant 1416 : index
      %get3A_917 = tpu.vector_load %arg4[%get3A_916] {strides = array<i32>} : memref<2248xf32, #tpu.memory_space<vmem>>, vector<16xf32>,
      %get3A_918 = vector.shape_cast %get3A_917 : vector<16xf32> to vector<16xf32>
      %swap3A_919 = arith.constant 25 : i32
      %swap3A_920 = arith.index_cast %swap3A_919 : i32 to index
      %swap3A_921 = arith.constant 16 : index
      %swap3A_922 = tpu.vector_load %arg5[%swap3A_920, %swap3A_921] {strides = array<i32>} : memref<40x64xf32, #tpu.memory_space<vmem>>, vector<1x16xf32>,
      %swap3A_923 = vector.shape_cast %swap3A_922 : vector<1x16xf32> to vector<16xf32>
      %swap3A_924 = vector.shape_cast %get3A_918 : vector<16xf32> to vector<1x16xf32>
      tpu.vector_store %arg5[%swap3A_920, %swap3A_921], %swap3A_924 {strides = array<i32>} : memref<40x64xf32, #tpu.memory_space<vmem>>, vector<1x16xf32>,
      %get3A_925 = arith.constant 1432 : index
      %get3A_926 = tpu.vector_load %arg4[%get3A_925] {strides = array<i32>} : memref<2248xf32, #tpu.memory_space<vmem>>, vector<16xf32>,
      %get3A_927 = vector.shape_cast %get3A_926 : vector<16xf32> to vector<16xf32>
      %swap3A_928 = arith.constant 25 : i32
      %swap3A_929 = arith.index_cast %swap3A_928 : i32 to index
      %swap3A_930 = arith.constant 32 : index
      %swap3A_931 = tpu.vector_load %arg5[%swap3A_929, %swap3A_930] {strides = array<i32>} : memref<40x64xf32, #tpu.memory_space<vmem>>, vector<1x16xf32>,
      %swap3A_932 = vector.shape_cast %swap3A_931 : vector<1x16xf32> to vector<16xf32>
      %swap3A_933 = vector.shape_cast %get3A_927 : vector<16xf32> to vector<1x16xf32>
      tpu.vector_store %arg5[%swap3A_929, %swap3A_930], %swap3A_933 {strides = array<i32>} : memref<40x64xf32, #tpu.memory_space<vmem>>, vector<1x16xf32>,
      %get3A_934 = arith.constant 1448 : index
      %get3A_935 = tpu.vector_load %arg4[%get3A_934] {strides = array<i32>} : memref<2248xf32, #tpu.memory_space<vmem>>, vector<16xf32>,
      %get3A_936 = vector.shape_cast %get3A_935 : vector<16xf32> to vector<16xf32>
      %swap3A_937 = arith.constant 25 : i32
      %swap3A_938 = arith.index_cast %swap3A_937 : i32 to index
      %swap3A_939 = arith.constant 48 : index
      %swap3A_940 = tpu.vector_load %arg5[%swap3A_938, %swap3A_939] {strides = array<i32>} : memref<40x64xf32, #tpu.memory_space<vmem>>, vector<1x16xf32>,
      %swap3A_941 = vector.shape_cast %swap3A_940 : vector<1x16xf32> to vector<16xf32>
      %swap3A_942 = vector.shape_cast %get3A_936 : vector<16xf32> to vector<1x16xf32>
      tpu.vector_store %arg5[%swap3A_938, %swap3A_939], %swap3A_942 {strides = array<i32>} : memref<40x64xf32, #tpu.memory_space<vmem>>, vector<1x16xf32>,
      %get3A_943 = arith.constant 1456 : index
      %get3A_944 = tpu.vector_load %arg4[%get3A_943] {strides = array<i32>} : memref<2248xf32, #tpu.memory_space<vmem>>, vector<16xf32>,
      %get3A_945 = vector.shape_cast %get3A_944 : vector<16xf32> to vector<16xf32>
      %swap3A_946 = arith.constant 26 : i32
      %swap3A_947 = arith.index_cast %swap3A_946 : i32 to index
      %swap3A_948 = arith.constant 0 : index
      %swap3A_949 = tpu.vector_load %arg5[%swap3A_947, %swap3A_948] {strides = array<i32>} : memref<40x64xf32, #tpu.memory_space<vmem>>, vector<1x16xf32>,
      %swap3A_950 = vector.shape_cast %swap3A_949 : vector<1x16xf32> to vector<16xf32>
      %swap3A_951 = vector.shape_cast %get3A_945 : vector<16xf32> to vector<1x16xf32>
      tpu.vector_store %arg5[%swap3A_947, %swap3A_948], %swap3A_951 {strides = array<i32>} : memref<40x64xf32, #tpu.memory_space<vmem>>, vector<1x16xf32>,
      %get3A_952 = arith.constant 1472 : index
      %get3A_953 = tpu.vector_load %arg4[%get3A_952] {strides = array<i32>} : memref<2248xf32, #tpu.memory_space<vmem>>, vector<16xf32>,
      %get3A_954 = vector.shape_cast %get3A_953 : vector<16xf32> to vector<16xf32>
      %swap3A_955 = arith.constant 26 : i32
      %swap3A_956 = arith.index_cast %swap3A_955 : i32 to index
      %swap3A_957 = arith.constant 16 : index
      %swap3A_958 = tpu.vector_load %arg5[%swap3A_956, %swap3A_957] {strides = array<i32>} : memref<40x64xf32, #tpu.memory_space<vmem>>, vector<1x16xf32>,
      %swap3A_959 = vector.shape_cast %swap3A_958 : vector<1x16xf32> to vector<16xf32>
      %swap3A_960 = vector.shape_cast %get3A_954 : vector<16xf32> to vector<1x16xf32>
      tpu.vector_store %arg5[%swap3A_956, %swap3A_957], %swap3A_960 {strides = array<i32>} : memref<40x64xf32, #tpu.memory_space<vmem>>, vector<1x16xf32>,
      %get3A_961 = arith.constant 1488 : index
      %get3A_962 = tpu.vector_load %arg4[%get3A_961] {strides = array<i32>} : memref<2248xf32, #tpu.memory_space<vmem>>, vector<16xf32>,
      %get3A_963 = vector.shape_cast %get3A_962 : vector<16xf32> to vector<16xf32>
      %swap3A_964 = arith.constant 26 : i32
      %swap3A_965 = arith.index_cast %swap3A_964 : i32 to index
      %swap3A_966 = arith.constant 32 : index
      %swap3A_967 = tpu.vector_load %arg5[%swap3A_965, %swap3A_966] {strides = array<i32>} : memref<40x64xf32, #tpu.memory_space<vmem>>, vector<1x16xf32>,
      %swap3A_968 = vector.shape_cast %swap3A_967 : vector<1x16xf32> to vector<16xf32>
      %swap3A_969 = vector.shape_cast %get3A_963 : vector<16xf32> to vector<1x16xf32>
      tpu.vector_store %arg5[%swap3A_965, %swap3A_966], %swap3A_969 {strides = array<i32>} : memref<40x64xf32, #tpu.memory_space<vmem>>, vector<1x16xf32>,
      %get3A_970 = arith.constant 1504 : index
      %get3A_971 = tpu.vector_load %arg4[%get3A_970] {strides = array<i32>} : memref<2248xf32, #tpu.memory_space<vmem>>, vector<16xf32>,
      %get3A_972 = vector.shape_cast %get3A_971 : vector<16xf32> to vector<16xf32>
      %swap3A_973 = arith.constant 26 : i32
      %swap3A_974 = arith.index_cast %swap3A_973 : i32 to index
      %swap3A_975 = arith.constant 48 : index
      %swap3A_976 = tpu.vector_load %arg5[%swap3A_974, %swap3A_975] {strides = array<i32>} : memref<40x64xf32, #tpu.memory_space<vmem>>, vector<1x16xf32>,
      %swap3A_977 = vector.shape_cast %swap3A_976 : vector<1x16xf32> to vector<16xf32>
      %swap3A_978 = vector.shape_cast %get3A_972 : vector<16xf32> to vector<1x16xf32>
      tpu.vector_store %arg5[%swap3A_974, %swap3A_975], %swap3A_978 {strides = array<i32>} : memref<40x64xf32, #tpu.memory_space<vmem>>, vector<1x16xf32>,
      %get3A_979 = arith.constant 1512 : index
      %get3A_980 = tpu.vector_load %arg4[%get3A_979] {strides = array<i32>} : memref<2248xf32, #tpu.memory_space<vmem>>, vector<16xf32>,
      %get3A_981 = vector.shape_cast %get3A_980 : vector<16xf32> to vector<16xf32>
      %swap3A_982 = arith.constant 27 : i32
      %swap3A_983 = arith.index_cast %swap3A_982 : i32 to index
      %swap3A_984 = arith.constant 0 : index
      %swap3A_985 = tpu.vector_load %arg5[%swap3A_983, %swap3A_984] {strides = array<i32>} : memref<40x64xf32, #tpu.memory_space<vmem>>, vector<1x16xf32>,
      %swap3A_986 = vector.shape_cast %swap3A_985 : vector<1x16xf32> to vector<16xf32>
      %swap3A_987 = vector.shape_cast %get3A_981 : vector<16xf32> to vector<1x16xf32>
      tpu.vector_store %arg5[%swap3A_983, %swap3A_984], %swap3A_987 {strides = array<i32>} : memref<40x64xf32, #tpu.memory_space<vmem>>, vector<1x16xf32>,
      %get3A_988 = arith.constant 1528 : index
      %get3A_989 = tpu.vector_load %arg4[%get3A_988] {strides = array<i32>} : memref<2248xf32, #tpu.memory_space<vmem>>, vector<16xf32>,
      %get3A_990 = vector.shape_cast %get3A_989 : vector<16xf32> to vector<16xf32>
      %swap3A_991 = arith.constant 27 : i32
      %swap3A_992 = arith.index_cast %swap3A_991 : i32 to index
      %swap3A_993 = arith.constant 16 : index
      %swap3A_994 = tpu.vector_load %arg5[%swap3A_992, %swap3A_993] {strides = array<i32>} : memref<40x64xf32, #tpu.memory_space<vmem>>, vector<1x16xf32>,
      %swap3A_995 = vector.shape_cast %swap3A_994 : vector<1x16xf32> to vector<16xf32>
      %swap3A_996 = vector.shape_cast %get3A_990 : vector<16xf32> to vector<1x16xf32>
      tpu.vector_store %arg5[%swap3A_992, %swap3A_993], %swap3A_996 {strides = array<i32>} : memref<40x64xf32, #tpu.memory_space<vmem>>, vector<1x16xf32>,
      %get3A_997 = arith.constant 1544 : index
      %get3A_998 = tpu.vector_load %arg4[%get3A_997] {strides = array<i32>} : memref<2248xf32, #tpu.memory_space<vmem>>, vector<16xf32>,
      %get3A_999 = vector.shape_cast %get3A_998 : vector<16xf32> to vector<16xf32>
      %swap3A_1000 = arith.constant 27 : i32
      %swap3A_1001 = arith.index_cast %swap3A_1000 : i32 to index
      %swap3A_1002 = arith.constant 32 : index
      %swap3A_1003 = tpu.vector_load %arg5[%swap3A_1001, %swap3A_1002] {strides = array<i32>} : memref<40x64xf32, #tpu.memory_space<vmem>>, vector<1x16xf32>,
      %swap3A_1004 = vector.shape_cast %swap3A_1003 : vector<1x16xf32> to vector<16xf32>
      %swap3A_1005 = vector.shape_cast %get3A_999 : vector<16xf32> to vector<1x16xf32>
      tpu.vector_store %arg5[%swap3A_1001, %swap3A_1002], %swap3A_1005 {strides = array<i32>} : memref<40x64xf32, #tpu.memory_space<vmem>>, vector<1x16xf32>,
      %get3A_1006 = arith.constant 1560 : index
      %get3A_1007 = tpu.vector_load %arg4[%get3A_1006] {strides = array<i32>} : memref<2248xf32, #tpu.memory_space<vmem>>, vector<16xf32>,
      %get3A_1008 = vector.shape_cast %get3A_1007 : vector<16xf32> to vector<16xf32>
      %swap3A_1009 = arith.constant 27 : i32
      %swap3A_1010 = arith.index_cast %swap3A_1009 : i32 to index
      %swap3A_1011 = arith.constant 48 : index
      %swap3A_1012 = tpu.vector_load %arg5[%swap3A_1010, %swap3A_1011] {strides = array<i32>} : memref<40x64xf32, #tpu.memory_space<vmem>>, vector<1x16xf32>,
      %swap3A_1013 = vector.shape_cast %swap3A_1012 : vector<1x16xf32> to vector<16xf32>
      %swap3A_1014 = vector.shape_cast %get3A_1008 : vector<16xf32> to vector<1x16xf32>
      tpu.vector_store %arg5[%swap3A_1010, %swap3A_1011], %swap3A_1014 {strides = array<i32>} : memref<40x64xf32, #tpu.memory_space<vmem>>, vector<1x16xf32>,
      %get3A_1015 = arith.constant 1568 : index
      %get3A_1016 = tpu.vector_load %arg4[%get3A_1015] {strides = array<i32>} : memref<2248xf32, #tpu.memory_space<vmem>>, vector<16xf32>,
      %get3A_1017 = vector.shape_cast %get3A_1016 : vector<16xf32> to vector<16xf32>
      %swap3A_1018 = arith.constant 28 : i32
      %swap3A_1019 = arith.index_cast %swap3A_1018 : i32 to index
      %swap3A_1020 = arith.constant 0 : index
      %swap3A_1021 = tpu.vector_load %arg5[%swap3A_1019, %swap3A_1020] {strides = array<i32>} : memref<40x64xf32, #tpu.memory_space<vmem>>, vector<1x16xf32>,
      %swap3A_1022 = vector.shape_cast %swap3A_1021 : vector<1x16xf32> to vector<16xf32>
      %swap3A_1023 = vector.shape_cast %get3A_1017 : vector<16xf32> to vector<1x16xf32>
      tpu.vector_store %arg5[%swap3A_1019, %swap3A_1020], %swap3A_1023 {strides = array<i32>} : memref<40x64xf32, #tpu.memory_space<vmem>>, vector<1x16xf32>,
      %get3A_1024 = arith.constant 1584 : index
      %get3A_1025 = tpu.vector_load %arg4[%get3A_1024] {strides = array<i32>} : memref<2248xf32, #tpu.memory_space<vmem>>, vector<16xf32>,
      %get3A_1026 = vector.shape_cast %get3A_1025 : vector<16xf32> to vector<16xf32>
      %swap3A_1027 = arith.constant 28 : i32
      %swap3A_1028 = arith.index_cast %swap3A_1027 : i32 to index
      %swap3A_1029 = arith.constant 16 : index
      %swap3A_1030 = tpu.vector_load %arg5[%swap3A_1028, %swap3A_1029] {strides = array<i32>} : memref<40x64xf32, #tpu.memory_space<vmem>>, vector<1x16xf32>,
      %swap3A_1031 = vector.shape_cast %swap3A_1030 : vector<1x16xf32> to vector<16xf32>
      %swap3A_1032 = vector.shape_cast %get3A_1026 : vector<16xf32> to vector<1x16xf32>
      tpu.vector_store %arg5[%swap3A_1028, %swap3A_1029], %swap3A_1032 {strides = array<i32>} : memref<40x64xf32, #tpu.memory_space<vmem>>, vector<1x16xf32>,
      %get3A_1033 = arith.constant 1600 : index
      %get3A_1034 = tpu.vector_load %arg4[%get3A_1033] {strides = array<i32>} : memref<2248xf32, #tpu.memory_space<vmem>>, vector<16xf32>,
      %get3A_1035 = vector.shape_cast %get3A_1034 : vector<16xf32> to vector<16xf32>
      %swap3A_1036 = arith.constant 28 : i32
      %swap3A_1037 = arith.index_cast %swap3A_1036 : i32 to index
      %swap3A_1038 = arith.constant 32 : index
      %swap3A_1039 = tpu.vector_load %arg5[%swap3A_1037, %swap3A_1038] {strides = array<i32>} : memref<40x64xf32, #tpu.memory_space<vmem>>, vector<1x16xf32>,
      %swap3A_1040 = vector.shape_cast %swap3A_1039 : vector<1x16xf32> to vector<16xf32>
      %swap3A_1041 = vector.shape_cast %get3A_1035 : vector<16xf32> to vector<1x16xf32>
      tpu.vector_store %arg5[%swap3A_1037, %swap3A_1038], %swap3A_1041 {strides = array<i32>} : memref<40x64xf32, #tpu.memory_space<vmem>>, vector<1x16xf32>,
      %get3A_1042 = arith.constant 1616 : index
      %get3A_1043 = tpu.vector_load %arg4[%get3A_1042] {strides = array<i32>} : memref<2248xf32, #tpu.memory_space<vmem>>, vector<16xf32>,
      %get3A_1044 = vector.shape_cast %get3A_1043 : vector<16xf32> to vector<16xf32>
      %swap3A_1045 = arith.constant 28 : i32
      %swap3A_1046 = arith.index_cast %swap3A_1045 : i32 to index
      %swap3A_1047 = arith.constant 48 : index
      %swap3A_1048 = tpu.vector_load %arg5[%swap3A_1046, %swap3A_1047] {strides = array<i32>} : memref<40x64xf32, #tpu.memory_space<vmem>>, vector<1x16xf32>,
      %swap3A_1049 = vector.shape_cast %swap3A_1048 : vector<1x16xf32> to vector<16xf32>
      %swap3A_1050 = vector.shape_cast %get3A_1044 : vector<16xf32> to vector<1x16xf32>
      tpu.vector_store %arg5[%swap3A_1046, %swap3A_1047], %swap3A_1050 {strides = array<i32>} : memref<40x64xf32, #tpu.memory_space<vmem>>, vector<1x16xf32>,
      %get3A_1051 = arith.constant 1624 : index
      %get3A_1052 = tpu.vector_load %arg4[%get3A_1051] {strides = array<i32>} : memref<2248xf32, #tpu.memory_space<vmem>>, vector<16xf32>,
      %get3A_1053 = vector.shape_cast %get3A_1052 : vector<16xf32> to vector<16xf32>
      %swap3A_1054 = arith.constant 29 : i32
      %swap3A_1055 = arith.index_cast %swap3A_1054 : i32 to index
      %swap3A_1056 = arith.constant 0 : index
      %swap3A_1057 = tpu.vector_load %arg5[%swap3A_1055, %swap3A_1056] {strides = array<i32>} : memref<40x64xf32, #tpu.memory_space<vmem>>, vector<1x16xf32>,
      %swap3A_1058 = vector.shape_cast %swap3A_1057 : vector<1x16xf32> to vector<16xf32>
      %swap3A_1059 = vector.shape_cast %get3A_1053 : vector<16xf32> to vector<1x16xf32>
      tpu.vector_store %arg5[%swap3A_1055, %swap3A_1056], %swap3A_1059 {strides = array<i32>} : memref<40x64xf32, #tpu.memory_space<vmem>>, vector<1x16xf32>,
      %get3A_1060 = arith.constant 1640 : index
      %get3A_1061 = tpu.vector_load %arg4[%get3A_1060] {strides = array<i32>} : memref<2248xf32, #tpu.memory_space<vmem>>, vector<16xf32>,
      %get3A_1062 = vector.shape_cast %get3A_1061 : vector<16xf32> to vector<16xf32>
      %swap3A_1063 = arith.constant 29 : i32
      %swap3A_1064 = arith.index_cast %swap3A_1063 : i32 to index
      %swap3A_1065 = arith.constant 16 : index
      %swap3A_1066 = tpu.vector_load %arg5[%swap3A_1064, %swap3A_1065] {strides = array<i32>} : memref<40x64xf32, #tpu.memory_space<vmem>>, vector<1x16xf32>,
      %swap3A_1067 = vector.shape_cast %swap3A_1066 : vector<1x16xf32> to vector<16xf32>
      %swap3A_1068 = vector.shape_cast %get3A_1062 : vector<16xf32> to vector<1x16xf32>
      tpu.vector_store %arg5[%swap3A_1064, %swap3A_1065], %swap3A_1068 {strides = array<i32>} : memref<40x64xf32, #tpu.memory_space<vmem>>, vector<1x16xf32>,
      %get3A_1069 = arith.constant 1656 : index
      %get3A_1070 = tpu.vector_load %arg4[%get3A_1069] {strides = array<i32>} : memref<2248xf32, #tpu.memory_space<vmem>>, vector<16xf32>,
      %get3A_1071 = vector.shape_cast %get3A_1070 : vector<16xf32> to vector<16xf32>
      %swap3A_1072 = arith.constant 29 : i32
      %swap3A_1073 = arith.index_cast %swap3A_1072 : i32 to index
      %swap3A_1074 = arith.constant 32 : index
      %swap3A_1075 = tpu.vector_load %arg5[%swap3A_1073, %swap3A_1074] {strides = array<i32>} : memref<40x64xf32, #tpu.memory_space<vmem>>, vector<1x16xf32>,
      %swap3A_1076 = vector.shape_cast %swap3A_1075 : vector<1x16xf32> to vector<16xf32>
      %swap3A_1077 = vector.shape_cast %get3A_1071 : vector<16xf32> to vector<1x16xf32>
      tpu.vector_store %arg5[%swap3A_1073, %swap3A_1074], %swap3A_1077 {strides = array<i32>} : memref<40x64xf32, #tpu.memory_space<vmem>>, vector<1x16xf32>,
      %get3A_1078 = arith.constant 1672 : index
      %get3A_1079 = tpu.vector_load %arg4[%get3A_1078] {strides = array<i32>} : memref<2248xf32, #tpu.memory_space<vmem>>, vector<16xf32>,
      %get3A_1080 = vector.shape_cast %get3A_1079 : vector<16xf32> to vector<16xf32>
      %swap3A_1081 = arith.constant 29 : i32
      %swap3A_1082 = arith.index_cast %swap3A_1081 : i32 to index
      %swap3A_1083 = arith.constant 48 : index
      %swap3A_1084 = tpu.vector_load %arg5[%swap3A_1082, %swap3A_1083] {strides = array<i32>} : memref<40x64xf32, #tpu.memory_space<vmem>>, vector<1x16xf32>,
      %swap3A_1085 = vector.shape_cast %swap3A_1084 : vector<1x16xf32> to vector<16xf32>
      %swap3A_1086 = vector.shape_cast %get3A_1080 : vector<16xf32> to vector<1x16xf32>
      tpu.vector_store %arg5[%swap3A_1082, %swap3A_1083], %swap3A_1086 {strides = array<i32>} : memref<40x64xf32, #tpu.memory_space<vmem>>, vector<1x16xf32>,
      %get3A_1087 = arith.constant 1680 : index
      %get3A_1088 = tpu.vector_load %arg4[%get3A_1087] {strides = array<i32>} : memref<2248xf32, #tpu.memory_space<vmem>>, vector<16xf32>,
      %get3A_1089 = vector.shape_cast %get3A_1088 : vector<16xf32> to vector<16xf32>
      %swap3A_1090 = arith.constant 30 : i32
      %swap3A_1091 = arith.index_cast %swap3A_1090 : i32 to index
      %swap3A_1092 = arith.constant 0 : index
      %swap3A_1093 = tpu.vector_load %arg5[%swap3A_1091, %swap3A_1092] {strides = array<i32>} : memref<40x64xf32, #tpu.memory_space<vmem>>, vector<1x16xf32>,
      %swap3A_1094 = vector.shape_cast %swap3A_1093 : vector<1x16xf32> to vector<16xf32>
      %swap3A_1095 = vector.shape_cast %get3A_1089 : vector<16xf32> to vector<1x16xf32>
      tpu.vector_store %arg5[%swap3A_1091, %swap3A_1092], %swap3A_1095 {strides = array<i32>} : memref<40x64xf32, #tpu.memory_space<vmem>>, vector<1x16xf32>,
      %get3A_1096 = arith.constant 1696 : index
      %get3A_1097 = tpu.vector_load %arg4[%get3A_1096] {strides = array<i32>} : memref<2248xf32, #tpu.memory_space<vmem>>, vector<16xf32>,
      %get3A_1098 = vector.shape_cast %get3A_1097 : vector<16xf32> to vector<16xf32>
      %swap3A_1099 = arith.constant 30 : i32
      %swap3A_1100 = arith.index_cast %swap3A_1099 : i32 to index
      %swap3A_1101 = arith.constant 16 : index
      %swap3A_1102 = tpu.vector_load %arg5[%swap3A_1100, %swap3A_1101] {strides = array<i32>} : memref<40x64xf32, #tpu.memory_space<vmem>>, vector<1x16xf32>,
      %swap3A_1103 = vector.shape_cast %swap3A_1102 : vector<1x16xf32> to vector<16xf32>
      %swap3A_1104 = vector.shape_cast %get3A_1098 : vector<16xf32> to vector<1x16xf32>
      tpu.vector_store %arg5[%swap3A_1100, %swap3A_1101], %swap3A_1104 {strides = array<i32>} : memref<40x64xf32, #tpu.memory_space<vmem>>, vector<1x16xf32>,
      %get3A_1105 = arith.constant 1712 : index
      %get3A_1106 = tpu.vector_load %arg4[%get3A_1105] {strides = array<i32>} : memref<2248xf32, #tpu.memory_space<vmem>>, vector<16xf32>,
      %get3A_1107 = vector.shape_cast %get3A_1106 : vector<16xf32> to vector<16xf32>
      %swap3A_1108 = arith.constant 30 : i32
      %swap3A_1109 = arith.index_cast %swap3A_1108 : i32 to index
      %swap3A_1110 = arith.constant 32 : index
      %swap3A_1111 = tpu.vector_load %arg5[%swap3A_1109, %swap3A_1110] {strides = array<i32>} : memref<40x64xf32, #tpu.memory_space<vmem>>, vector<1x16xf32>,
      %swap3A_1112 = vector.shape_cast %swap3A_1111 : vector<1x16xf32> to vector<16xf32>
      %swap3A_1113 = vector.shape_cast %get3A_1107 : vector<16xf32> to vector<1x16xf32>
      tpu.vector_store %arg5[%swap3A_1109, %swap3A_1110], %swap3A_1113 {strides = array<i32>} : memref<40x64xf32, #tpu.memory_space<vmem>>, vector<1x16xf32>,
      %get3A_1114 = arith.constant 1728 : index
      %get3A_1115 = tpu.vector_load %arg4[%get3A_1114] {strides = array<i32>} : memref<2248xf32, #tpu.memory_space<vmem>>, vector<16xf32>,
      %get3A_1116 = vector.shape_cast %get3A_1115 : vector<16xf32> to vector<16xf32>
      %swap3A_1117 = arith.constant 30 : i32
      %swap3A_1118 = arith.index_cast %swap3A_1117 : i32 to index
      %swap3A_1119 = arith.constant 48 : index
      %swap3A_1120 = tpu.vector_load %arg5[%swap3A_1118, %swap3A_1119] {strides = array<i32>} : memref<40x64xf32, #tpu.memory_space<vmem>>, vector<1x16xf32>,
      %swap3A_1121 = vector.shape_cast %swap3A_1120 : vector<1x16xf32> to vector<16xf32>
      %swap3A_1122 = vector.shape_cast %get3A_1116 : vector<16xf32> to vector<1x16xf32>
      tpu.vector_store %arg5[%swap3A_1118, %swap3A_1119], %swap3A_1122 {strides = array<i32>} : memref<40x64xf32, #tpu.memory_space<vmem>>, vector<1x16xf32>,
      %get3A_1123 = arith.constant 1736 : index
      %get3A_1124 = tpu.vector_load %arg4[%get3A_1123] {strides = array<i32>} : memref<2248xf32, #tpu.memory_space<vmem>>, vector<16xf32>,
      %get3A_1125 = vector.shape_cast %get3A_1124 : vector<16xf32> to vector<16xf32>
      %swap3A_1126 = arith.constant 31 : i32
      %swap3A_1127 = arith.index_cast %swap3A_1126 : i32 to index
      %swap3A_1128 = arith.constant 0 : index
      %swap3A_1129 = tpu.vector_load %arg5[%swap3A_1127, %swap3A_1128] {strides = array<i32>} : memref<40x64xf32, #tpu.memory_space<vmem>>, vector<1x16xf32>,
      %swap3A_1130 = vector.shape_cast %swap3A_1129 : vector<1x16xf32> to vector<16xf32>
      %swap3A_1131 = vector.shape_cast %get3A_1125 : vector<16xf32> to vector<1x16xf32>
      tpu.vector_store %arg5[%swap3A_1127, %swap3A_1128], %swap3A_1131 {strides = array<i32>} : memref<40x64xf32, #tpu.memory_space<vmem>>, vector<1x16xf32>,
      %get3A_1132 = arith.constant 1752 : index
      %get3A_1133 = tpu.vector_load %arg4[%get3A_1132] {strides = array<i32>} : memref<2248xf32, #tpu.memory_space<vmem>>, vector<16xf32>,
      %get3A_1134 = vector.shape_cast %get3A_1133 : vector<16xf32> to vector<16xf32>
      %swap3A_1135 = arith.constant 31 : i32
      %swap3A_1136 = arith.index_cast %swap3A_1135 : i32 to index
      %swap3A_1137 = arith.constant 16 : index
      %swap3A_1138 = tpu.vector_load %arg5[%swap3A_1136, %swap3A_1137] {strides = array<i32>} : memref<40x64xf32, #tpu.memory_space<vmem>>, vector<1x16xf32>,
      %swap3A_1139 = vector.shape_cast %swap3A_1138 : vector<1x16xf32> to vector<16xf32>
      %swap3A_1140 = vector.shape_cast %get3A_1134 : vector<16xf32> to vector<1x16xf32>
      tpu.vector_store %arg5[%swap3A_1136, %swap3A_1137], %swap3A_1140 {strides = array<i32>} : memref<40x64xf32, #tpu.memory_space<vmem>>, vector<1x16xf32>,
      %get3A_1141 = arith.constant 1768 : index
      %get3A_1142 = tpu.vector_load %arg4[%get3A_1141] {strides = array<i32>} : memref<2248xf32, #tpu.memory_space<vmem>>, vector<16xf32>,
      %get3A_1143 = vector.shape_cast %get3A_1142 : vector<16xf32> to vector<16xf32>
      %swap3A_1144 = arith.constant 31 : i32
      %swap3A_1145 = arith.index_cast %swap3A_1144 : i32 to index
      %swap3A_1146 = arith.constant 32 : index
      %swap3A_1147 = tpu.vector_load %arg5[%swap3A_1145, %swap3A_1146] {strides = array<i32>} : memref<40x64xf32, #tpu.memory_space<vmem>>, vector<1x16xf32>,
      %swap3A_1148 = vector.shape_cast %swap3A_1147 : vector<1x16xf32> to vector<16xf32>
      %swap3A_1149 = vector.shape_cast %get3A_1143 : vector<16xf32> to vector<1x16xf32>
      tpu.vector_store %arg5[%swap3A_1145, %swap3A_1146], %swap3A_1149 {strides = array<i32>} : memref<40x64xf32, #tpu.memory_space<vmem>>, vector<1x16xf32>,
      %get3A_1150 = arith.constant 1784 : index
      %get3A_1151 = tpu.vector_load %arg4[%get3A_1150] {strides = array<i32>} : memref<2248xf32, #tpu.memory_space<vmem>>, vector<16xf32>,
      %get3A_1152 = vector.shape_cast %get3A_1151 : vector<16xf32> to vector<16xf32>
      %swap3A_1153 = arith.constant 31 : i32
      %swap3A_1154 = arith.index_cast %swap3A_1153 : i32 to index
      %swap3A_1155 = arith.constant 48 : index
      %swap3A_1156 = tpu.vector_load %arg5[%swap3A_1154, %swap3A_1155] {strides = array<i32>} : memref<40x64xf32, #tpu.memory_space<vmem>>, vector<1x16xf32>,
      %swap3A_1157 = vector.shape_cast %swap3A_1156 : vector<1x16xf32> to vector<16xf32>
      %swap3A_1158 = vector.shape_cast %get3A_1152 : vector<16xf32> to vector<1x16xf32>
      tpu.vector_store %arg5[%swap3A_1154, %swap3A_1155], %swap3A_1158 {strides = array<i32>} : memref<40x64xf32, #tpu.memory_space<vmem>>, vector<1x16xf32>,
      %get3A_1159 = arith.constant 1792 : index
      %get3A_1160 = tpu.vector_load %arg4[%get3A_1159] {strides = array<i32>} : memref<2248xf32, #tpu.memory_space<vmem>>, vector<16xf32>,
      %get3A_1161 = vector.shape_cast %get3A_1160 : vector<16xf32> to vector<16xf32>
      %swap3A_1162 = arith.constant 32 : i32
      %swap3A_1163 = arith.index_cast %swap3A_1162 : i32 to index
      %swap3A_1164 = arith.constant 0 : index
      %swap3A_1165 = tpu.vector_load %arg5[%swap3A_1163, %swap3A_1164] {strides = array<i32>} : memref<40x64xf32, #tpu.memory_space<vmem>>, vector<1x16xf32>,
      %swap3A_1166 = vector.shape_cast %swap3A_1165 : vector<1x16xf32> to vector<16xf32>
      %swap3A_1167 = vector.shape_cast %get3A_1161 : vector<16xf32> to vector<1x16xf32>
      tpu.vector_store %arg5[%swap3A_1163, %swap3A_1164], %swap3A_1167 {strides = array<i32>} : memref<40x64xf32, #tpu.memory_space<vmem>>, vector<1x16xf32>,
      %get3A_1168 = arith.constant 1808 : index
      %get3A_1169 = tpu.vector_load %arg4[%get3A_1168] {strides = array<i32>} : memref<2248xf32, #tpu.memory_space<vmem>>, vector<16xf32>,
      %get3A_1170 = vector.shape_cast %get3A_1169 : vector<16xf32> to vector<16xf32>
      %swap3A_1171 = arith.constant 32 : i32
      %swap3A_1172 = arith.index_cast %swap3A_1171 : i32 to index
      %swap3A_1173 = arith.constant 16 : index
      %swap3A_1174 = tpu.vector_load %arg5[%swap3A_1172, %swap3A_1173] {strides = array<i32>} : memref<40x64xf32, #tpu.memory_space<vmem>>, vector<1x16xf32>,
      %swap3A_1175 = vector.shape_cast %swap3A_1174 : vector<1x16xf32> to vector<16xf32>
      %swap3A_1176 = vector.shape_cast %get3A_1170 : vector<16xf32> to vector<1x16xf32>
      tpu.vector_store %arg5[%swap3A_1172, %swap3A_1173], %swap3A_1176 {strides = array<i32>} : memref<40x64xf32, #tpu.memory_space<vmem>>, vector<1x16xf32>,
      %get3A_1177 = arith.constant 1824 : index
      %get3A_1178 = tpu.vector_load %arg4[%get3A_1177] {strides = array<i32>} : memref<2248xf32, #tpu.memory_space<vmem>>, vector<16xf32>,
      %get3A_1179 = vector.shape_cast %get3A_1178 : vector<16xf32> to vector<16xf32>
      %swap3A_1180 = arith.constant 32 : i32
      %swap3A_1181 = arith.index_cast %swap3A_1180 : i32 to index
      %swap3A_1182 = arith.constant 32 : index
      %swap3A_1183 = tpu.vector_load %arg5[%swap3A_1181, %swap3A_1182] {strides = array<i32>} : memref<40x64xf32, #tpu.memory_space<vmem>>, vector<1x16xf32>,
      %swap3A_1184 = vector.shape_cast %swap3A_1183 : vector<1x16xf32> to vector<16xf32>
      %swap3A_1185 = vector.shape_cast %get3A_1179 : vector<16xf32> to vector<1x16xf32>
      tpu.vector_store %arg5[%swap3A_1181, %swap3A_1182], %swap3A_1185 {strides = array<i32>} : memref<40x64xf32, #tpu.memory_space<vmem>>, vector<1x16xf32>,
      %get3A_1186 = arith.constant 1840 : index
      %get3A_1187 = tpu.vector_load %arg4[%get3A_1186] {strides = array<i32>} : memref<2248xf32, #tpu.memory_space<vmem>>, vector<16xf32>,
      %get3A_1188 = vector.shape_cast %get3A_1187 : vector<16xf32> to vector<16xf32>
      %swap3A_1189 = arith.constant 32 : i32
      %swap3A_1190 = arith.index_cast %swap3A_1189 : i32 to index
      %swap3A_1191 = arith.constant 48 : index
      %swap3A_1192 = tpu.vector_load %arg5[%swap3A_1190, %swap3A_1191] {strides = array<i32>} : memref<40x64xf32, #tpu.memory_space<vmem>>, vector<1x16xf32>,
      %swap3A_1193 = vector.shape_cast %swap3A_1192 : vector<1x16xf32> to vector<16xf32>
      %swap3A_1194 = vector.shape_cast %get3A_1188 : vector<16xf32> to vector<1x16xf32>
      tpu.vector_store %arg5[%swap3A_1190, %swap3A_1191], %swap3A_1194 {strides = array<i32>} : memref<40x64xf32, #tpu.memory_space<vmem>>, vector<1x16xf32>,
      "tpu.region"() ({
        %run_scoped3A = tpu.sem_alloc : memref<!tpu.dma_semaphore, #tpu.memory_space<semaphore_mem>>
        %dma_start3A = arith.constant 0 : i32
        %dma_start3A_1195 = arith.constant 0 : i32
        %dma_start3A_1196 = tpu.memref_slice %arg5[%dma_start3A, %dma_start3A_1195] : memref<40x64xf32, #tpu.memory_space<vmem>> -> memref<33x64xf32, #tpu.memory_space<vmem>>
        %dma_start3A_1197 = arith.constant 40 : i32
        %dma_start3A_1198 = arith.constant 0 : i32
        %dma_start3A_1199 = tpu.memref_slice %arg3[%arg1, %dma_start3A_1197, %dma_start3A_1198] : memref<16x73x64xf32, #tpu.memory_space<hbm>> -> memref<1x33x64xf32, #tpu.memory_space<hbm>>
        %dma_start3A_1200 = tpu.memref_squeeze %dma_start3A_1199 : memref<1x33x64xf32, #tpu.memory_space<hbm>> -> memref<33x64xf32, #tpu.memory_space<hbm>>
        %dma_start3A_1201 = arith.constant 40 : i32
        %dma_start3A_1202 = arith.constant 0 : i32
        %dma_start3A_1203 = tpu.memref_slice %arg3[%arg1, %dma_start3A_1201, %dma_start3A_1202] : memref<16x73x64xf32, #tpu.memory_space<hbm>> -> memref<1x33x64xf32, #tpu.memory_space<hbm>>
        %dma_start3A_1204 = tpu.memref_squeeze %dma_start3A_1203 : memref<1x33x64xf32, #tpu.memory_space<hbm>> -> memref<33x64xf32, #tpu.memory_space<hbm>>
        %dma_start3A_1205 = arith.constant 0 : i32
        %dma_start3A_1206 = arith.constant 0 : i32
        %dma_start3A_1207 = tpu.memref_slice %arg5[%dma_start3A_1205, %dma_start3A_1206] : memref<40x64xf32, #tpu.memory_space<vmem>> -> memref<33x64xf32, #tpu.memory_space<vmem>>
        tpu.enqueue_dma source(%dma_start3A_1207 : memref<33x64xf32, #tpu.memory_space<vmem>>) target(%dma_start3A_1204 : memref<33x64xf32, #tpu.memory_space<hbm>>) target_semaphore(%run_scoped3A : memref<!tpu.dma_semaphore, #tpu.memory_space<semaphore_mem>>)
        %dma_wait3A = arith.constant 0 : i32
        %dma_wait3A_1208 = arith.constant 0 : i32
        %dma_wait3A_1209 = tpu.memref_slice %arg5[%dma_wait3A, %dma_wait3A_1208] : memref<40x64xf32, #tpu.memory_space<vmem>> -> memref<33x64xf32, #tpu.memory_space<vmem>>
        %dma_wait3A_1210 = arith.constant 40 : i32
        %dma_wait3A_1211 = arith.constant 0 : i32
        %dma_wait3A_1212 = tpu.memref_slice %arg3[%arg1, %dma_wait3A_1210, %dma_wait3A_1211] : memref<16x73x64xf32, #tpu.memory_space<hbm>> -> memref<1x33x64xf32, #tpu.memory_space<hbm>>
        %dma_wait3A_1213 = tpu.memref_squeeze %dma_wait3A_1212 : memref<1x33x64xf32, #tpu.memory_space<hbm>> -> memref<33x64xf32, #tpu.memory_space<hbm>>
        %dma_wait3A_1214 = arith.constant 40 : i32
        %dma_wait3A_1215 = arith.constant 0 : i32
        %dma_wait3A_1216 = tpu.memref_slice %arg3[%arg1, %dma_wait3A_1214, %dma_wait3A_1215] : memref<16x73x64xf32, #tpu.memory_space<hbm>> -> memref<1x33x64xf32, #tpu.memory_space<hbm>>
        %dma_wait3A_1217 = tpu.memref_squeeze %dma_wait3A_1216 : memref<1x33x64xf32, #tpu.memory_space<hbm>> -> memref<33x64xf32, #tpu.memory_space<hbm>>
        %dma_wait3A_1218 = arith.constant 0 : i32
        %dma_wait3A_1219 = arith.constant 0 : i32
        %dma_wait3A_1220 = tpu.memref_slice %arg5[%dma_wait3A_1218, %dma_wait3A_1219] : memref<40x64xf32, #tpu.memory_space<vmem>> -> memref<33x64xf32, #tpu.memory_space<vmem>>
        tpu.wait_dma2 semaphore(%run_scoped3A : memref<!tpu.dma_semaphore, #tpu.memory_space<semaphore_mem>>) src(%dma_wait3A_1220 : memref<33x64xf32, #tpu.memory_space<vmem>>) dst(%dma_wait3A_1217 : memref<33x64xf32, #tpu.memory_space<hbm>>)
        tpu.yield
      }) : () -> ()
    } else {
    }
    return
  }
}

</mosaic_0001>

<sc_bundles>
// kernel: kernel.3.cloned.1.call-start
scs
__scs_entry_jumppad:
0x0: {  	(pc) =	sbr.rel $0x88, $3  }
0x1: {  	(tag) =	ssettag $0x0;
	lr =	simm.s32 $0x1  }
0x2: {  	[smem:$0x3FA0] =	sst lr;
	_ =	strace $0xD0000000  }
0x3: {  	_ = 	snop  }
0x4: {  	_ = 	snop  }
0x5: {  	_ = 	snop  }
0x6: {  	_ = 	snop  }
0x7: {  	_ = 	snop  }
__scs_overlays_trampoline_lowered:
0x8: {  	[smem:$0x3FAF] =	sst s0  }
0x9: {  	[smem:$0x3FB0] =	sst s1  }
0xa: {  	[smem:$0x3FB1] =	sst s2  }
0xb: {  	[smem:$0x3FB2] =	sst s3  }
0xc: {  	[smem:$0x3FB3] =	sst s4  }
0xd: {  	[smem:$0x3FB4] =	sst s5  }
0xe: {  	[smem:$0x3FB5] =	sst s6  }
0xf: {  	[smem:$0x3FB6] =	sst s7  }
0x10: {  	[smem:$0x3FB7] =	sst s8  }
0x11: {  	[smem:$0x3FB8] =	sst s9;
	s0 =	simm.s32 @!p0 $0x0  }
0x12: {  	s1 =	sld [smem:$0x3F9E];
	s0 =	simm.s32 @p0 $0x1  }
0x13: {  	[smem:$0x3FB9] =	sst s0;
	s0 =	simm.s32 @!p1 $0x0  }
0x14: {  	s2 =	sld [smem:$0x3F9D];
	s0 =	simm.s32 @p1 $0x1  }
0x15: {  	[smem:$0x3FBA] =	sst s0;
	s0 =	simm.s32 @!p2 $0x0  }
0x16: {  	s3 =	sld [smem:$0x3FDB];
	s0 =	simm.s32 @p2 $0x1  }
0x17: {  	s4 =	simm.s32 $0x1BF5;
	[smem:$0x3FBC] =	sst s0  }
0x18: {  	s0 =	sld [smem:$0x3F9F];
	_ =	swait.ge [sflag:s4], $0x0  }
0x19: {  	s7 =	sld [smem:$0x3FA0]  }
0x1a: {  	s8 =	sadd.s32 $0xFFFFE003, lr  }
0x1b: {  	s9 =	sadd.s32 $0xFFFFFEF7, lr;
	s5 =	simm.s32 $0xFFFFFFFF;
	p2 =	slt.u32 s8, $0xFFFFF086  }
0x1c: {  	p1 =	slt.u32 s9, $0xF7A;
	s5 =	simm.s32 @!p2 $0x0  }
0x1d: {  	s5 =	simm.s32 @p1 $0x1;
	p0 =	seq.s32 s7, s2  }
0x1e: {  	s7 =	smul.u32 @!p0 $0xF7A, s2;
	p2 =	seq.s32 @!p0 s5, $0x0  }
0x1f: {  	s9 =	smul.u32 $0xF7A, s1;
	s8 =	simm.s32 @!p0 $0x1BF5;
	p2 =	por !p2, p0  }
0x20: {  	[sflag:s8] =	ssyncset.s32 @!p0 $0xFFFFF086;
	s6 =	sadd.s32 @!p0 s3, s7;
	s7 =	simm.s32 @!p0 $0x108  }
0x21: {  	s3 =	sadd.s32 s3, s9;
	s6 =	sadd.s32 @!p0 $0x88, s6;
	s7 =	simm.s32 @p2 $0x1082  }
0x22: {  	[simem:s7], [sflag:s8] =	dma.local @!p0 [hbm:s6], $0xF7A  }
0x23: {  	s9 =	sor.u32 $0xD0000000, s2;
	s6 =	simm.s32 $0x108;
	_ =	swait.ge @!p0 [sflag:s8], $0x0  }
0x24: {  	s3 =	sadd.s32 $0x88, s3;
	s6 =	simm.s32 @!p1 $0x1082;
	[sflag:s4] =	ssyncset.s32 $0xFFFFF086  }
0x25: {  	[simem:s6], [sflag:s4] =	dma.local [hbm:s3], $0xF7A  }
0x26: {  	[smem:$0x3FA0] =	sst s1;
	(tag) =	ssettag s2;
	_ =	strace s9  }
0x27: {  	s1 =	sld [smem:$0x3FB0]  }
0x28: {  	s2 =	sld [smem:$0x3FB1]  }
0x29: {  	s4 =	sld [smem:$0x3FB3]  }
0x2a: {  	p0 =	seq.s32 s5, $0x0;
	s5 =	sld [smem:$0x3FB4]  }
0x2b: {  	s6 =	sld [smem:$0x3FB5]  }
0x2c: {  	s7 =	sld [smem:$0x3FB6]  }
0x2d: {  	s3 =	simm.s32 $0x108;
	s8 =	sld [smem:$0x3FB7]  }
0x2e: {  	s3 =	simm.s32 @!p0 $0x1082;
	s9 =	sld [smem:$0x3FB8]  }
0x2f: {  	lr =	sadd.s32 s0, s3;
	s0 =	sld [smem:$0x3FAF]  }
0x30: {  	s3 =	sld [smem:$0x3FB2]  }
0x31: {  	[smem:$0x3FBB] =	sst s10  }
0x32: {  	s10 =	sld [smem:$0x3FB9];
	_ =	sdelay $0x3  }
0x33: {  	p0 =	seq.s32 s10, $0x1;
	s10 =	sld [smem:$0x3FBB];
	_ =	sdelay $0x3  }
0x34: {  	[smem:$0x3FBB] =	sst s10  }
0x35: {  	s10 =	sld [smem:$0x3FBA];
	_ =	sdelay $0x3  }
0x36: {  	p1 =	seq.s32 s10, $0x1;
	s10 =	sld [smem:$0x3FBB];
	_ =	sdelay $0x3  }
0x37: {  	[smem:$0x3FBB] =	sst s10  }
0x38: {  	s10 =	sld [smem:$0x3FBC]  }
0x39: {  	_ = 	snop;
	(pc) =	sbr.ind lr, $3  }
0x3a: {  	_ = 	snop  }
0x3b: {  	_ = 	snop  }
0x3c: {  	p2 =	seq.s32 s10, $0x1;
	s10 =	sld [smem:$0x3FBB]  }
0x3d: {  	_ =	shalt  }
0x3e: {  	_ =	shalt  }
0x3f: {  	_ =	shalt  }
0x40: {  	_ =	shalt  }
0x41: {  	_ =	shalt  }
0x42: {  	_ =	shalt  }
0x43: {  	_ =	shalt  }
0x44: {  	_ =	shalt  }
0x45: {  	_ =	shalt  }
0x46: {  	_ =	shalt  }
0x47: {  	_ =	shalt  }
0x48: {  	_ =	shalt  }
0x49: {  	_ =	shalt  }
0x4a: {  	_ =	shalt  }
0x4b: {  	_ =	shalt  }
0x4c: {  	_ =	shalt  }
0x4d: {  	_ =	shalt  }
0x4e: {  	_ =	shalt  }
0x4f: {  	_ =	shalt  }
0x50: {  	_ =	shalt  }
0x51: {  	_ =	shalt  }
0x52: {  	_ =	shalt  }
0x53: {  	_ =	shalt  }
0x54: {  	_ =	shalt  }
0x55: {  	_ =	shalt  }
0x56: {  	_ =	shalt  }
0x57: {  	_ =	shalt  }
0x58: {  	_ =	shalt  }
0x59: {  	_ =	shalt  }
0x5a: {  	_ =	shalt  }
0x5b: {  	_ =	shalt  }
0x5c: {  	_ =	shalt  }
0x5d: {  	_ =	shalt  }
0x5e: {  	_ =	shalt  }
0x5f: {  	_ =	shalt  }
0x60: {  	_ =	shalt  }
0x61: {  	_ =	shalt  }
0x62: {  	_ =	shalt  }
0x63: {  	_ =	shalt  }
0x64: {  	_ =	shalt  }
0x65: {  	_ =	shalt  }
0x66: {  	_ =	shalt  }
0x67: {  	_ =	shalt  }
0x68: {  	_ =	shalt  }
0x69: {  	_ =	shalt  }
0x6a: {  	_ =	shalt  }
0x6b: {  	_ =	shalt  }
0x6c: {  	_ =	shalt  }
0x6d: {  	_ =	shalt  }
0x6e: {  	_ =	shalt  }
0x6f: {  	_ =	shalt  }
0x70: {  	_ =	shalt  }
0x71: {  	_ =	shalt  }
0x72: {  	_ =	shalt  }
0x73: {  	_ =	shalt  }
0x74: {  	_ =	shalt  }
0x75: {  	_ =	shalt  }
0x76: {  	_ =	shalt  }
0x77: {  	_ =	shalt  }
0x78: {  	_ =	shalt  }
0x79: {  	_ =	shalt  }
0x7a: {  	_ =	shalt  }
0x7b: {  	_ =	shalt  }
0x7c: {  	_ =	shalt  }
0x7d: {  	_ =	shalt  }
0x7e: {  	_ =	shalt  }
0x7f: {  	_ =	shalt  }
0x80: {  	_ =	shalt  }
0x81: {  	_ =	shalt  }
0x82: {  	_ =	shalt  }
0x83: {  	_ =	shalt  }
0x84: {  	_ =	shalt  }
0x85: {  	_ =	shalt  }
0x86: {  	_ =	shalt  }
0x87: {  	_ =	shalt  }
.Lfunc_end0:
.L_simem_size_0:
called_computation_lowered:
.L_overlay_start_0:
0x88: {  	s2 =	sld [smem:$0x3FD9]  }
0x89: {  	s3 =	sld [smem:$0x3FFE];
	_ =	sdelay $0x1  }
0x8a: {  	s1 =	srdreg.scid  }
0x8b: {  	s0 =	sand.u32 $0x1, s1  }
0x8c: {  	s17 =	sshll.u32 s0, $0xA;
	s2 =	sadd.s32 s3, s2  }
0x8d: {  	s2 =	sadd.s32 s2, s17  }
0x8e: {  	[smem:$0x3FC7] =	sst s2  }
0x8f: {  	_ = 	snop  }
0x90: {  	s2 =	sld [smem:$0x3FD0];
	(tm) =	ssettm $0x1  }
0x91: {  	s18 =	sld [smem:$0x3FFB];
	_ =	sdelay $0x3  }
0x92: {  	_ =	strace s18  }
0x93: {  	s3 =	sld [smem:$0x3FFC];
	_ =	sdelay $0x3  }
0x94: {  	_ =	strace s3  }
0x95: {  	s3 =	sld [smem:$0x3FFD];
	_ =	sdelay $0x3  }
0x96: {  	_ =	strace s3  }
0x97: {  	_ =	strace $0x8FFFFFFF  }
0x98: {  	s19 =	sld [smem:$0x3FDB];
	_ =	sdelay $0x1  }
0x99: {  	s4 =	simm.s32 $_scs_section_size  }
0x9a: {  	s5 =	simm.s32 $_size__tile_overlayer_lowered;
	s6 =	simm.s32 $_tile_overlayer_lowered  }
0x9b: {  	s22 =	simm.s32 $0x1BFF;
	s21 =	sshll.u32 s6, $0x1;
	s3 =	sadd.s32 s4, s19  }
0x9c: {  	s7 =	simm.s32 $0x0;
	s20 =	sshll.u32 s5, $0x1;
	s5 =	sadd.s32 s21, s3  }
0x9d: {  	[timem:s7], [sflag:s22] =	dma.local [hbm:s5], s20  }
0x9e: {  	_ =	swait.ge [sflag:s22], s20  }
0x9f: {  	s4 =	ssub.s32 $0x0, s20;
	[sflag:s22] =	ssyncset.done $0x0  }
0xa0: {  	[sflag:s22] =	ssyncadd.s32 s4;
	_ =	sdelay $0x1  }
0xa1: {  	s23 =	simm.s32 $0x1B8B  }
0xa2: {  	_ =	swait.ge [sflag:s23], $0x1  }
0xa3: {  	[sflag:s23] =	ssyncset.done $0x0  }
0xa4: {  	s25 =	simm.s32 $0x1B8E;
	s24 =	sld [smem:$0x3FFE];
	[sflag:s23] =	ssyncadd.s32 $0xFFFFFFFF  }
0xa5: {  	s26 =	simm.s32 $execute0_lowered;
	[smem:$0x3FD2] =	sst s25  }
0xa6: {  	s5 =	sshll.u32 s26, $0x1;
	_ =	strace $0x80000046;
	[dreg:$0x1] =	wrdreg $0xFFFFFFFF  }
0xa7: {  	s28 =	simm.s32 $_size_execute0_lowered;
	s3 =	sadd.s32 s3, s5;
	[dreg:$0x0] =	wrdreg $0x0  }
0xa8: {  	s5 =	sshll.u32 s28, $0x1;
	[dreg:$0x2] =	wrdreg s3  }
0xa9: {  	[dreg:$0x3] =	wrdreg s5  }
0xaa: {  	[dreg:$0x4] =	wrdreg $0xC0  }
0xab: {  	_ =	task [dreg:s7], $0x5FFFF  }
0xac: {  	[dreg:$0x1] =	wrdreg $0xFFFFFFFF  }
0xad: {  	[dreg:$0x0] =	wrdreg $0x60  }
0xae: {  	[dreg:$0x2] =	wrdreg s2  }
0xaf: {  	[dreg:$0x3] =	wrdreg s24  }
0xb0: {  	[dreg:$0x4] =	wrdreg $0x9  }
0xb1: {  	_ =	task.clear_ibuf [dreg:s7], $0x5FFFF;
	_ =	strace $0x90000046  }
0xb2: {  	s29 =	simm.s32 $0x9;
	_ =	strace $0x80000048  }
0xb3: {  	_ =	swait.ge [sflag:s29], $0x1  }
0xb4: {  	[sflag:s29] =	ssyncadd.s32 $0xFFFFFFFF  }
0xb5: {  	_ =	strace $0x90000048  }
0xb6: {  	_ =	sfence  }
0xb7: {  	s30 =	sld [smem:$0x0];
	_ =	sdelay $0x2  }
0xb8: {  	s31 =	sshll.u32 s1, $0xD;
	s1 =	sshrl.u32 s1, $0x2  }
0xb9: {  	s3 =	sand.u32 $0x4000, s31;
	s1 =	sadd.s32 s1, s30  }
0xba: {  	s0 =	sor.u32 s3, s0;
	s1 =	sshll.u32 s1, $0x11  }
0xbb: {  	s0 =	sor.u32 s1, s0  }
0xbc: {  	s0 =	sadd.s32 $0x8F2B, s0  }
0xbd: {  	[sflag:s0] =	ssyncadd.remote.s32 $0x1  }
0xbe: {  	_ =	sfence.sel $0xFFFF  }
0xbf: {  	[dreg:$0x0] =	wrdreg $0xFFFFFFFF;
	(pc) =	sbr.abs _section_cstart, $3  }
0xc0: {  	[dreg:$0x1] =	wrdreg $0xFFFFFFFF  }
0xc1: {  	_ =	task.clear_ibuf [dreg:s7], $0x2FFFF;
	_ =	strace $0x9FFFFFFF  }
0xc2: {  	(tm) =	ssettm $0x7FFFFFFF  }
0xc3: {  	_ =	shalt  }
tec
execute0_lowered:
.L_overlay_start_1:
0x0: {  	(tag) =	ssettag $0x1  }
0x1: {  	s3 =	rddreg [dreg:$0x0]  }
0x2: {  	s4 =	rddreg [dreg:$0x1]  }
0x3: {  	s1 =	srdreg.scid;
	s0 =	rddreg [dreg:$0x2]  }
0x4: {  	s2 =	simm.s32 $0x0;
	s5 =	sand.u32 $0x1, s1;
	s1 =	stileid.u32  }
0x5: {  	[smem:$0x7FF] =	sst s2;
	s8 =	smul.u32 $0x2800, s1  }
0x6: {  	s4 =	sadd.s32 $0x400, s4;
	s6 =	ssub.s32 $0x2, s5;
	s9 =	smul.u32 $0x500, s1  }
.Ltmp0:
0x7: {  	_ =	strace $0x80000047;
	s30 =	sshll.u32 s1, $0x9;
	(pc) =	sbr.rel .LBB2_1-.Ltmp0, $4  }
0x8: {  	p0 =	seq.s32 s5, $0x1;
	s7 =	sshrl.u32 s6, $0x1;
	s3 =	sadd.s32 s3, s30  }
0x9: {  	s7 =	ssub.s32 s6, s7;
	s8 =	sshrl.u32 s8, $0x3;
	s5 =	sadd.s32 $0x118, s3  }
0xa: {  	s31 =	sadd.s32 s4, s8;
	s4 =	sadd.s32 s4, s9;
	s7 =	smax.u32 s7, $0x1  }
0xb: {  	s8 =	simm.s32 $0x1;
	s9 =	simm.s32 $0x900;
	s6 =	sadd.s32 $0x280, s31  }
.LBB2_3:
0xc: {  	[tilespmem:s2], [sflag:$0x1] =	stream.linear.gather [hbm4b:s5+s2], $0x740, $0x38;
	[tilespmem:$0x1D00] =	vst v63  }
0xd: {  	_ =	swait.ge [sflag:s8], $0x740  }
0xe: {  	[sflag:s8] =	ssyncset.done $0x0  }
0xf: {  	[sflag:s8] =	ssyncadd.s32 $0xFFFFF8C0  }
0x10: {  	v0 =	vld [tilespmem:$0x0]  }
0x11: {  	v1 =	vld [tilespmem:$0x10]  }
0x12: {  	v2 =	vld [tilespmem:$0x20]  }
0x13: {  	v3 =	vld [tilespmem:$0x30]  }
0x14: {  	v4 =	vld [tilespmem:$0x38]  }
0x15: {  	v49 =	vld [tilespmem:$0x48];
	[tilespmem:$0x900] =	vst v0  }
0x16: {  	v50 =	vld [tilespmem:$0x58];
	[tilespmem:$0x910] =	vst v1  }
0x17: {  	v51 =	vld [tilespmem:$0x68];
	[tilespmem:$0x920] =	vst v2  }
0x18: {  	v52 =	vld [tilespmem:$0x70];
	[tilespmem:$0x930] =	vst v3  }
0x19: {  	v53 =	vld [tilespmem:$0x80];
	[tilespmem:$0x980] =	vst v4  }
0x1a: {  	v54 =	vld [tilespmem:$0x90];
	[tilespmem:$0x990] =	vst v49  }
0x1b: {  	v55 =	vld [tilespmem:$0xA0];
	[tilespmem:$0x9A0] =	vst v50  }
0x1c: {  	v56 =	vld [tilespmem:$0xA8];
	[tilespmem:$0x9B0] =	vst v51  }
0x1d: {  	v57 =	vld [tilespmem:$0xB8];
	[tilespmem:$0xA00] =	vst v52  }
0x1e: {  	v58 =	vld [tilespmem:$0xC8];
	[tilespmem:$0xA10] =	vst v53  }
0x1f: {  	v59 =	vld [tilespmem:$0xD8];
	[tilespmem:$0xA20] =	vst v54  }
0x20: {  	v60 =	vld [tilespmem:$0xE0];
	[tilespmem:$0xA30] =	vst v55  }
0x21: {  	v61 =	vld [tilespmem:$0xF0];
	[tilespmem:$0xA80] =	vst v56  }
0x22: {  	v62 =	vld [tilespmem:$0x100];
	[tilespmem:$0xA90] =	vst v57  }
0x23: {  	v63 =	vld [tilespmem:$0x110];
	[tilespmem:$0xAA0] =	vst v58  }
0x24: {  	v8 =	vld [tilespmem:$0x118];
	[tilespmem:$0xAB0] =	vst v59  }
0x25: {  	v9 =	vld [tilespmem:$0x128];
	[tilespmem:$0xB00] =	vst v60  }
0x26: {  	v10 =	vld [tilespmem:$0x138];
	[tilespmem:$0xB10] =	vst v61  }
0x27: {  	v11 =	vld [tilespmem:$0x148];
	[tilespmem:$0xB20] =	vst v62  }
0x28: {  	v12 =	vld [tilespmem:$0x150];
	[tilespmem:$0xB30] =	vst v63  }
0x29: {  	v13 =	vld [tilespmem:$0x160];
	[tilespmem:$0xB80] =	vst v8  }
0x2a: {  	v14 =	vld [tilespmem:$0x170];
	[tilespmem:$0xB90] =	vst v9  }
0x2b: {  	v15 =	vld [tilespmem:$0x180];
	[tilespmem:$0xBA0] =	vst v10  }
0x2c: {  	v16 =	vld [tilespmem:$0x188];
	[tilespmem:$0xBB0] =	vst v11  }
0x2d: {  	v17 =	vld [tilespmem:$0x198];
	[tilespmem:$0xC00] =	vst v12  }
0x2e: {  	v18 =	vld [tilespmem:$0x1A8];
	[tilespmem:$0xC10] =	vst v13  }
0x2f: {  	v19 =	vld [tilespmem:$0x1B8];
	[tilespmem:$0xC20] =	vst v14  }
0x30: {  	v20 =	vld [tilespmem:$0x1C0];
	[tilespmem:$0xC30] =	vst v15  }
0x31: {  	v21 =	vld [tilespmem:$0x1D0];
	[tilespmem:$0xC80] =	vst v16  }
0x32: {  	v22 =	vld [tilespmem:$0x1E0];
	[tilespmem:$0xC90] =	vst v17  }
0x33: {  	v23 =	vld [tilespmem:$0x1F0];
	[tilespmem:$0xCA0] =	vst v18  }
0x34: {  	v24 =	vld [tilespmem:$0x1F8];
	[tilespmem:$0xCB0] =	vst v19  }
0x35: {  	v25 =	vld [tilespmem:$0x208];
	[tilespmem:$0xD00] =	vst v20  }
0x36: {  	v26 =	vld [tilespmem:$0x218];
	[tilespmem:$0xD10] =	vst v21  }
0x37: {  	v27 =	vld [tilespmem:$0x228];
	[tilespmem:$0xD20] =	vst v22  }
0x38: {  	v28 =	vld [tilespmem:$0x230];
	[tilespmem:$0xD30] =	vst v23  }
0x39: {  	v29 =	vld [tilespmem:$0x240];
	[tilespmem:$0xD80] =	vst v24  }
0x3a: {  	v30 =	vld [tilespmem:$0x250];
	[tilespmem:$0xD90] =	vst v25  }
0x3b: {  	v31 =	vld [tilespmem:$0x260];
	[tilespmem:$0xDA0] =	vst v26  }
0x3c: {  	v32 =	vld [tilespmem:$0x268];
	[tilespmem:$0xDB0] =	vst v27  }
0x3d: {  	v33 =	vld [tilespmem:$0x278];
	[tilespmem:$0xE00] =	vst v28  }
0x3e: {  	v34 =	vld [tilespmem:$0x288];
	[tilespmem:$0xE10] =	vst v29  }
0x3f: {  	v35 =	vld [tilespmem:$0x298];
	[tilespmem:$0xE20] =	vst v30  }
0x40: {  	v36 =	vld [tilespmem:$0x2A0];
	[tilespmem:$0xE30] =	vst v31  }
0x41: {  	v37 =	vld [tilespmem:$0x2B0];
	[tilespmem:$0xE80] =	vst v32  }
0x42: {  	v38 =	vld [tilespmem:$0x2C0];
	[tilespmem:$0xE90] =	vst v33  }
0x43: {  	v39 =	vld [tilespmem:$0x2D0];
	[tilespmem:$0xEA0] =	vst v34  }
0x44: {  	v40 =	vld [tilespmem:$0x2D8];
	[tilespmem:$0xEB0] =	vst v35  }
0x45: {  	v41 =	vld [tilespmem:$0x2E8];
	[tilespmem:$0xF00] =	vst v36  }
0x46: {  	v42 =	vld [tilespmem:$0x2F8];
	[tilespmem:$0xF10] =	vst v37  }
0x47: {  	v43 =	vld [tilespmem:$0x308];
	[tilespmem:$0xF20] =	vst v38  }
0x48: {  	v44 =	vld [tilespmem:$0x310];
	[tilespmem:$0xF30] =	vst v39  }
0x49: {  	v45 =	vld [tilespmem:$0x320];
	[tilespmem:$0xF80] =	vst v40  }
0x4a: {  	v46 =	vld [tilespmem:$0x330];
	[tilespmem:$0xF90] =	vst v41  }
0x4b: {  	v47 =	vld [tilespmem:$0x340];
	[tilespmem:$0xFA0] =	vst v42  }
0x4c: {  	v48 =	vld [tilespmem:$0x348];
	[tilespmem:$0xFB0] =	vst v43  }
0x4d: {  	[tilespmem:$0x1000] =	vst v44;
	v49 =	vld [tilespmem:$0x358]  }
0x4e: {  	[tilespmem:$0x1010] =	vst v45;
	v50 =	vld [tilespmem:$0x368]  }
0x4f: {  	[tilespmem:$0x1020] =	vst v46;
	v51 =	vld [tilespmem:$0x378]  }
0x50: {  	[tilespmem:$0x1030] =	vst v47;
	v52 =	vld [tilespmem:$0x380]  }
0x51: {  	[tilespmem:$0x1080] =	vst v48;
	v53 =	vld [tilespmem:$0x390]  }
0x52: {  	v54 =	vld [tilespmem:$0x3A0];
	[tilespmem:$0x1090] =	vst v49  }
0x53: {  	v55 =	vld [tilespmem:$0x3B0];
	[tilespmem:$0x10A0] =	vst v50  }
0x54: {  	v56 =	vld [tilespmem:$0x3B8];
	[tilespmem:$0x10B0] =	vst v51  }
0x55: {  	v57 =	vld [tilespmem:$0x3C8];
	[tilespmem:$0x1100] =	vst v52  }
0x56: {  	v58 =	vld [tilespmem:$0x3D8];
	[tilespmem:$0x1110] =	vst v53  }
0x57: {  	v59 =	vld [tilespmem:$0x3E8];
	[tilespmem:$0x1120] =	vst v54  }
0x58: {  	v60 =	vld [tilespmem:$0x3F0];
	[tilespmem:$0x1130] =	vst v55  }
0x59: {  	v61 =	vld [tilespmem:$0x400];
	[tilespmem:$0x1180] =	vst v56  }
0x5a: {  	v62 =	vld [tilespmem:$0x410];
	[tilespmem:$0x1190] =	vst v57  }
0x5b: {  	v63 =	vld [tilespmem:$0x420];
	[tilespmem:$0x11A0] =	vst v58  }
0x5c: {  	v8 =	vld [tilespmem:$0x428];
	[tilespmem:$0x11B0] =	vst v59  }
0x5d: {  	v9 =	vld [tilespmem:$0x438];
	[tilespmem:$0x1200] =	vst v60  }
0x5e: {  	v10 =	vld [tilespmem:$0x448];
	[tilespmem:$0x1210] =	vst v61  }
0x5f: {  	v11 =	vld [tilespmem:$0x458];
	[tilespmem:$0x1220] =	vst v62  }
0x60: {  	v12 =	vld [tilespmem:$0x460];
	[tilespmem:$0x1230] =	vst v63  }
0x61: {  	v13 =	vld [tilespmem:$0x470];
	[tilespmem:$0x1280] =	vst v8  }
0x62: {  	v14 =	vld [tilespmem:$0x480];
	[tilespmem:$0x1290] =	vst v9  }
0x63: {  	v15 =	vld [tilespmem:$0x490];
	[tilespmem:$0x12A0] =	vst v10  }
0x64: {  	v16 =	vld [tilespmem:$0x498];
	[tilespmem:$0x12B0] =	vst v11  }
0x65: {  	v17 =	vld [tilespmem:$0x4A8];
	[tilespmem:$0x1300] =	vst v12  }
0x66: {  	v18 =	vld [tilespmem:$0x4B8];
	[tilespmem:$0x1310] =	vst v13  }
0x67: {  	v19 =	vld [tilespmem:$0x4C8];
	[tilespmem:$0x1320] =	vst v14  }
0x68: {  	v20 =	vld [tilespmem:$0x4D0];
	[tilespmem:$0x1330] =	vst v15  }
0x69: {  	v21 =	vld [tilespmem:$0x4E0];
	[tilespmem:$0x1380] =	vst v16  }
0x6a: {  	v22 =	vld [tilespmem:$0x4F0];
	[tilespmem:$0x1390] =	vst v17  }
0x6b: {  	v23 =	vld [tilespmem:$0x500];
	[tilespmem:$0x13A0] =	vst v18  }
0x6c: {  	v24 =	vld [tilespmem:$0x508];
	[tilespmem:$0x13B0] =	vst v19  }
0x6d: {  	v25 =	vld [tilespmem:$0x518];
	[tilespmem:$0x1400] =	vst v20  }
0x6e: {  	v26 =	vld [tilespmem:$0x528];
	[tilespmem:$0x1410] =	vst v21  }
0x6f: {  	v27 =	vld [tilespmem:$0x538];
	[tilespmem:$0x1420] =	vst v22  }
0x70: {  	v28 =	vld [tilespmem:$0x540];
	[tilespmem:$0x1430] =	vst v23  }
0x71: {  	v29 =	vld [tilespmem:$0x550];
	[tilespmem:$0x1480] =	vst v24  }
0x72: {  	v30 =	vld [tilespmem:$0x560];
	[tilespmem:$0x1490] =	vst v25  }
0x73: {  	v31 =	vld [tilespmem:$0x570];
	[tilespmem:$0x14A0] =	vst v26  }
0x74: {  	v32 =	vld [tilespmem:$0x578];
	[tilespmem:$0x14B0] =	vst v27  }
0x75: {  	v33 =	vld [tilespmem:$0x588];
	[tilespmem:$0x1500] =	vst v28  }
0x76: {  	v34 =	vld [tilespmem:$0x598];
	[tilespmem:$0x1510] =	vst v29  }
0x77: {  	v35 =	vld [tilespmem:$0x5A8];
	[tilespmem:$0x1520] =	vst v30  }
0x78: {  	v36 =	vld [tilespmem:$0x5B0];
	[tilespmem:$0x1530] =	vst v31  }
0x79: {  	v37 =	vld [tilespmem:$0x5C0];
	[tilespmem:$0x1580] =	vst v32  }
0x7a: {  	v38 =	vld [tilespmem:$0x5D0];
	[tilespmem:$0x1590] =	vst v33  }
0x7b: {  	v39 =	vld [tilespmem:$0x5E0];
	[tilespmem:$0x15A0] =	vst v34  }
0x7c: {  	v40 =	vld [tilespmem:$0x5E8];
	[tilespmem:$0x15B0] =	vst v35  }
0x7d: {  	v41 =	vld [tilespmem:$0x5F8];
	[tilespmem:$0x1600] =	vst v36  }
0x7e: {  	v42 =	vld [tilespmem:$0x608];
	[tilespmem:$0x1610] =	vst v37  }
0x7f: {  	v43 =	vld [tilespmem:$0x618];
	[tilespmem:$0x1620] =	vst v38  }
0x80: {  	v44 =	vld [tilespmem:$0x620];
	[tilespmem:$0x1630] =	vst v39  }
0x81: {  	v45 =	vld [tilespmem:$0x630];
	[tilespmem:$0x1680] =	vst v40  }
0x82: {  	v46 =	vld [tilespmem:$0x640];
	[tilespmem:$0x1690] =	vst v41  }
0x83: {  	v47 =	vld [tilespmem:$0x650];
	[tilespmem:$0x16A0] =	vst v42  }
0x84: {  	v48 =	vld [tilespmem:$0x658];
	[tilespmem:$0x16B0] =	vst v43  }
0x85: {  	[tilespmem:$0x1700] =	vst v44;
	v49 =	vld [tilespmem:$0x668]  }
0x86: {  	[tilespmem:$0x1710] =	vst v45;
	v50 =	vld [tilespmem:$0x678]  }
0x87: {  	[tilespmem:$0x1720] =	vst v46;
	v51 =	vld [tilespmem:$0x688]  }
0x88: {  	[tilespmem:$0x1730] =	vst v47;
	v52 =	vld [tilespmem:$0x690]  }
0x89: {  	[tilespmem:$0x1780] =	vst v48;
	v53 =	vld [tilespmem:$0x6A0]  }
0x8a: {  	v54 =	vld [tilespmem:$0x6B0];
	[tilespmem:$0x1790] =	vst v49  }
0x8b: {  	v55 =	vld [tilespmem:$0x6C0];
	[tilespmem:$0x17A0] =	vst v50  }
0x8c: {  	v56 =	vld [tilespmem:$0x6C8];
	[tilespmem:$0x17B0] =	vst v51  }
0x8d: {  	v57 =	vld [tilespmem:$0x6D8];
	[tilespmem:$0x1800] =	vst v52  }
0x8e: {  	v58 =	vld [tilespmem:$0x6E8];
	[tilespmem:$0x1810] =	vst v53  }
0x8f: {  	v59 =	vld [tilespmem:$0x6F8];
	[tilespmem:$0x1820] =	vst v54  }
0x90: {  	v60 =	vld [tilespmem:$0x700];
	[tilespmem:$0x1830] =	vst v55  }
0x91: {  	v61 =	vld [tilespmem:$0x710];
	[tilespmem:$0x1880] =	vst v56  }
0x92: {  	v62 =	vld [tilespmem:$0x720];
	[tilespmem:$0x1890] =	vst v57  }
0x93: {  	v63 =	vld [tilespmem:$0x730];
	[tilespmem:$0x18A0] =	vst v58  }
0x94: {  	[tilespmem:$0x18B0] =	vst v59  }
0x95: {  	[tilespmem:$0x1900] =	vst v60  }
0x96: {  	[tilespmem:$0x1910] =	vst v61  }
0x97: {  	[tilespmem:$0x1920] =	vst v62  }
0x98: {  	[tilespmem:$0x1930] =	vst v63  }
0x99: {  	[hbm4b:s6+s2] =	stream.linear.scatter [tilespmem:s9], [sflag:$0x1], $0x1080, $0x38;
	[tilespmem:$0x1D00] =	vst v63  }
0x9a: {  	_ =	swait.ge [sflag:s8], $0x1080  }
0x9b: {  	[sflag:s8] =	ssyncset.done $0x0  }
0x9c: {  	[sflag:s8] =	ssyncadd.s32 $0xFFFFEF80  }
.LBB2_4:
0x9d: {  	s7 =	sadd.s32 $0xFFFFFFFF, s7  }
0x9e: {  	p1 =	sne.s32 s7, $0x0  }
.Ltmp1:
0x9f: {  	_ = 	snop;
	(pc) =	sbr.rel @!p1 .LBB2_5-.Ltmp1, $1  }
0xa0: {  	_ =	sdelay $0x3  }
.LBB2_1:
.Ltmp2:
0xa1: {  	(pc) =	sbr.rel @p0 .LBB2_3-.Ltmp2, $1  }
0xa2: {  	_ =	sdelay $0x3  }
0xa3: {  	[tilespmem:s2], [sflag:$0x1] =	stream.linear.gather [hbm4b:s3+s2], $0x8C8, $0x38;
	[tilespmem:$0x1D00] =	vst v63  }
0xa4: {  	_ =	swait.ge [sflag:s8], $0x8C8  }
0xa5: {  	[sflag:s8] =	ssyncset.done $0x0  }
0xa6: {  	[sflag:s8] =	ssyncadd.s32 $0xFFFFF738  }
0xa7: {  	v0 =	vld [tilespmem:$0x0]  }
0xa8: {  	v1 =	vld [tilespmem:$0x10]  }
0xa9: {  	v2 =	vld [tilespmem:$0x20]  }
0xaa: {  	v3 =	vld [tilespmem:$0x30]  }
0xab: {  	v4 =	vld [tilespmem:$0x38]  }
0xac: {  	v21 =	vld [tilespmem:$0x48];
	[tilespmem:$0x900] =	vst v0  }
0xad: {  	v22 =	vld [tilespmem:$0x58];
	[tilespmem:$0x910] =	vst v1  }
0xae: {  	v23 =	vld [tilespmem:$0x68];
	[tilespmem:$0x920] =	vst v2  }
0xaf: {  	v24 =	vld [tilespmem:$0x70];
	[tilespmem:$0x930] =	vst v3  }
0xb0: {  	v25 =	vld [tilespmem:$0x80];
	[tilespmem:$0x980] =	vst v4  }
0xb1: {  	v26 =	vld [tilespmem:$0x90];
	[tilespmem:$0x990] =	vst v21  }
0xb2: {  	v27 =	vld [tilespmem:$0xA0];
	[tilespmem:$0x9A0] =	vst v22  }
0xb3: {  	v28 =	vld [tilespmem:$0xA8];
	[tilespmem:$0x9B0] =	vst v23  }
0xb4: {  	v29 =	vld [tilespmem:$0xB8];
	[tilespmem:$0xA00] =	vst v24  }
0xb5: {  	v30 =	vld [tilespmem:$0xC8];
	[tilespmem:$0xA10] =	vst v25  }
0xb6: {  	v31 =	vld [tilespmem:$0xD8];
	[tilespmem:$0xA20] =	vst v26  }
0xb7: {  	v32 =	vld [tilespmem:$0xE0];
	[tilespmem:$0xA30] =	vst v27  }
0xb8: {  	v33 =	vld [tilespmem:$0xF0];
	[tilespmem:$0xA80] =	vst v28  }
0xb9: {  	v34 =	vld [tilespmem:$0x100];
	[tilespmem:$0xA90] =	vst v29  }
0xba: {  	v35 =	vld [tilespmem:$0x110];
	[tilespmem:$0xAA0] =	vst v30  }
0xbb: {  	v36 =	vld [tilespmem:$0x118];
	[tilespmem:$0xAB0] =	vst v31  }
0xbc: {  	v37 =	vld [tilespmem:$0x128];
	[tilespmem:$0xB00] =	vst v32  }
0xbd: {  	v38 =	vld [tilespmem:$0x138];
	[tilespmem:$0xB10] =	vst v33  }
0xbe: {  	v39 =	vld [tilespmem:$0x148];
	[tilespmem:$0xB20] =	vst v34  }
0xbf: {  	v40 =	vld [tilespmem:$0x150];
	[tilespmem:$0xB30] =	vst v35  }
0xc0: {  	v41 =	vld [tilespmem:$0x160];
	[tilespmem:$0xB80] =	vst v36  }
0xc1: {  	v42 =	vld [tilespmem:$0x170];
	[tilespmem:$0xB90] =	vst v37  }
0xc2: {  	v43 =	vld [tilespmem:$0x180];
	[tilespmem:$0xBA0] =	vst v38  }
0xc3: {  	v44 =	vld [tilespmem:$0x188];
	[tilespmem:$0xBB0] =	vst v39  }
0xc4: {  	v45 =	vld [tilespmem:$0x198];
	[tilespmem:$0xC00] =	vst v40  }
0xc5: {  	v46 =	vld [tilespmem:$0x1A8];
	[tilespmem:$0xC10] =	vst v41  }
0xc6: {  	v47 =	vld [tilespmem:$0x1B8];
	[tilespmem:$0xC20] =	vst v42  }
0xc7: {  	v48 =	vld [tilespmem:$0x1C0];
	[tilespmem:$0xC30] =	vst v43  }
0xc8: {  	v49 =	vld [tilespmem:$0x1D0];
	[tilespmem:$0xC80] =	vst v44  }
0xc9: {  	v50 =	vld [tilespmem:$0x1E0];
	[tilespmem:$0xC90] =	vst v45  }
0xca: {  	v51 =	vld [tilespmem:$0x1F0];
	[tilespmem:$0xCA0] =	vst v46  }
0xcb: {  	v52 =	vld [tilespmem:$0x1F8];
	[tilespmem:$0xCB0] =	vst v47  }
0xcc: {  	v53 =	vld [tilespmem:$0x208];
	[tilespmem:$0xD00] =	vst v48  }
0xcd: {  	v54 =	vld [tilespmem:$0x218];
	[tilespmem:$0xD10] =	vst v49  }
0xce: {  	v55 =	vld [tilespmem:$0x228];
	[tilespmem:$0xD20] =	vst v50  }
0xcf: {  	v56 =	vld [tilespmem:$0x230];
	[tilespmem:$0xD30] =	vst v51  }
0xd0: {  	v57 =	vld [tilespmem:$0x240];
	[tilespmem:$0xD80] =	vst v52  }
0xd1: {  	v58 =	vld [tilespmem:$0x250];
	[tilespmem:$0xD90] =	vst v53  }
0xd2: {  	v59 =	vld [tilespmem:$0x260];
	[tilespmem:$0xDA0] =	vst v54  }
0xd3: {  	v60 =	vld [tilespmem:$0x268];
	[tilespmem:$0xDB0] =	vst v55  }
0xd4: {  	v61 =	vld [tilespmem:$0x278];
	[tilespmem:$0xE00] =	vst v56  }
0xd5: {  	v62 =	vld [tilespmem:$0x288];
	[tilespmem:$0xE10] =	vst v57  }
0xd6: {  	v63 =	vld [tilespmem:$0x298];
	[tilespmem:$0xE20] =	vst v58  }
0xd7: {  	v8 =	vld [tilespmem:$0x2A0];
	[tilespmem:$0xE30] =	vst v59  }
0xd8: {  	v9 =	vld [tilespmem:$0x2B0];
	[tilespmem:$0xE80] =	vst v60  }
0xd9: {  	v10 =	vld [tilespmem:$0x2C0];
	[tilespmem:$0xE90] =	vst v61  }
0xda: {  	v11 =	vld [tilespmem:$0x2D0];
	[tilespmem:$0xEA0] =	vst v62  }
0xdb: {  	v12 =	vld [tilespmem:$0x2D8];
	[tilespmem:$0xEB0] =	vst v63  }
0xdc: {  	v13 =	vld [tilespmem:$0x2E8];
	[tilespmem:$0xF00] =	vst v8  }
0xdd: {  	v14 =	vld [tilespmem:$0x2F8];
	[tilespmem:$0xF10] =	vst v9  }
0xde: {  	v15 =	vld [tilespmem:$0x308];
	[tilespmem:$0xF20] =	vst v10  }
0xdf: {  	v16 =	vld [tilespmem:$0x310];
	[tilespmem:$0xF30] =	vst v11  }
0xe0: {  	v17 =	vld [tilespmem:$0x320];
	[tilespmem:$0xF80] =	vst v12  }
0xe1: {  	v18 =	vld [tilespmem:$0x330];
	[tilespmem:$0xF90] =	vst v13  }
0xe2: {  	v19 =	vld [tilespmem:$0x340];
	[tilespmem:$0xFA0] =	vst v14  }
0xe3: {  	v20 =	vld [tilespmem:$0x348];
	[tilespmem:$0xFB0] =	vst v15  }
0xe4: {  	[tilespmem:$0x1000] =	vst v16;
	v21 =	vld [tilespmem:$0x358]  }
0xe5: {  	[tilespmem:$0x1010] =	vst v17;
	v22 =	vld [tilespmem:$0x368]  }
0xe6: {  	[tilespmem:$0x1020] =	vst v18;
	v23 =	vld [tilespmem:$0x378]  }
0xe7: {  	[tilespmem:$0x1030] =	vst v19;
	v24 =	vld [tilespmem:$0x380]  }
0xe8: {  	[tilespmem:$0x1080] =	vst v20;
	v25 =	vld [tilespmem:$0x390]  }
0xe9: {  	v26 =	vld [tilespmem:$0x3A0];
	[tilespmem:$0x1090] =	vst v21  }
0xea: {  	v27 =	vld [tilespmem:$0x3B0];
	[tilespmem:$0x10A0] =	vst v22  }
0xeb: {  	v28 =	vld [tilespmem:$0x3B8];
	[tilespmem:$0x10B0] =	vst v23  }
0xec: {  	v29 =	vld [tilespmem:$0x3C8];
	[tilespmem:$0x1100] =	vst v24  }
0xed: {  	v30 =	vld [tilespmem:$0x3D8];
	[tilespmem:$0x1110] =	vst v25  }
0xee: {  	v31 =	vld [tilespmem:$0x3E8];
	[tilespmem:$0x1120] =	vst v26  }
0xef: {  	v32 =	vld [tilespmem:$0x3F0];
	[tilespmem:$0x1130] =	vst v27  }
0xf0: {  	v33 =	vld [tilespmem:$0x400];
	[tilespmem:$0x1180] =	vst v28  }
0xf1: {  	v34 =	vld [tilespmem:$0x410];
	[tilespmem:$0x1190] =	vst v29  }
0xf2: {  	v35 =	vld [tilespmem:$0x420];
	[tilespmem:$0x11A0] =	vst v30  }
0xf3: {  	v36 =	vld [tilespmem:$0x428];
	[tilespmem:$0x11B0] =	vst v31  }
0xf4: {  	v37 =	vld [tilespmem:$0x438];
	[tilespmem:$0x1200] =	vst v32  }
0xf5: {  	v38 =	vld [tilespmem:$0x448];
	[tilespmem:$0x1210] =	vst v33  }
0xf6: {  	v39 =	vld [tilespmem:$0x458];
	[tilespmem:$0x1220] =	vst v34  }
0xf7: {  	v40 =	vld [tilespmem:$0x460];
	[tilespmem:$0x1230] =	vst v35  }
0xf8: {  	v41 =	vld [tilespmem:$0x470];
	[tilespmem:$0x1280] =	vst v36  }
0xf9: {  	v42 =	vld [tilespmem:$0x480];
	[tilespmem:$0x1290] =	vst v37  }
0xfa: {  	v43 =	vld [tilespmem:$0x490];
	[tilespmem:$0x12A0] =	vst v38  }
0xfb: {  	v44 =	vld [tilespmem:$0x498];
	[tilespmem:$0x12B0] =	vst v39  }
0xfc: {  	v45 =	vld [tilespmem:$0x4A8];
	[tilespmem:$0x1300] =	vst v40  }
0xfd: {  	v46 =	vld [tilespmem:$0x4B8];
	[tilespmem:$0x1310] =	vst v41  }
0xfe: {  	v47 =	vld [tilespmem:$0x4C8];
	[tilespmem:$0x1320] =	vst v42  }
0xff: {  	v48 =	vld [tilespmem:$0x4D0];
	[tilespmem:$0x1330] =	vst v43  }
0x100: {  	v49 =	vld [tilespmem:$0x4E0];
	[tilespmem:$0x1380] =	vst v44  }
0x101: {  	v50 =	vld [tilespmem:$0x4F0];
	[tilespmem:$0x1390] =	vst v45  }
0x102: {  	v51 =	vld [tilespmem:$0x500];
	[tilespmem:$0x13A0] =	vst v46  }
0x103: {  	v52 =	vld [tilespmem:$0x508];
	[tilespmem:$0x13B0] =	vst v47  }
0x104: {  	v53 =	vld [tilespmem:$0x518];
	[tilespmem:$0x1400] =	vst v48  }
0x105: {  	v54 =	vld [tilespmem:$0x528];
	[tilespmem:$0x1410] =	vst v49  }
0x106: {  	v55 =	vld [tilespmem:$0x538];
	[tilespmem:$0x1420] =	vst v50  }
0x107: {  	v56 =	vld [tilespmem:$0x540];
	[tilespmem:$0x1430] =	vst v51  }
0x108: {  	v57 =	vld [tilespmem:$0x550];
	[tilespmem:$0x1480] =	vst v52  }
0x109: {  	v58 =	vld [tilespmem:$0x560];
	[tilespmem:$0x1490] =	vst v53  }
0x10a: {  	v59 =	vld [tilespmem:$0x570];
	[tilespmem:$0x14A0] =	vst v54  }
0x10b: {  	v60 =	vld [tilespmem:$0x578];
	[tilespmem:$0x14B0] =	vst v55  }
0x10c: {  	v61 =	vld [tilespmem:$0x588];
	[tilespmem:$0x1500] =	vst v56  }
0x10d: {  	v62 =	vld [tilespmem:$0x598];
	[tilespmem:$0x1510] =	vst v57  }
0x10e: {  	v63 =	vld [tilespmem:$0x5A8];
	[tilespmem:$0x1520] =	vst v58  }
0x10f: {  	v8 =	vld [tilespmem:$0x5B0];
	[tilespmem:$0x1530] =	vst v59  }
0x110: {  	v9 =	vld [tilespmem:$0x5C0];
	[tilespmem:$0x1580] =	vst v60  }
0x111: {  	v10 =	vld [tilespmem:$0x5D0];
	[tilespmem:$0x1590] =	vst v61  }
0x112: {  	v11 =	vld [tilespmem:$0x5E0];
	[tilespmem:$0x15A0] =	vst v62  }
0x113: {  	v12 =	vld [tilespmem:$0x5E8];
	[tilespmem:$0x15B0] =	vst v63  }
0x114: {  	v13 =	vld [tilespmem:$0x5F8];
	[tilespmem:$0x1600] =	vst v8  }
0x115: {  	v14 =	vld [tilespmem:$0x608];
	[tilespmem:$0x1610] =	vst v9  }
0x116: {  	v15 =	vld [tilespmem:$0x618];
	[tilespmem:$0x1620] =	vst v10  }
0x117: {  	v16 =	vld [tilespmem:$0x620];
	[tilespmem:$0x1630] =	vst v11  }
0x118: {  	v17 =	vld [tilespmem:$0x630];
	[tilespmem:$0x1680] =	vst v12  }
0x119: {  	v18 =	vld [tilespmem:$0x640];
	[tilespmem:$0x1690] =	vst v13  }
0x11a: {  	v19 =	vld [tilespmem:$0x650];
	[tilespmem:$0x16A0] =	vst v14  }
0x11b: {  	v20 =	vld [tilespmem:$0x658];
	[tilespmem:$0x16B0] =	vst v15  }
0x11c: {  	[tilespmem:$0x1700] =	vst v16;
	v21 =	vld [tilespmem:$0x668]  }
0x11d: {  	[tilespmem:$0x1710] =	vst v17;
	v22 =	vld [tilespmem:$0x678]  }
0x11e: {  	[tilespmem:$0x1720] =	vst v18;
	v23 =	vld [tilespmem:$0x688]  }
0x11f: {  	[tilespmem:$0x1730] =	vst v19;
	v24 =	vld [tilespmem:$0x690]  }
0x120: {  	[tilespmem:$0x1780] =	vst v20;
	v25 =	vld [tilespmem:$0x6A0]  }
0x121: {  	v26 =	vld [tilespmem:$0x6B0];
	[tilespmem:$0x1790] =	vst v21  }
0x122: {  	v27 =	vld [tilespmem:$0x6C0];
	[tilespmem:$0x17A0] =	vst v22  }
0x123: {  	v28 =	vld [tilespmem:$0x6C8];
	[tilespmem:$0x17B0] =	vst v23  }
0x124: {  	v29 =	vld [tilespmem:$0x6D8];
	[tilespmem:$0x1800] =	vst v24  }
0x125: {  	v30 =	vld [tilespmem:$0x6E8];
	[tilespmem:$0x1810] =	vst v25  }
0x126: {  	v31 =	vld [tilespmem:$0x6F8];
	[tilespmem:$0x1820] =	vst v26  }
0x127: {  	v32 =	vld [tilespmem:$0x700];
	[tilespmem:$0x1830] =	vst v27  }
0x128: {  	v33 =	vld [tilespmem:$0x710];
	[tilespmem:$0x1880] =	vst v28  }
0x129: {  	v34 =	vld [tilespmem:$0x720];
	[tilespmem:$0x1890] =	vst v29  }
0x12a: {  	v35 =	vld [tilespmem:$0x730];
	[tilespmem:$0x18A0] =	vst v30  }
0x12b: {  	v36 =	vld [tilespmem:$0x738];
	[tilespmem:$0x18B0] =	vst v31  }
0x12c: {  	v37 =	vld [tilespmem:$0x748];
	[tilespmem:$0x1900] =	vst v32  }
0x12d: {  	v38 =	vld [tilespmem:$0x758];
	[tilespmem:$0x1910] =	vst v33  }
0x12e: {  	v39 =	vld [tilespmem:$0x768];
	[tilespmem:$0x1920] =	vst v34  }
0x12f: {  	v40 =	vld [tilespmem:$0x770];
	[tilespmem:$0x1930] =	vst v35  }
0x130: {  	v41 =	vld [tilespmem:$0x780];
	[tilespmem:$0x1980] =	vst v36  }
0x131: {  	v42 =	vld [tilespmem:$0x790];
	[tilespmem:$0x1990] =	vst v37  }
0x132: {  	v43 =	vld [tilespmem:$0x7A0];
	[tilespmem:$0x19A0] =	vst v38  }
0x133: {  	v44 =	vld [tilespmem:$0x7A8];
	[tilespmem:$0x19B0] =	vst v39  }
0x134: {  	v45 =	vld [tilespmem:$0x7B8];
	[tilespmem:$0x1A00] =	vst v40  }
0x135: {  	v46 =	vld [tilespmem:$0x7C8];
	[tilespmem:$0x1A10] =	vst v41  }
0x136: {  	v47 =	vld [tilespmem:$0x7D8];
	[tilespmem:$0x1A20] =	vst v42  }
0x137: {  	v48 =	vld [tilespmem:$0x7E0];
	[tilespmem:$0x1A30] =	vst v43  }
0x138: {  	v49 =	vld [tilespmem:$0x7F0];
	[tilespmem:$0x1A80] =	vst v44  }
0x139: {  	v50 =	vld [tilespmem:$0x800];
	[tilespmem:$0x1A90] =	vst v45  }
0x13a: {  	v51 =	vld [tilespmem:$0x810];
	[tilespmem:$0x1AA0] =	vst v46  }
0x13b: {  	v52 =	vld [tilespmem:$0x818];
	[tilespmem:$0x1AB0] =	vst v47  }
0x13c: {  	v53 =	vld [tilespmem:$0x828];
	[tilespmem:$0x1B00] =	vst v48  }
0x13d: {  	v54 =	vld [tilespmem:$0x838];
	[tilespmem:$0x1B10] =	vst v49  }
0x13e: {  	v55 =	vld [tilespmem:$0x848];
	[tilespmem:$0x1B20] =	vst v50  }
0x13f: {  	v56 =	vld [tilespmem:$0x850];
	[tilespmem:$0x1B30] =	vst v51  }
0x140: {  	v57 =	vld [tilespmem:$0x860];
	[tilespmem:$0x1B80] =	vst v52  }
0x141: {  	v58 =	vld [tilespmem:$0x870];
	[tilespmem:$0x1B90] =	vst v53  }
0x142: {  	v59 =	vld [tilespmem:$0x880];
	[tilespmem:$0x1BA0] =	vst v54  }
0x143: {  	v60 =	vld [tilespmem:$0x888];
	[tilespmem:$0x1BB0] =	vst v55  }
0x144: {  	v61 =	vld [tilespmem:$0x898];
	[tilespmem:$0x1C00] =	vst v56  }
0x145: {  	v62 =	vld [tilespmem:$0x8A8];
	[tilespmem:$0x1C10] =	vst v57  }
0x146: {  	v63 =	vld [tilespmem:$0x8B8];
	[tilespmem:$0x1C20] =	vst v58  }
0x147: {  	[tilespmem:$0x1C30] =	vst v59  }
0x148: {  	[tilespmem:$0x1C80] =	vst v60  }
0x149: {  	[tilespmem:$0x1C90] =	vst v61  }
0x14a: {  	[tilespmem:$0x1CA0] =	vst v62  }
.Ltmp3:
0x14b: {  	[tilespmem:$0x1CB0] =	vst v63;
	(pc) =	sbr.rel .LBB2_4-.Ltmp3, $4  }
0x14c: {  	[hbm4b:s4+s2] =	stream.linear.scatter [tilespmem:s9], [sflag:$0x1], $0x1400, $0x38;
	[tilespmem:$0x1D00] =	vst v63  }
0x14d: {  	_ =	swait.ge [sflag:s8], $0x1400  }
0x14e: {  	[sflag:s8] =	ssyncset.done $0x0  }
0x14f: {  	[sflag:s8] =	ssyncadd.s32 $0xFFFFEC00  }
.LBB2_5:
0x150: {  	_ =	sfence.sel $0x180000  }
0x151: {  	[bflag:$0x0] =	sbarrier.arrive $0xFFFF  }
0x152: {  	p0 =	sne.s32 s1, $0x0;
	_ =	strace $0x90000047  }
0x153: {  	s0 =	sadd.s32 @!p0 $0x100000, s0;
	[bflag:$0x2] =	sbarrier.arrive $0xFFFF  }
0x154: {  	[sflag:s0] =	ssyncadd.tile.s32 @!p0 $0x1;
	_ =	shalt  }
.Lfunc_end2:
_tile_overlayer_lowered:
.L_overlay_start_2:
0x155: {  	(tag) =	ssettag $0x2  }
0x156: {  	s0 =	rddreg [dreg:$0x0];
	s2 =	stileid.u32  }
0x157: {  	s1 =	rddreg [dreg:$0x1];
	p0 =	sne.s32 s2, $0x0  }
0x158: {  	s3 =	rddreg [dreg:$0x2];
	[bflag:$0x3] =	sbarrier.arrive $0xFFFF;
	s2 =	simm.s32 @!p0 $0x1C01  }
0x159: {  	[timem:s3], [sflag:s2] =	dma.local @!p0 [hbm:s0], s1  }
0x15a: {  	s0 =	simm.s32 @!p0 $0x1  }
0x15b: {  	_ =	swait.ge @!p0 [sflag:s0], s1  }
0x15c: {  	s1 =	ssub.s32 @!p0 $0x0, s1;
	[sflag:s0] =	ssyncset.done @!p0 $0x0  }
0x15d: {  	[sflag:s0] =	ssyncadd.s32 @!p0 s1  }
0x15e: {  	[bflag:$0x3] =	sbarrier.arrive $0xFFFF  }
0x15f: {  	_ =	shalt  }

</sc_bundles>
